<compile_context>
chip_gen: v7x
topology: tpu7x:2x2x1
jax: 0.10.2.dev20260603
libtpu: 0.0.44.dev20260713+nightly
codegen_flags: <defaults>
</compile_context>

<pallas_src>
import functools

import jax
import jax.numpy as jnp
from jax import lax
from jax.experimental import pallas as pl
from jax.experimental.pallas import tpu as pltpu
from jax.experimental.pallas import tpu_sc as plsc

_NC, _NS, _L = 2, 16, 16
_NW = _NC * _NS
_NSL = 8
_SW = 16


def _make_tri_gather(T, E, D, C):
    per_w = T // _NW
    n_chunks = per_w // C
    assert per_w * _NW == T and n_chunks * C == per_w and C % 8 == 0

    mesh = plsc.VectorSubcoreMesh(core_axis_name="c", subcore_axis_name="s")

    @functools.partial(
        pl.kernel,
        mesh=mesh,
        compiler_params=pltpu.CompilerParams(use_tc_tiling_on_sc=False),
        out_type=jax.ShapeDtypeStruct((_NSL, T, _SW), jnp.float32),
        scratch_types=[
            pltpu.VMEM((C,), jnp.int32),
            pltpu.VMEM((C,), jnp.int32),
            pltpu.VMEM((C,), jnp.int32),
            pltpu.VMEM((C, D), jnp.float32),
            pltpu.VMEM((C, D), jnp.float32),
            pltpu.VMEM((C, D), jnp.float32),
            pltpu.VMEM((_NSL, C, _SW), jnp.float32),
            pltpu.SemaphoreType.DMA,
        ],
    )
    def tri_gather(x_hbm, e0_hbm, e1_hbm, e2_hbm, t_hbm,
                   i0_v, i1_v, i2_v, g0_v, g1_v, g2_v, ts_v, sem):
        wid = lax.axis_index("s") * _NC + lax.axis_index("c")
        base = wid * per_w

        def chunk(j, carry):
            off = base + j * C
            pltpu.sync_copy(e0_hbm.at[pl.ds(off, C)], i0_v)
            pltpu.sync_copy(e1_hbm.at[pl.ds(off, C)], i1_v)
            pltpu.sync_copy(e2_hbm.at[pl.ds(off, C)], i2_v)
            cp0 = pltpu.async_copy(x_hbm.at[i0_v], g0_v, sem)
            cp1 = pltpu.async_copy(x_hbm.at[i1_v], g1_v, sem)
            cp2 = pltpu.async_copy(x_hbm.at[i2_v], g2_v, sem)
            cp0.wait()
            cp1.wait()
            cp2.wait()

            def row(r, c2):
                for l in range(D // _L):
                    sl = pl.ds(l * _L, _L)
                    ts_v[l, r, pl.ds(0, _SW)] = g0_v[r, sl] - g1_v[r, sl] + g2_v[r, sl]
                return c2

            lax.fori_loop(0, C, row, 0, unroll=False)
            for s in range(_NSL):
                pltpu.sync_copy(ts_v.at[s], t_hbm.at[s, pl.ds(off, C)])
            return carry

        lax.fori_loop(0, n_chunks, chunk, 0, unroll=False)

    return tri_gather


def _make_node_scatter(E, N, D, C):
    per_w = E // _NW
    n_chunks = per_w // C
    per_t = N // _NS
    assert per_w * _NW == E and n_chunks * C == per_w and C % 8 == 0
    assert per_t * _NS == N and per_t % 8 == 0
    DC = 128
    assert per_t % DC == 0
    n_dump = per_t // DC

    mesh = plsc.VectorSubcoreMesh(core_axis_name="c", subcore_axis_name="s")

    @functools.partial(
        pl.kernel,
        mesh=mesh,
        out_type=jax.ShapeDtypeStruct((_NC, N, D), jnp.float32),
        scratch_types=[
            pltpu.VMEM_SHARED((N, D), jnp.float32),
            pltpu.VMEM((C,), jnp.int32),
            pltpu.VMEM((C,), jnp.int32),
            pltpu.VMEM((C, D), jnp.float32),
            pltpu.VMEM((DC, D), jnp.float32),
            pltpu.SemaphoreType.DMA,
        ],
    )
    def node_scatter(x_hbm, src_hbm, dst_hbm, u_hbm, acc_sh, is_v, id_v, bx_v, db_v, sem):
        cid = lax.axis_index("c")
        tid = lax.axis_index("s")
        wid = tid * _NC + cid

        def zrow(r, c2):
            for l in range(D // _L):
                db_v[r, pl.ds(l * _L, _L)] = jnp.zeros((_L,), jnp.float32)
            return c2

        lax.fori_loop(0, DC, zrow, 0, unroll=False)

        def zchunk(q, c2):
            pltpu.sync_copy(db_v, acc_sh.at[pl.ds(tid * per_t + q * DC, DC)])
            return c2

        lax.fori_loop(0, n_dump, zchunk, 0, unroll=False)
        plsc.subcore_barrier()

        base = wid * per_w

        def chunk(j, carry):
            off = base + j * C
            pltpu.sync_copy(src_hbm.at[pl.ds(off, C)], is_v)
            pltpu.sync_copy(dst_hbm.at[pl.ds(off, C)], id_v)
            pltpu.async_copy(x_hbm.at[pl.ds(off, C)], bx_v, sem).wait()
            pltpu.sync_copy(bx_v, acc_sh.at[id_v], add=True)

            def nrow(r, c2):
                for l in range(D // _L):
                    sl = pl.ds(l * _L, _L)
                    bx_v[r, sl] = -bx_v[r, sl]
                return c2

            lax.fori_loop(0, C, nrow, 0, unroll=False)
            pltpu.sync_copy(bx_v, acc_sh.at[is_v], add=True)
            return carry

        lax.fori_loop(0, n_chunks, chunk, 0, unroll=False)
        plsc.subcore_barrier()

        def dump(q, c2):
            r0 = tid * per_t + q * DC
            pltpu.sync_copy(acc_sh.at[pl.ds(r0, DC)], db_v)
            pltpu.sync_copy(db_v, u_hbm.at[cid, pl.ds(r0, DC)])
            return c2

        lax.fori_loop(0, n_dump, dump, 0, unroll=False)

    return node_scatter


def _make_edge_gather(E, N, D, C):
    per_w = E // _NW
    n_chunks = per_w // C
    assert per_w * _NW == E and n_chunks * C == per_w and C % 8 == 0

    mesh = plsc.VectorSubcoreMesh(core_axis_name="c", subcore_axis_name="s")

    @functools.partial(
        pl.kernel,
        mesh=mesh,
        out_type=jax.ShapeDtypeStruct((E, D), jnp.float32),
        scratch_types=[
            pltpu.VMEM((C,), jnp.int32),
            pltpu.VMEM((C,), jnp.int32),
            pltpu.VMEM((C, D), jnp.float32),
            pltpu.VMEM((C, D), jnp.float32),
            pltpu.SemaphoreType.DMA,
        ],
    )
    def edge_gather(up_hbm, src_hbm, dst_hbm, z_hbm, is_v, id_v, gs_v, gd_v, sem):
        wid = lax.axis_index("s") * _NC + lax.axis_index("c")
        base = wid * per_w

        def chunk(j, carry):
            off = base + j * C
            pltpu.sync_copy(src_hbm.at[pl.ds(off, C)], is_v)
            pltpu.sync_copy(dst_hbm.at[pl.ds(off, C)], id_v)
            cps = pltpu.async_copy(up_hbm.at[is_v], gs_v, sem)
            cpd = pltpu.async_copy(up_hbm.at[id_v], gd_v, sem)
            cps.wait()
            cpd.wait()

            def row(r, c2):
                for l in range(D // _L):
                    sl = pl.ds(l * _L, _L)
                    gd_v[r, sl] = gd_v[r, sl] - gs_v[r, sl]
                return c2

            lax.fori_loop(0, C, row, 0, unroll=False)
            pltpu.sync_copy(gd_v, z_hbm.at[pl.ds(off, C)])
            return carry

        lax.fori_loop(0, n_chunks, chunk, 0, unroll=False)

    return edge_gather


def _make_tri_scatter(T, E_pad, D, P, C):
    n_pass = E_pad // P
    n_unit = n_pass * _NSL
    per_t = T // _NS
    n_chunks = per_t // C
    nv = C // _L
    pt_rows = P // _NS
    DC = 128
    assert n_pass * P == E_pad and n_unit % _NC == 0
    assert per_t * _NS == T and n_chunks * C == per_t and C % _L == 0
    assert nv * _L == C
    assert pt_rows * _NS == P and pt_rows % DC == 0
    n_dump = pt_rows // DC
    SACR = P

    mesh = plsc.VectorSubcoreMesh(core_axis_name="c", subcore_axis_name="s")

    @functools.partial(
        pl.kernel,
        mesh=mesh,
        compiler_params=pltpu.CompilerParams(use_tc_tiling_on_sc=False),
        out_type=jax.ShapeDtypeStruct((_NSL, E_pad, _SW), jnp.float32),
        scratch_types=[
            pltpu.VMEM_SHARED((P + 8, _SW), jnp.float32),
            pltpu.VMEM((C,), jnp.int32),
            pltpu.VMEM((C,), jnp.int32),
            pltpu.VMEM((C,), jnp.int32),
            pltpu.VMEM((C,), jnp.int32),
            pltpu.VMEM((C,), jnp.int32),
            pltpu.VMEM((C,), jnp.int32),
            pltpu.VMEM((C, _SW), jnp.float32),
            pltpu.VMEM((DC, _SW), jnp.float32),
            pltpu.VMEM((DC, _SW), jnp.float32),
            pltpu.SemaphoreType.DMA,
        ],
    )
    def tri_scatter(t_hbm, e0_hbm, e1_hbm, e2_hbm, z_hbm,
                    acc_sh, i0_v, i1_v, i2_v, c0_v, c1_v, c2_v, bt_v, zb_v, db_v, sem):
        cid = lax.axis_index("c")
        tid = lax.axis_index("s")
        tri0 = tid * per_t

        def zrow(r, c2):
            zb_v[r, pl.ds(0, _L)] = jnp.zeros((_L,), jnp.float32)
            return c2

        lax.fori_loop(0, DC, zrow, 0, unroll=False)

        def run_unit(uu, carry):
            u = uu * _NC + cid
            p = u // _NSL
            s = u - p * _NSL
            pass_base = p * P

            def zchunk(q, c2):
                pltpu.sync_copy(zb_v, acc_sh.at[pl.ds(tid * pt_rows + q * DC, DC)])
                return c2

            lax.fori_loop(0, n_dump, zchunk, 0, unroll=False)
            plsc.subcore_barrier()

            def chunk(j, carry2):
                off = tri0 + j * C

                def clamp_into(ie_v, cl_v):
                    def grp(g, c3):
                        sl = pl.ds(g * _L, _L)
                        e = ie_v[sl]
                        rel = e - jnp.full((_L,), pass_base, jnp.int32)
                        m = (rel >= jnp.full((_L,), 0, jnp.int32)) & (
                            rel < jnp.full((_L,), P, jnp.int32))
                        cl_v[sl] = jnp.where(m, rel, jnp.full((_L,), SACR, jnp.int32))
                        return c3

                    lax.fori_loop(0, nv, grp, 0, unroll=False)

                cpb = pltpu.async_copy(t_hbm.at[s, pl.ds(off, C)], bt_v, sem)
                cpi0 = pltpu.async_copy(e0_hbm.at[pl.ds(off, C)], i0_v, sem)
                cpi1 = pltpu.async_copy(e1_hbm.at[pl.ds(off, C)], i1_v, sem)
                cpi2 = pltpu.async_copy(e2_hbm.at[pl.ds(off, C)], i2_v, sem)
                cpi0.wait()
                clamp_into(i0_v, c0_v)
                cpi1.wait()
                clamp_into(i1_v, c1_v)
                cpi2.wait()
                clamp_into(i2_v, c2_v)
                cpb.wait()
                pltpu.sync_copy(bt_v, acc_sh.at[c0_v], add=True)
                pltpu.sync_copy(bt_v, acc_sh.at[c2_v], add=True)

                def nrow(q, c3):
                    for rr in range(8):
                        r = q * 8 + rr
                        bt_v[r, pl.ds(0, _L)] = -bt_v[r, pl.ds(0, _L)]
                    return c3

                lax.fori_loop(0, C // 8, nrow, 0, unroll=False)
                pltpu.sync_copy(bt_v, acc_sh.at[c1_v], add=True)
                return carry2

            lax.fori_loop(0, n_chunks, chunk, 0, unroll=False)
            plsc.subcore_barrier()

            def dump(q, c2):
                r0 = tid * pt_rows + q * DC
                pltpu.sync_copy(acc_sh.at[pl.ds(r0, DC)], db_v)
                pltpu.sync_copy(db_v, z_hbm.at[s, pl.ds(pass_base + r0, DC)])
                return c2

            lax.fori_loop(0, n_dump, dump, 0, unroll=False)
            plsc.subcore_barrier()
            return carry

        lax.fori_loop(0, n_unit // _NC, run_unit, 0, unroll=False)

    return tri_scatter


def _combine_body(z1_ref, x_ref, z3_ref, w2_ref, w1_ref, o_ref):
    acc = jnp.dot(x_ref[...], w1_ref[...], preferred_element_type=jnp.float32)
    for s in range(_NSL):
        acc += jnp.dot(z1_ref[s], w2_ref[s * _SW:(s + 1) * _SW, :],
                       preferred_element_type=jnp.float32)
    o_ref[...] = jnp.tanh(acc + z3_ref[...])


def kernel(x, edge_index, tri_index, weight_0, weight_1, weight_2):
    n_edges, d = x.shape
    n_tri = tri_index.shape[1]
    src, dst = edge_index[0], edge_index[1]
    e0, e1, e2 = tri_index[0], tri_index[1], tri_index[2]

    u2 = _make_node_scatter(n_edges, 10240, d, 200)(x, src, dst)
    up = (u2[0, :10000] + u2[1, :10000]) @ weight_0
    z3 = _make_edge_gather(n_edges, 10000, d, 200)(up, src, dst)

    t = _make_tri_gather(n_tri, n_edges, d, 200)(x, e0, e1, e2)
    z1 = _make_tri_scatter(n_tri, 331776, d, 110592, 400)(t, e0, e1, e2)

    blk = 640
    return pl.pallas_call(
        _combine_body,
        grid=(n_edges // blk,),
        in_specs=[
            pl.BlockSpec((_NSL, blk, _SW), lambda i: (0, i, 0)),
            pl.BlockSpec((blk, d), lambda i: (i, 0)),
            pl.BlockSpec((blk, d), lambda i: (i, 0)),
            pl.BlockSpec((d, d), lambda i: (0, 0)),
            pl.BlockSpec((d, d), lambda i: (0, 0)),
        ],
        out_specs=pl.BlockSpec((blk, d), lambda i: (i, 0)),
        out_shape=jax.ShapeDtypeStruct((n_edges, d), x.dtype),
    )(z1, x, z3, weight_2, weight_1)

# --- scband reference (transcript-rebuilt; emitter-appended) ---
"""Pipeline reference for scband-sco-ne-layer-20151986553302 (READ-ONLY COPY).

The authoritative reference and input builder live on the scoring server;
editing this copy changes nothing except your own understanding.
"""

import jax, jax.numpy as jnp
import numpy as np

N_NODES = 10000
N_EDGES = 320000
N_TRI = 160000
D_IN = 128
D_OUT = 128


def setup_inputs(seed: int = 0) -> dict:
    key = jax.random.key(seed)
    k1, k2, k3, k4, k5, k6 = jax.random.split(key, 6)
    x = jax.random.normal(k1, (N_EDGES, D_IN), dtype=jnp.float32)
    # incidence_1 (B1, [n_nodes, n_edges]) in COO-like form: each edge e has
    # src node (entry -1) and dst node (entry +1).
    edge_index = jax.random.randint(k2, (2, N_EDGES), 0, N_NODES, dtype=jnp.int32)
    # incidence_2 (B2, [n_edges, n_triangles]): each triangle t is bounded by
    # 3 edges with boundary signs (+1, -1, +1).
    tri_index = jax.random.randint(k3, (3, N_TRI), 0, N_EDGES, dtype=jnp.int32)
    # xavier_uniform init for the three weight matrices
    limit = float(np.sqrt(6.0 / (D_IN + D_OUT)))
    weight_0 = jax.random.uniform(k4, (D_IN, D_OUT), minval=-limit, maxval=limit, dtype=jnp.float32)
    weight_1 = jax.random.uniform(k5, (D_IN, D_OUT), minval=-limit, maxval=limit, dtype=jnp.float32)
    weight_2 = jax.random.uniform(k6, (D_IN, D_OUT), minval=-limit, maxval=limit, dtype=jnp.float32)
    return {"x": x, "edge_index": edge_index, "tri_index": tri_index,
            "weight_0": weight_0, "weight_1": weight_1, "weight_2": weight_2}


def _b1_apply(edge_index, v):
    # B1 @ v : [n_edges, d] -> [n_nodes, d]  (scatter-add by node)
    src, dst = edge_index[0], edge_index[1]
    out = jnp.zeros((N_NODES, v.shape[1]), dtype=v.dtype)
    out = out.at[src].add(-v)
    out = out.at[dst].add(v)
    return out


def _b1t_apply(edge_index, u):
    # B1^T @ u : [n_nodes, d] -> [n_edges, d]  (gather by edge endpoints)
    src, dst = edge_index[0], edge_index[1]
    return jnp.take(u, dst, axis=0) - jnp.take(u, src, axis=0)


def _b2t_apply(tri_index, v):
    # B2^T @ v : [n_edges, d] -> [n_tri, d]  (gather by triangle boundary edges)
    e0, e1, e2 = tri_index[0], tri_index[1], tri_index[2]
    return jnp.take(v, e0, axis=0) - jnp.take(v, e1, axis=0) + jnp.take(v, e2, axis=0)


def _b2_apply(tri_index, t):
    # B2 @ t : [n_tri, d] -> [n_edges, d]  (scatter-add by edge)
    e0, e1, e2 = tri_index[0], tri_index[1], tri_index[2]
    out = jnp.zeros((N_EDGES, t.shape[1]), dtype=t.dtype)
    out = out.at[e0].add(t)
    out = out.at[e1].add(-t)
    out = out.at[e2].add(t)
    return out


def reference(x, edge_index, tri_index, weight_0, weight_1, weight_2):
    # z1 = (B2 @ B2^T @ x) @ W2   (up-Laplacian term)
    z1 = _b2_apply(tri_index, _b2t_apply(tri_index, x)) @ weight_2
    # z2 = x @ W1                 (identity term)
    z2 = x @ weight_1
    # z3 = (B1^T @ B1 @ x) @ W0   (down-Laplacian term)
    z3 = _b1t_apply(edge_index, _b1_apply(edge_index, x)) @ weight_0
    # Aggregation('sum', 'tanh'): elementwise sum of messages then tanh update
    return jnp.tanh(z1 + z2 + z3)

if __name__ == "__main__":
    import jax
    _d = setup_inputs()
    print(jax.jit(kernel)(*tuple(_d.values())))

</pallas_src>

<mosaic_0001>
#map = affine_map<(d0, d1) -> (0, 0)>
#map1 = affine_map<(d0, d1) -> (0)>
#map2 = affine_map<(d0, d1) -> (0, 0, 0)>
module attributes {stable_mosaic.version = 14 : i64} {
  func.func @tri_gather(%arg0: i32, %arg1: i32, %arg2: memref<320000x128xf32, #tpu.memory_space<hbm>>, %arg3: memref<160000xi32, #tpu.memory_space<hbm>>, %arg4: memref<160000xi32, #tpu.memory_space<hbm>>, %arg5: memref<160000xi32, #tpu.memory_space<hbm>>, %arg6: memref<8x160000x16xf32, #tpu.memory_space<hbm>>, %arg7: memref<200xi32, #tpu.memory_space<vmem>>, %arg8: memref<200xi32, #tpu.memory_space<vmem>>, %arg9: memref<200xi32, #tpu.memory_space<vmem>>, %arg10: memref<200x128xf32, #tpu.memory_space<vmem>>, %arg11: memref<200x128xf32, #tpu.memory_space<vmem>>, %arg12: memref<200x128xf32, #tpu.memory_space<vmem>>, %arg13: memref<8x200x16xf32, #tpu.memory_space<vmem>>, %arg14: memref<!tpu.dma_semaphore, #tpu.memory_space<semaphore_mem>>) attributes {dimension_semantics = [#tpu.dimension_semantics<core_parallel>, #tpu.dimension_semantics<subcore_parallel>], iteration_bounds = array<i64: 2, 16>, scalar_prefetch = 0 : i64, scratch_operands = 8 : i64, tpu.core_type = #tpu.core_type<sc_vector_subcore>, window_params = [{transform_indices = #map}, {transform_indices = #map1}, {transform_indices = #map1}, {transform_indices = #map1}, {transform_indices = #map2}]} {
    %mul3A = arith.constant 2 : i32
    %mul3A_0 = arith.muli %arg1, %mul3A : i32
    %add3A = arith.addi %mul3A_0, %arg0 : i32
    %mul3A_1 = arith.constant 5000 : i32
    %mul3A_2 = arith.muli %add3A, %mul3A_1 : i32
    %scan3A = arith.constant 0 : i32
    %scan3A_3 = arith.constant 0 : i32
    %scan3A_4 = arith.constant 25 : i32
    %scan3A_5 = arith.addi %scan3A_3, %scan3A_4 : i32
    %scan3A_6 = arith.constant 1 : i32
    scf.for %scan3A_8 = %scan3A_3 to %scan3A_5 step %scan3A_6  : i32 {
      %mul3A_9 = arith.constant 200 : i32
      %mul3A_10 = arith.muli %scan3A_8, %mul3A_9 : i32
      %add3A_11 = arith.addi %mul3A_2, %mul3A_10 : i32
      "tpu.region"() ({
        %run_scoped3A_49 = tpu.sem_alloc : memref<!tpu.dma_semaphore, #tpu.memory_space<semaphore_mem>>
        %dma_start3A_50 = tpu.memref_slice %arg3[%add3A_11] : memref<160000xi32, #tpu.memory_space<hbm>> -> memref<200xi32, #tpu.memory_space<hbm>>
        %dma_start3A_51 = tpu.memref_slice %arg3[%add3A_11] : memref<160000xi32, #tpu.memory_space<hbm>> -> memref<200xi32, #tpu.memory_space<hbm>>
        tpu.enqueue_dma source(%dma_start3A_51 : memref<200xi32, #tpu.memory_space<hbm>>) target(%arg7 : memref<200xi32, #tpu.memory_space<vmem>>) target_semaphore(%run_scoped3A_49 : memref<!tpu.dma_semaphore, #tpu.memory_space<semaphore_mem>>)
        %dma_wait3A_52 = tpu.memref_slice %arg3[%add3A_11] : memref<160000xi32, #tpu.memory_space<hbm>> -> memref<200xi32, #tpu.memory_space<hbm>>
        %dma_wait3A_53 = tpu.memref_slice %arg3[%add3A_11] : memref<160000xi32, #tpu.memory_space<hbm>> -> memref<200xi32, #tpu.memory_space<hbm>>
        tpu.wait_dma2 semaphore(%run_scoped3A_49 : memref<!tpu.dma_semaphore, #tpu.memory_space<semaphore_mem>>) src(%dma_wait3A_53 : memref<200xi32, #tpu.memory_space<hbm>>) dst(%arg7 : memref<200xi32, #tpu.memory_space<vmem>>)
        tpu.yield
      }) : () -> ()
      "tpu.region"() ({
        %run_scoped3A_49 = tpu.sem_alloc : memref<!tpu.dma_semaphore, #tpu.memory_space<semaphore_mem>>
        %dma_start3A_50 = tpu.memref_slice %arg4[%add3A_11] : memref<160000xi32, #tpu.memory_space<hbm>> -> memref<200xi32, #tpu.memory_space<hbm>>
        %dma_start3A_51 = tpu.memref_slice %arg4[%add3A_11] : memref<160000xi32, #tpu.memory_space<hbm>> -> memref<200xi32, #tpu.memory_space<hbm>>
        tpu.enqueue_dma source(%dma_start3A_51 : memref<200xi32, #tpu.memory_space<hbm>>) target(%arg8 : memref<200xi32, #tpu.memory_space<vmem>>) target_semaphore(%run_scoped3A_49 : memref<!tpu.dma_semaphore, #tpu.memory_space<semaphore_mem>>)
        %dma_wait3A_52 = tpu.memref_slice %arg4[%add3A_11] : memref<160000xi32, #tpu.memory_space<hbm>> -> memref<200xi32, #tpu.memory_space<hbm>>
        %dma_wait3A_53 = tpu.memref_slice %arg4[%add3A_11] : memref<160000xi32, #tpu.memory_space<hbm>> -> memref<200xi32, #tpu.memory_space<hbm>>
        tpu.wait_dma2 semaphore(%run_scoped3A_49 : memref<!tpu.dma_semaphore, #tpu.memory_space<semaphore_mem>>) src(%dma_wait3A_53 : memref<200xi32, #tpu.memory_space<hbm>>) dst(%arg8 : memref<200xi32, #tpu.memory_space<vmem>>)
        tpu.yield
      }) : () -> ()
      "tpu.region"() ({
        %run_scoped3A_49 = tpu.sem_alloc : memref<!tpu.dma_semaphore, #tpu.memory_space<semaphore_mem>>
        %dma_start3A_50 = tpu.memref_slice %arg5[%add3A_11] : memref<160000xi32, #tpu.memory_space<hbm>> -> memref<200xi32, #tpu.memory_space<hbm>>
        %dma_start3A_51 = tpu.memref_slice %arg5[%add3A_11] : memref<160000xi32, #tpu.memory_space<hbm>> -> memref<200xi32, #tpu.memory_space<hbm>>
        tpu.enqueue_dma source(%dma_start3A_51 : memref<200xi32, #tpu.memory_space<hbm>>) target(%arg9 : memref<200xi32, #tpu.memory_space<vmem>>) target_semaphore(%run_scoped3A_49 : memref<!tpu.dma_semaphore, #tpu.memory_space<semaphore_mem>>)
        %dma_wait3A_52 = tpu.memref_slice %arg5[%add3A_11] : memref<160000xi32, #tpu.memory_space<hbm>> -> memref<200xi32, #tpu.memory_space<hbm>>
        %dma_wait3A_53 = tpu.memref_slice %arg5[%add3A_11] : memref<160000xi32, #tpu.memory_space<hbm>> -> memref<200xi32, #tpu.memory_space<hbm>>
        tpu.wait_dma2 semaphore(%run_scoped3A_49 : memref<!tpu.dma_semaphore, #tpu.memory_space<semaphore_mem>>) src(%dma_wait3A_53 : memref<200xi32, #tpu.memory_space<hbm>>) dst(%arg9 : memref<200xi32, #tpu.memory_space<vmem>>)
        tpu.yield
      }) : () -> ()
      %dma_start3A = arith.constant 0 : i32
      %dma_start3A_12 = arith.constant 0 : i32
      %dma_start3A_13 = tpu.memref_slice %arg2[%dma_start3A, %dma_start3A_12] : memref<320000x128xf32, #tpu.memory_space<hbm>> -> memref<320000x128xf32, #tpu.memory_space<hbm>>
      tpu.enqueue_indirect_dma source(%dma_start3A_13 : memref<320000x128xf32, #tpu.memory_space<hbm>>) target(%arg10 : memref<200x128xf32, #tpu.memory_space<vmem>>) offsets(%arg7 : memref<200xi32, #tpu.memory_space<vmem>>) semaphore(%arg14 : memref<!tpu.dma_semaphore, #tpu.memory_space<semaphore_mem>>)
      %dma_start3A_14 = arith.constant 0 : i32
      %dma_start3A_15 = arith.constant 0 : i32
      %dma_start3A_16 = tpu.memref_slice %arg2[%dma_start3A_14, %dma_start3A_15] : memref<320000x128xf32, #tpu.memory_space<hbm>> -> memref<320000x128xf32, #tpu.memory_space<hbm>>
      tpu.enqueue_indirect_dma source(%dma_start3A_16 : memref<320000x128xf32, #tpu.memory_space<hbm>>) target(%arg11 : memref<200x128xf32, #tpu.memory_space<vmem>>) offsets(%arg8 : memref<200xi32, #tpu.memory_space<vmem>>) semaphore(%arg14 : memref<!tpu.dma_semaphore, #tpu.memory_space<semaphore_mem>>)
      %dma_start3A_17 = arith.constant 0 : i32
      %dma_start3A_18 = arith.constant 0 : i32
      %dma_start3A_19 = tpu.memref_slice %arg2[%dma_start3A_17, %dma_start3A_18] : memref<320000x128xf32, #tpu.memory_space<hbm>> -> memref<320000x128xf32, #tpu.memory_space<hbm>>
      tpu.enqueue_indirect_dma source(%dma_start3A_19 : memref<320000x128xf32, #tpu.memory_space<hbm>>) target(%arg12 : memref<200x128xf32, #tpu.memory_space<vmem>>) offsets(%arg9 : memref<200xi32, #tpu.memory_space<vmem>>) semaphore(%arg14 : memref<!tpu.dma_semaphore, #tpu.memory_space<semaphore_mem>>)
      %dma_wait3A = arith.constant 0 : i32
      %dma_wait3A_20 = arith.constant 0 : i32
      %dma_wait3A_21 = tpu.memref_slice %arg2[%dma_wait3A, %dma_wait3A_20] : memref<320000x128xf32, #tpu.memory_space<hbm>> -> memref<320000x128xf32, #tpu.memory_space<hbm>>
      tpu.wait_indirect_dma semaphore(%arg14 : memref<!tpu.dma_semaphore, #tpu.memory_space<semaphore_mem>>) src(%dma_wait3A_21 : memref<320000x128xf32, #tpu.memory_space<hbm>>) dst(%arg10 : memref<200x128xf32, #tpu.memory_space<vmem>>)
      %dma_wait3A_22 = arith.constant 0 : i32
      %dma_wait3A_23 = arith.constant 0 : i32
      %dma_wait3A_24 = tpu.memref_slice %arg2[%dma_wait3A_22, %dma_wait3A_23] : memref<320000x128xf32, #tpu.memory_space<hbm>> -> memref<320000x128xf32, #tpu.memory_space<hbm>>
      tpu.wait_indirect_dma semaphore(%arg14 : memref<!tpu.dma_semaphore, #tpu.memory_space<semaphore_mem>>) src(%dma_wait3A_24 : memref<320000x128xf32, #tpu.memory_space<hbm>>) dst(%arg11 : memref<200x128xf32, #tpu.memory_space<vmem>>)
      %dma_wait3A_25 = arith.constant 0 : i32
      %dma_wait3A_26 = arith.constant 0 : i32
      %dma_wait3A_27 = tpu.memref_slice %arg2[%dma_wait3A_25, %dma_wait3A_26] : memref<320000x128xf32, #tpu.memory_space<hbm>> -> memref<320000x128xf32, #tpu.memory_space<hbm>>
      tpu.wait_indirect_dma semaphore(%arg14 : memref<!tpu.dma_semaphore, #tpu.memory_space<semaphore_mem>>) src(%dma_wait3A_27 : memref<320000x128xf32, #tpu.memory_space<hbm>>) dst(%arg12 : memref<200x128xf32, #tpu.memory_space<vmem>>)
      %scan3A_28 = arith.constant 0 : i32
      %scan3A_29 = arith.constant 0 : i32
      %scan3A_30 = arith.constant 200 : i32
      %scan3A_31 = arith.addi %scan3A_29, %scan3A_30 : i32
      %scan3A_32 = arith.constant 1 : i32
      scf.for %scan3A_49 = %scan3A_29 to %scan3A_31 step %scan3A_32  : i32 {
        %get3A = arith.index_cast %scan3A_49 : i32 to index
        %get3A_50 = arith.constant 0 : index
        %get3A_51 = tpu.vector_load %arg10[%get3A, %get3A_50] {strides = array<i32>} : memref<200x128xf32, #tpu.memory_space<vmem>>, vector<1x16xf32>,
        %get3A_52 = vector.shape_cast %get3A_51 : vector<1x16xf32> to vector<16xf32>
        %get3A_53 = arith.index_cast %scan3A_49 : i32 to index
        %get3A_54 = arith.constant 0 : index
        %get3A_55 = tpu.vector_load %arg11[%get3A_53, %get3A_54] {strides = array<i32>} : memref<200x128xf32, #tpu.memory_space<vmem>>, vector<1x16xf32>,
        %get3A_56 = vector.shape_cast %get3A_55 : vector<1x16xf32> to vector<16xf32>
        %sub3A = arith.subf %get3A_52, %get3A_56 : vector<16xf32>
        %get3A_57 = arith.index_cast %scan3A_49 : i32 to index
        %get3A_58 = arith.constant 0 : index
        %get3A_59 = tpu.vector_load %arg12[%get3A_57, %get3A_58] {strides = array<i32>} : memref<200x128xf32, #tpu.memory_space<vmem>>, vector<1x16xf32>,
        %get3A_60 = vector.shape_cast %get3A_59 : vector<1x16xf32> to vector<16xf32>
        %add3A_61 = arith.addf %sub3A, %get3A_60 : vector<16xf32>
        %swap3A = arith.constant 0 : i32
        %swap3A_62 = arith.index_cast %swap3A : i32 to index
        %swap3A_63 = arith.index_cast %scan3A_49 : i32 to index
        %swap3A_64 = arith.constant 0 : index
        %swap3A_65 = tpu.vector_load %arg13[%swap3A_62, %swap3A_63, %swap3A_64] {strides = array<i32>} : memref<8x200x16xf32, #tpu.memory_space<vmem>>, vector<1x1x16xf32>,
        %swap3A_66 = vector.shape_cast %swap3A_65 : vector<1x1x16xf32> to vector<16xf32>
        %swap3A_67 = vector.shape_cast %add3A_61 : vector<16xf32> to vector<1x1x16xf32>
        tpu.vector_store %arg13[%swap3A_62, %swap3A_63, %swap3A_64], %swap3A_67 {strides = array<i32>} : memref<8x200x16xf32, #tpu.memory_space<vmem>>, vector<1x1x16xf32>,
        %get3A_68 = arith.index_cast %scan3A_49 : i32 to index
        %get3A_69 = arith.constant 16 : index
        %get3A_70 = tpu.vector_load %arg10[%get3A_68, %get3A_69] {strides = array<i32>} : memref<200x128xf32, #tpu.memory_space<vmem>>, vector<1x16xf32>,
        %get3A_71 = vector.shape_cast %get3A_70 : vector<1x16xf32> to vector<16xf32>
        %get3A_72 = arith.index_cast %scan3A_49 : i32 to index
        %get3A_73 = arith.constant 16 : index
        %get3A_74 = tpu.vector_load %arg11[%get3A_72, %get3A_73] {strides = array<i32>} : memref<200x128xf32, #tpu.memory_space<vmem>>, vector<1x16xf32>,
        %get3A_75 = vector.shape_cast %get3A_74 : vector<1x16xf32> to vector<16xf32>
        %sub3A_76 = arith.subf %get3A_71, %get3A_75 : vector<16xf32>
        %get3A_77 = arith.index_cast %scan3A_49 : i32 to index
        %get3A_78 = arith.constant 16 : index
        %get3A_79 = tpu.vector_load %arg12[%get3A_77, %get3A_78] {strides = array<i32>} : memref<200x128xf32, #tpu.memory_space<vmem>>, vector<1x16xf32>,
        %get3A_80 = vector.shape_cast %get3A_79 : vector<1x16xf32> to vector<16xf32>
        %add3A_81 = arith.addf %sub3A_76, %get3A_80 : vector<16xf32>
        %swap3A_82 = arith.constant 1 : i32
        %swap3A_83 = arith.index_cast %swap3A_82 : i32 to index
        %swap3A_84 = arith.index_cast %scan3A_49 : i32 to index
        %swap3A_85 = arith.constant 0 : index
        %swap3A_86 = tpu.vector_load %arg13[%swap3A_83, %swap3A_84, %swap3A_85] {strides = array<i32>} : memref<8x200x16xf32, #tpu.memory_space<vmem>>, vector<1x1x16xf32>,
        %swap3A_87 = vector.shape_cast %swap3A_86 : vector<1x1x16xf32> to vector<16xf32>
        %swap3A_88 = vector.shape_cast %add3A_81 : vector<16xf32> to vector<1x1x16xf32>
        tpu.vector_store %arg13[%swap3A_83, %swap3A_84, %swap3A_85], %swap3A_88 {strides = array<i32>} : memref<8x200x16xf32, #tpu.memory_space<vmem>>, vector<1x1x16xf32>,
        %get3A_89 = arith.index_cast %scan3A_49 : i32 to index
        %get3A_90 = arith.constant 32 : index
        %get3A_91 = tpu.vector_load %arg10[%get3A_89, %get3A_90] {strides = array<i32>} : memref<200x128xf32, #tpu.memory_space<vmem>>, vector<1x16xf32>,
        %get3A_92 = vector.shape_cast %get3A_91 : vector<1x16xf32> to vector<16xf32>
        %get3A_93 = arith.index_cast %scan3A_49 : i32 to index
        %get3A_94 = arith.constant 32 : index
        %get3A_95 = tpu.vector_load %arg11[%get3A_93, %get3A_94] {strides = array<i32>} : memref<200x128xf32, #tpu.memory_space<vmem>>, vector<1x16xf32>,
        %get3A_96 = vector.shape_cast %get3A_95 : vector<1x16xf32> to vector<16xf32>
        %sub3A_97 = arith.subf %get3A_92, %get3A_96 : vector<16xf32>
        %get3A_98 = arith.index_cast %scan3A_49 : i32 to index
        %get3A_99 = arith.constant 32 : index
        %get3A_100 = tpu.vector_load %arg12[%get3A_98, %get3A_99] {strides = array<i32>} : memref<200x128xf32, #tpu.memory_space<vmem>>, vector<1x16xf32>,
        %get3A_101 = vector.shape_cast %get3A_100 : vector<1x16xf32> to vector<16xf32>
        %add3A_102 = arith.addf %sub3A_97, %get3A_101 : vector<16xf32>
        %swap3A_103 = arith.constant 2 : i32
        %swap3A_104 = arith.index_cast %swap3A_103 : i32 to index
        %swap3A_105 = arith.index_cast %scan3A_49 : i32 to index
        %swap3A_106 = arith.constant 0 : index
        %swap3A_107 = tpu.vector_load %arg13[%swap3A_104, %swap3A_105, %swap3A_106] {strides = array<i32>} : memref<8x200x16xf32, #tpu.memory_space<vmem>>, vector<1x1x16xf32>,
        %swap3A_108 = vector.shape_cast %swap3A_107 : vector<1x1x16xf32> to vector<16xf32>
        %swap3A_109 = vector.shape_cast %add3A_102 : vector<16xf32> to vector<1x1x16xf32>
        tpu.vector_store %arg13[%swap3A_104, %swap3A_105, %swap3A_106], %swap3A_109 {strides = array<i32>} : memref<8x200x16xf32, #tpu.memory_space<vmem>>, vector<1x1x16xf32>,
        %get3A_110 = arith.index_cast %scan3A_49 : i32 to index
        %get3A_111 = arith.constant 48 : index
        %get3A_112 = tpu.vector_load %arg10[%get3A_110, %get3A_111] {strides = array<i32>} : memref<200x128xf32, #tpu.memory_space<vmem>>, vector<1x16xf32>,
        %get3A_113 = vector.shape_cast %get3A_112 : vector<1x16xf32> to vector<16xf32>
        %get3A_114 = arith.index_cast %scan3A_49 : i32 to index
        %get3A_115 = arith.constant 48 : index
        %get3A_116 = tpu.vector_load %arg11[%get3A_114, %get3A_115] {strides = array<i32>} : memref<200x128xf32, #tpu.memory_space<vmem>>, vector<1x16xf32>,
        %get3A_117 = vector.shape_cast %get3A_116 : vector<1x16xf32> to vector<16xf32>
        %sub3A_118 = arith.subf %get3A_113, %get3A_117 : vector<16xf32>
        %get3A_119 = arith.index_cast %scan3A_49 : i32 to index
        %get3A_120 = arith.constant 48 : index
        %get3A_121 = tpu.vector_load %arg12[%get3A_119, %get3A_120] {strides = array<i32>} : memref<200x128xf32, #tpu.memory_space<vmem>>, vector<1x16xf32>,
        %get3A_122 = vector.shape_cast %get3A_121 : vector<1x16xf32> to vector<16xf32>
        %add3A_123 = arith.addf %sub3A_118, %get3A_122 : vector<16xf32>
        %swap3A_124 = arith.constant 3 : i32
        %swap3A_125 = arith.index_cast %swap3A_124 : i32 to index
        %swap3A_126 = arith.index_cast %scan3A_49 : i32 to index
        %swap3A_127 = arith.constant 0 : index
        %swap3A_128 = tpu.vector_load %arg13[%swap3A_125, %swap3A_126, %swap3A_127] {strides = array<i32>} : memref<8x200x16xf32, #tpu.memory_space<vmem>>, vector<1x1x16xf32>,
        %swap3A_129 = vector.shape_cast %swap3A_128 : vector<1x1x16xf32> to vector<16xf32>
        %swap3A_130 = vector.shape_cast %add3A_123 : vector<16xf32> to vector<1x1x16xf32>
        tpu.vector_store %arg13[%swap3A_125, %swap3A_126, %swap3A_127], %swap3A_130 {strides = array<i32>} : memref<8x200x16xf32, #tpu.memory_space<vmem>>, vector<1x1x16xf32>,
        %get3A_131 = arith.index_cast %scan3A_49 : i32 to index
        %get3A_132 = arith.constant 64 : index
        %get3A_133 = tpu.vector_load %arg10[%get3A_131, %get3A_132] {strides = array<i32>} : memref<200x128xf32, #tpu.memory_space<vmem>>, vector<1x16xf32>,
        %get3A_134 = vector.shape_cast %get3A_133 : vector<1x16xf32> to vector<16xf32>
        %get3A_135 = arith.index_cast %scan3A_49 : i32 to index
        %get3A_136 = arith.constant 64 : index
        %get3A_137 = tpu.vector_load %arg11[%get3A_135, %get3A_136] {strides = array<i32>} : memref<200x128xf32, #tpu.memory_space<vmem>>, vector<1x16xf32>,
        %get3A_138 = vector.shape_cast %get3A_137 : vector<1x16xf32> to vector<16xf32>
        %sub3A_139 = arith.subf %get3A_134, %get3A_138 : vector<16xf32>
        %get3A_140 = arith.index_cast %scan3A_49 : i32 to index
        %get3A_141 = arith.constant 64 : index
        %get3A_142 = tpu.vector_load %arg12[%get3A_140, %get3A_141] {strides = array<i32>} : memref<200x128xf32, #tpu.memory_space<vmem>>, vector<1x16xf32>,
        %get3A_143 = vector.shape_cast %get3A_142 : vector<1x16xf32> to vector<16xf32>
        %add3A_144 = arith.addf %sub3A_139, %get3A_143 : vector<16xf32>
        %swap3A_145 = arith.constant 4 : i32
        %swap3A_146 = arith.index_cast %swap3A_145 : i32 to index
        %swap3A_147 = arith.index_cast %scan3A_49 : i32 to index
        %swap3A_148 = arith.constant 0 : index
        %swap3A_149 = tpu.vector_load %arg13[%swap3A_146, %swap3A_147, %swap3A_148] {strides = array<i32>} : memref<8x200x16xf32, #tpu.memory_space<vmem>>, vector<1x1x16xf32>,
        %swap3A_150 = vector.shape_cast %swap3A_149 : vector<1x1x16xf32> to vector<16xf32>
        %swap3A_151 = vector.shape_cast %add3A_144 : vector<16xf32> to vector<1x1x16xf32>
        tpu.vector_store %arg13[%swap3A_146, %swap3A_147, %swap3A_148], %swap3A_151 {strides = array<i32>} : memref<8x200x16xf32, #tpu.memory_space<vmem>>, vector<1x1x16xf32>,
        %get3A_152 = arith.index_cast %scan3A_49 : i32 to index
        %get3A_153 = arith.constant 80 : index
        %get3A_154 = tpu.vector_load %arg10[%get3A_152, %get3A_153] {strides = array<i32>} : memref<200x128xf32, #tpu.memory_space<vmem>>, vector<1x16xf32>,
        %get3A_155 = vector.shape_cast %get3A_154 : vector<1x16xf32> to vector<16xf32>
        %get3A_156 = arith.index_cast %scan3A_49 : i32 to index
        %get3A_157 = arith.constant 80 : index
        %get3A_158 = tpu.vector_load %arg11[%get3A_156, %get3A_157] {strides = array<i32>} : memref<200x128xf32, #tpu.memory_space<vmem>>, vector<1x16xf32>,
        %get3A_159 = vector.shape_cast %get3A_158 : vector<1x16xf32> to vector<16xf32>
        %sub3A_160 = arith.subf %get3A_155, %get3A_159 : vector<16xf32>
        %get3A_161 = arith.index_cast %scan3A_49 : i32 to index
        %get3A_162 = arith.constant 80 : index
        %get3A_163 = tpu.vector_load %arg12[%get3A_161, %get3A_162] {strides = array<i32>} : memref<200x128xf32, #tpu.memory_space<vmem>>, vector<1x16xf32>,
        %get3A_164 = vector.shape_cast %get3A_163 : vector<1x16xf32> to vector<16xf32>
        %add3A_165 = arith.addf %sub3A_160, %get3A_164 : vector<16xf32>
        %swap3A_166 = arith.constant 5 : i32
        %swap3A_167 = arith.index_cast %swap3A_166 : i32 to index
        %swap3A_168 = arith.index_cast %scan3A_49 : i32 to index
        %swap3A_169 = arith.constant 0 : index
        %swap3A_170 = tpu.vector_load %arg13[%swap3A_167, %swap3A_168, %swap3A_169] {strides = array<i32>} : memref<8x200x16xf32, #tpu.memory_space<vmem>>, vector<1x1x16xf32>,
        %swap3A_171 = vector.shape_cast %swap3A_170 : vector<1x1x16xf32> to vector<16xf32>
        %swap3A_172 = vector.shape_cast %add3A_165 : vector<16xf32> to vector<1x1x16xf32>
        tpu.vector_store %arg13[%swap3A_167, %swap3A_168, %swap3A_169], %swap3A_172 {strides = array<i32>} : memref<8x200x16xf32, #tpu.memory_space<vmem>>, vector<1x1x16xf32>,
        %get3A_173 = arith.index_cast %scan3A_49 : i32 to index
        %get3A_174 = arith.constant 96 : index
        %get3A_175 = tpu.vector_load %arg10[%get3A_173, %get3A_174] {strides = array<i32>} : memref<200x128xf32, #tpu.memory_space<vmem>>, vector<1x16xf32>,
        %get3A_176 = vector.shape_cast %get3A_175 : vector<1x16xf32> to vector<16xf32>
        %get3A_177 = arith.index_cast %scan3A_49 : i32 to index
        %get3A_178 = arith.constant 96 : index
        %get3A_179 = tpu.vector_load %arg11[%get3A_177, %get3A_178] {strides = array<i32>} : memref<200x128xf32, #tpu.memory_space<vmem>>, vector<1x16xf32>,
        %get3A_180 = vector.shape_cast %get3A_179 : vector<1x16xf32> to vector<16xf32>
        %sub3A_181 = arith.subf %get3A_176, %get3A_180 : vector<16xf32>
        %get3A_182 = arith.index_cast %scan3A_49 : i32 to index
        %get3A_183 = arith.constant 96 : index
        %get3A_184 = tpu.vector_load %arg12[%get3A_182, %get3A_183] {strides = array<i32>} : memref<200x128xf32, #tpu.memory_space<vmem>>, vector<1x16xf32>,
        %get3A_185 = vector.shape_cast %get3A_184 : vector<1x16xf32> to vector<16xf32>
        %add3A_186 = arith.addf %sub3A_181, %get3A_185 : vector<16xf32>
        %swap3A_187 = arith.constant 6 : i32
        %swap3A_188 = arith.index_cast %swap3A_187 : i32 to index
        %swap3A_189 = arith.index_cast %scan3A_49 : i32 to index
        %swap3A_190 = arith.constant 0 : index
        %swap3A_191 = tpu.vector_load %arg13[%swap3A_188, %swap3A_189, %swap3A_190] {strides = array<i32>} : memref<8x200x16xf32, #tpu.memory_space<vmem>>, vector<1x1x16xf32>,
        %swap3A_192 = vector.shape_cast %swap3A_191 : vector<1x1x16xf32> to vector<16xf32>
        %swap3A_193 = vector.shape_cast %add3A_186 : vector<16xf32> to vector<1x1x16xf32>
        tpu.vector_store %arg13[%swap3A_188, %swap3A_189, %swap3A_190], %swap3A_193 {strides = array<i32>} : memref<8x200x16xf32, #tpu.memory_space<vmem>>, vector<1x1x16xf32>,
        %get3A_194 = arith.index_cast %scan3A_49 : i32 to index
        %get3A_195 = arith.constant 112 : index
        %get3A_196 = tpu.vector_load %arg10[%get3A_194, %get3A_195] {strides = array<i32>} : memref<200x128xf32, #tpu.memory_space<vmem>>, vector<1x16xf32>,
        %get3A_197 = vector.shape_cast %get3A_196 : vector<1x16xf32> to vector<16xf32>
        %get3A_198 = arith.index_cast %scan3A_49 : i32 to index
        %get3A_199 = arith.constant 112 : index
        %get3A_200 = tpu.vector_load %arg11[%get3A_198, %get3A_199] {strides = array<i32>} : memref<200x128xf32, #tpu.memory_space<vmem>>, vector<1x16xf32>,
        %get3A_201 = vector.shape_cast %get3A_200 : vector<1x16xf32> to vector<16xf32>
        %sub3A_202 = arith.subf %get3A_197, %get3A_201 : vector<16xf32>
        %get3A_203 = arith.index_cast %scan3A_49 : i32 to index
        %get3A_204 = arith.constant 112 : index
        %get3A_205 = tpu.vector_load %arg12[%get3A_203, %get3A_204] {strides = array<i32>} : memref<200x128xf32, #tpu.memory_space<vmem>>, vector<1x16xf32>,
        %get3A_206 = vector.shape_cast %get3A_205 : vector<1x16xf32> to vector<16xf32>
        %add3A_207 = arith.addf %sub3A_202, %get3A_206 : vector<16xf32>
        %swap3A_208 = arith.constant 7 : i32
        %swap3A_209 = arith.index_cast %swap3A_208 : i32 to index
        %swap3A_210 = arith.index_cast %scan3A_49 : i32 to index
        %swap3A_211 = arith.constant 0 : index
        %swap3A_212 = tpu.vector_load %arg13[%swap3A_209, %swap3A_210, %swap3A_211] {strides = array<i32>} : memref<8x200x16xf32, #tpu.memory_space<vmem>>, vector<1x1x16xf32>,
        %swap3A_213 = vector.shape_cast %swap3A_212 : vector<1x1x16xf32> to vector<16xf32>
        %swap3A_214 = vector.shape_cast %add3A_207 : vector<16xf32> to vector<1x1x16xf32>
        tpu.vector_store %arg13[%swap3A_209, %swap3A_210, %swap3A_211], %swap3A_214 {strides = array<i32>} : memref<8x200x16xf32, #tpu.memory_space<vmem>>, vector<1x1x16xf32>,
      }
      %scan3A_33 = arith.constant 200 : i32
      %run_scoped3A = arith.constant 0 : i32
      %run_scoped3A_34 = arith.constant 0 : i32
      "tpu.region"() ({
        %run_scoped3A_49 = tpu.sem_alloc : memref<!tpu.dma_semaphore, #tpu.memory_space<semaphore_mem>>
        %dma_start3A_50 = arith.constant 0 : i32
        %dma_start3A_51 = arith.constant 0 : i32
        %dma_start3A_52 = tpu.memref_slice %arg13[%run_scoped3A, %dma_start3A_50, %dma_start3A_51] : memref<8x200x16xf32, #tpu.memory_space<vmem>> -> memref<1x200x16xf32, #tpu.memory_space<vmem>>
        %dma_start3A_53 = tpu.memref_squeeze %dma_start3A_52 : memref<1x200x16xf32, #tpu.memory_space<vmem>> -> memref<200x16xf32, #tpu.memory_space<vmem>>
        %dma_start3A_54 = arith.constant 0 : i32
        %dma_start3A_55 = tpu.memref_slice %arg6[%run_scoped3A_34, %add3A_11, %dma_start3A_54] : memref<8x160000x16xf32, #tpu.memory_space<hbm>> -> memref<1x200x16xf32, #tpu.memory_space<hbm>>
        %dma_start3A_56 = tpu.memref_squeeze %dma_start3A_55 : memref<1x200x16xf32, #tpu.memory_space<hbm>> -> memref<200x16xf32, #tpu.memory_space<hbm>>
        %dma_start3A_57 = arith.constant 0 : i32
        %dma_start3A_58 = tpu.memref_slice %arg6[%run_scoped3A_34, %add3A_11, %dma_start3A_57] : memref<8x160000x16xf32, #tpu.memory_space<hbm>> -> memref<1x200x16xf32, #tpu.memory_space<hbm>>
        %dma_start3A_59 = tpu.memref_squeeze %dma_start3A_58 : memref<1x200x16xf32, #tpu.memory_space<hbm>> -> memref<200x16xf32, #tpu.memory_space<hbm>>
        %dma_start3A_60 = arith.constant 0 : i32
        %dma_start3A_61 = arith.constant 0 : i32
        %dma_start3A_62 = tpu.memref_slice %arg13[%run_scoped3A, %dma_start3A_60, %dma_start3A_61] : memref<8x200x16xf32, #tpu.memory_space<vmem>> -> memref<1x200x16xf32, #tpu.memory_space<vmem>>
        %dma_start3A_63 = tpu.memref_squeeze %dma_start3A_62 : memref<1x200x16xf32, #tpu.memory_space<vmem>> -> memref<200x16xf32, #tpu.memory_space<vmem>>
        tpu.enqueue_dma source(%dma_start3A_63 : memref<200x16xf32, #tpu.memory_space<vmem>>) target(%dma_start3A_59 : memref<200x16xf32, #tpu.memory_space<hbm>>) target_semaphore(%run_scoped3A_49 : memref<!tpu.dma_semaphore, #tpu.memory_space<semaphore_mem>>)
        %dma_wait3A_64 = arith.constant 0 : i32
        %dma_wait3A_65 = arith.constant 0 : i32
        %dma_wait3A_66 = tpu.memref_slice %arg13[%run_scoped3A, %dma_wait3A_64, %dma_wait3A_65] : memref<8x200x16xf32, #tpu.memory_space<vmem>> -> memref<1x200x16xf32, #tpu.memory_space<vmem>>
        %dma_wait3A_67 = tpu.memref_squeeze %dma_wait3A_66 : memref<1x200x16xf32, #tpu.memory_space<vmem>> -> memref<200x16xf32, #tpu.memory_space<vmem>>
        %dma_wait3A_68 = arith.constant 0 : i32
        %dma_wait3A_69 = tpu.memref_slice %arg6[%run_scoped3A_34, %add3A_11, %dma_wait3A_68] : memref<8x160000x16xf32, #tpu.memory_space<hbm>> -> memref<1x200x16xf32, #tpu.memory_space<hbm>>
        %dma_wait3A_70 = tpu.memref_squeeze %dma_wait3A_69 : memref<1x200x16xf32, #tpu.memory_space<hbm>> -> memref<200x16xf32, #tpu.memory_space<hbm>>
        %dma_wait3A_71 = arith.constant 0 : i32
        %dma_wait3A_72 = tpu.memref_slice %arg6[%run_scoped3A_34, %add3A_11, %dma_wait3A_71] : memref<8x160000x16xf32, #tpu.memory_space<hbm>> -> memref<1x200x16xf32, #tpu.memory_space<hbm>>
        %dma_wait3A_73 = tpu.memref_squeeze %dma_wait3A_72 : memref<1x200x16xf32, #tpu.memory_space<hbm>> -> memref<200x16xf32, #tpu.memory_space<hbm>>
        %dma_wait3A_74 = arith.constant 0 : i32
        %dma_wait3A_75 = arith.constant 0 : i32
        %dma_wait3A_76 = tpu.memref_slice %arg13[%run_scoped3A, %dma_wait3A_74, %dma_wait3A_75] : memref<8x200x16xf32, #tpu.memory_space<vmem>> -> memref<1x200x16xf32, #tpu.memory_space<vmem>>
        %dma_wait3A_77 = tpu.memref_squeeze %dma_wait3A_76 : memref<1x200x16xf32, #tpu.memory_space<vmem>> -> memref<200x16xf32, #tpu.memory_space<vmem>>
        tpu.wait_dma2 semaphore(%run_scoped3A_49 : memref<!tpu.dma_semaphore, #tpu.memory_space<semaphore_mem>>) src(%dma_wait3A_77 : memref<200x16xf32, #tpu.memory_space<vmem>>) dst(%dma_wait3A_73 : memref<200x16xf32, #tpu.memory_space<hbm>>)
        tpu.yield
      }) : () -> ()
      %run_scoped3A_35 = arith.constant 1 : i32
      %run_scoped3A_36 = arith.constant 1 : i32
      "tpu.region"() ({
        %run_scoped3A_49 = tpu.sem_alloc : memref<!tpu.dma_semaphore, #tpu.memory_space<semaphore_mem>>
        %dma_start3A_50 = arith.constant 0 : i32
        %dma_start3A_51 = arith.constant 0 : i32
        %dma_start3A_52 = tpu.memref_slice %arg13[%run_scoped3A_35, %dma_start3A_50, %dma_start3A_51] : memref<8x200x16xf32, #tpu.memory_space<vmem>> -> memref<1x200x16xf32, #tpu.memory_space<vmem>>
        %dma_start3A_53 = tpu.memref_squeeze %dma_start3A_52 : memref<1x200x16xf32, #tpu.memory_space<vmem>> -> memref<200x16xf32, #tpu.memory_space<vmem>>
        %dma_start3A_54 = arith.constant 0 : i32
        %dma_start3A_55 = tpu.memref_slice %arg6[%run_scoped3A_36, %add3A_11, %dma_start3A_54] : memref<8x160000x16xf32, #tpu.memory_space<hbm>> -> memref<1x200x16xf32, #tpu.memory_space<hbm>>
        %dma_start3A_56 = tpu.memref_squeeze %dma_start3A_55 : memref<1x200x16xf32, #tpu.memory_space<hbm>> -> memref<200x16xf32, #tpu.memory_space<hbm>>
        %dma_start3A_57 = arith.constant 0 : i32
        %dma_start3A_58 = tpu.memref_slice %arg6[%run_scoped3A_36, %add3A_11, %dma_start3A_57] : memref<8x160000x16xf32, #tpu.memory_space<hbm>> -> memref<1x200x16xf32, #tpu.memory_space<hbm>>
        %dma_start3A_59 = tpu.memref_squeeze %dma_start3A_58 : memref<1x200x16xf32, #tpu.memory_space<hbm>> -> memref<200x16xf32, #tpu.memory_space<hbm>>
        %dma_start3A_60 = arith.constant 0 : i32
        %dma_start3A_61 = arith.constant 0 : i32
        %dma_start3A_62 = tpu.memref_slice %arg13[%run_scoped3A_35, %dma_start3A_60, %dma_start3A_61] : memref<8x200x16xf32, #tpu.memory_space<vmem>> -> memref<1x200x16xf32, #tpu.memory_space<vmem>>
        %dma_start3A_63 = tpu.memref_squeeze %dma_start3A_62 : memref<1x200x16xf32, #tpu.memory_space<vmem>> -> memref<200x16xf32, #tpu.memory_space<vmem>>
        tpu.enqueue_dma source(%dma_start3A_63 : memref<200x16xf32, #tpu.memory_space<vmem>>) target(%dma_start3A_59 : memref<200x16xf32, #tpu.memory_space<hbm>>) target_semaphore(%run_scoped3A_49 : memref<!tpu.dma_semaphore, #tpu.memory_space<semaphore_mem>>)
        %dma_wait3A_64 = arith.constant 0 : i32
        %dma_wait3A_65 = arith.constant 0 : i32
        %dma_wait3A_66 = tpu.memref_slice %arg13[%run_scoped3A_35, %dma_wait3A_64, %dma_wait3A_65] : memref<8x200x16xf32, #tpu.memory_space<vmem>> -> memref<1x200x16xf32, #tpu.memory_space<vmem>>
        %dma_wait3A_67 = tpu.memref_squeeze %dma_wait3A_66 : memref<1x200x16xf32, #tpu.memory_space<vmem>> -> memref<200x16xf32, #tpu.memory_space<vmem>>
        %dma_wait3A_68 = arith.constant 0 : i32
        %dma_wait3A_69 = tpu.memref_slice %arg6[%run_scoped3A_36, %add3A_11, %dma_wait3A_68] : memref<8x160000x16xf32, #tpu.memory_space<hbm>> -> memref<1x200x16xf32, #tpu.memory_space<hbm>>
        %dma_wait3A_70 = tpu.memref_squeeze %dma_wait3A_69 : memref<1x200x16xf32, #tpu.memory_space<hbm>> -> memref<200x16xf32, #tpu.memory_space<hbm>>
        %dma_wait3A_71 = arith.constant 0 : i32
        %dma_wait3A_72 = tpu.memref_slice %arg6[%run_scoped3A_36, %add3A_11, %dma_wait3A_71] : memref<8x160000x16xf32, #tpu.memory_space<hbm>> -> memref<1x200x16xf32, #tpu.memory_space<hbm>>
        %dma_wait3A_73 = tpu.memref_squeeze %dma_wait3A_72 : memref<1x200x16xf32, #tpu.memory_space<hbm>> -> memref<200x16xf32, #tpu.memory_space<hbm>>
        %dma_wait3A_74 = arith.constant 0 : i32
        %dma_wait3A_75 = arith.constant 0 : i32
        %dma_wait3A_76 = tpu.memref_slice %arg13[%run_scoped3A_35, %dma_wait3A_74, %dma_wait3A_75] : memref<8x200x16xf32, #tpu.memory_space<vmem>> -> memref<1x200x16xf32, #tpu.memory_space<vmem>>
        %dma_wait3A_77 = tpu.memref_squeeze %dma_wait3A_76 : memref<1x200x16xf32, #tpu.memory_space<vmem>> -> memref<200x16xf32, #tpu.memory_space<vmem>>
        tpu.wait_dma2 semaphore(%run_scoped3A_49 : memref<!tpu.dma_semaphore, #tpu.memory_space<semaphore_mem>>) src(%dma_wait3A_77 : memref<200x16xf32, #tpu.memory_space<vmem>>) dst(%dma_wait3A_73 : memref<200x16xf32, #tpu.memory_space<hbm>>)
        tpu.yield
      }) : () -> ()
      %run_scoped3A_37 = arith.constant 2 : i32
      %run_scoped3A_38 = arith.constant 2 : i32
      "tpu.region"() ({
        %run_scoped3A_49 = tpu.sem_alloc : memref<!tpu.dma_semaphore, #tpu.memory_space<semaphore_mem>>
        %dma_start3A_50 = arith.constant 0 : i32
        %dma_start3A_51 = arith.constant 0 : i32
        %dma_start3A_52 = tpu.memref_slice %arg13[%run_scoped3A_37, %dma_start3A_50, %dma_start3A_51] : memref<8x200x16xf32, #tpu.memory_space<vmem>> -> memref<1x200x16xf32, #tpu.memory_space<vmem>>
        %dma_start3A_53 = tpu.memref_squeeze %dma_start3A_52 : memref<1x200x16xf32, #tpu.memory_space<vmem>> -> memref<200x16xf32, #tpu.memory_space<vmem>>
        %dma_start3A_54 = arith.constant 0 : i32
        %dma_start3A_55 = tpu.memref_slice %arg6[%run_scoped3A_38, %add3A_11, %dma_start3A_54] : memref<8x160000x16xf32, #tpu.memory_space<hbm>> -> memref<1x200x16xf32, #tpu.memory_space<hbm>>
        %dma_start3A_56 = tpu.memref_squeeze %dma_start3A_55 : memref<1x200x16xf32, #tpu.memory_space<hbm>> -> memref<200x16xf32, #tpu.memory_space<hbm>>
        %dma_start3A_57 = arith.constant 0 : i32
        %dma_start3A_58 = tpu.memref_slice %arg6[%run_scoped3A_38, %add3A_11, %dma_start3A_57] : memref<8x160000x16xf32, #tpu.memory_space<hbm>> -> memref<1x200x16xf32, #tpu.memory_space<hbm>>
        %dma_start3A_59 = tpu.memref_squeeze %dma_start3A_58 : memref<1x200x16xf32, #tpu.memory_space<hbm>> -> memref<200x16xf32, #tpu.memory_space<hbm>>
        %dma_start3A_60 = arith.constant 0 : i32
        %dma_start3A_61 = arith.constant 0 : i32
        %dma_start3A_62 = tpu.memref_slice %arg13[%run_scoped3A_37, %dma_start3A_60, %dma_start3A_61] : memref<8x200x16xf32, #tpu.memory_space<vmem>> -> memref<1x200x16xf32, #tpu.memory_space<vmem>>
        %dma_start3A_63 = tpu.memref_squeeze %dma_start3A_62 : memref<1x200x16xf32, #tpu.memory_space<vmem>> -> memref<200x16xf32, #tpu.memory_space<vmem>>
        tpu.enqueue_dma source(%dma_start3A_63 : memref<200x16xf32, #tpu.memory_space<vmem>>) target(%dma_start3A_59 : memref<200x16xf32, #tpu.memory_space<hbm>>) target_semaphore(%run_scoped3A_49 : memref<!tpu.dma_semaphore, #tpu.memory_space<semaphore_mem>>)
        %dma_wait3A_64 = arith.constant 0 : i32
        %dma_wait3A_65 = arith.constant 0 : i32
        %dma_wait3A_66 = tpu.memref_slice %arg13[%run_scoped3A_37, %dma_wait3A_64, %dma_wait3A_65] : memref<8x200x16xf32, #tpu.memory_space<vmem>> -> memref<1x200x16xf32, #tpu.memory_space<vmem>>
        %dma_wait3A_67 = tpu.memref_squeeze %dma_wait3A_66 : memref<1x200x16xf32, #tpu.memory_space<vmem>> -> memref<200x16xf32, #tpu.memory_space<vmem>>
        %dma_wait3A_68 = arith.constant 0 : i32
        %dma_wait3A_69 = tpu.memref_slice %arg6[%run_scoped3A_38, %add3A_11, %dma_wait3A_68] : memref<8x160000x16xf32, #tpu.memory_space<hbm>> -> memref<1x200x16xf32, #tpu.memory_space<hbm>>
        %dma_wait3A_70 = tpu.memref_squeeze %dma_wait3A_69 : memref<1x200x16xf32, #tpu.memory_space<hbm>> -> memref<200x16xf32, #tpu.memory_space<hbm>>
        %dma_wait3A_71 = arith.constant 0 : i32
        %dma_wait3A_72 = tpu.memref_slice %arg6[%run_scoped3A_38, %add3A_11, %dma_wait3A_71] : memref<8x160000x16xf32, #tpu.memory_space<hbm>> -> memref<1x200x16xf32, #tpu.memory_space<hbm>>
        %dma_wait3A_73 = tpu.memref_squeeze %dma_wait3A_72 : memref<1x200x16xf32, #tpu.memory_space<hbm>> -> memref<200x16xf32, #tpu.memory_space<hbm>>
        %dma_wait3A_74 = arith.constant 0 : i32
        %dma_wait3A_75 = arith.constant 0 : i32
        %dma_wait3A_76 = tpu.memref_slice %arg13[%run_scoped3A_37, %dma_wait3A_74, %dma_wait3A_75] : memref<8x200x16xf32, #tpu.memory_space<vmem>> -> memref<1x200x16xf32, #tpu.memory_space<vmem>>
        %dma_wait3A_77 = tpu.memref_squeeze %dma_wait3A_76 : memref<1x200x16xf32, #tpu.memory_space<vmem>> -> memref<200x16xf32, #tpu.memory_space<vmem>>
        tpu.wait_dma2 semaphore(%run_scoped3A_49 : memref<!tpu.dma_semaphore, #tpu.memory_space<semaphore_mem>>) src(%dma_wait3A_77 : memref<200x16xf32, #tpu.memory_space<vmem>>) dst(%dma_wait3A_73 : memref<200x16xf32, #tpu.memory_space<hbm>>)
        tpu.yield
      }) : () -> ()
      %run_scoped3A_39 = arith.constant 3 : i32
      %run_scoped3A_40 = arith.constant 3 : i32
      "tpu.region"() ({
        %run_scoped3A_49 = tpu.sem_alloc : memref<!tpu.dma_semaphore, #tpu.memory_space<semaphore_mem>>
        %dma_start3A_50 = arith.constant 0 : i32
        %dma_start3A_51 = arith.constant 0 : i32
        %dma_start3A_52 = tpu.memref_slice %arg13[%run_scoped3A_39, %dma_start3A_50, %dma_start3A_51] : memref<8x200x16xf32, #tpu.memory_space<vmem>> -> memref<1x200x16xf32, #tpu.memory_space<vmem>>
        %dma_start3A_53 = tpu.memref_squeeze %dma_start3A_52 : memref<1x200x16xf32, #tpu.memory_space<vmem>> -> memref<200x16xf32, #tpu.memory_space<vmem>>
        %dma_start3A_54 = arith.constant 0 : i32
        %dma_start3A_55 = tpu.memref_slice %arg6[%run_scoped3A_40, %add3A_11, %dma_start3A_54] : memref<8x160000x16xf32, #tpu.memory_space<hbm>> -> memref<1x200x16xf32, #tpu.memory_space<hbm>>
        %dma_start3A_56 = tpu.memref_squeeze %dma_start3A_55 : memref<1x200x16xf32, #tpu.memory_space<hbm>> -> memref<200x16xf32, #tpu.memory_space<hbm>>
        %dma_start3A_57 = arith.constant 0 : i32
        %dma_start3A_58 = tpu.memref_slice %arg6[%run_scoped3A_40, %add3A_11, %dma_start3A_57] : memref<8x160000x16xf32, #tpu.memory_space<hbm>> -> memref<1x200x16xf32, #tpu.memory_space<hbm>>
        %dma_start3A_59 = tpu.memref_squeeze %dma_start3A_58 : memref<1x200x16xf32, #tpu.memory_space<hbm>> -> memref<200x16xf32, #tpu.memory_space<hbm>>
        %dma_start3A_60 = arith.constant 0 : i32
        %dma_start3A_61 = arith.constant 0 : i32
        %dma_start3A_62 = tpu.memref_slice %arg13[%run_scoped3A_39, %dma_start3A_60, %dma_start3A_61] : memref<8x200x16xf32, #tpu.memory_space<vmem>> -> memref<1x200x16xf32, #tpu.memory_space<vmem>>
        %dma_start3A_63 = tpu.memref_squeeze %dma_start3A_62 : memref<1x200x16xf32, #tpu.memory_space<vmem>> -> memref<200x16xf32, #tpu.memory_space<vmem>>
        tpu.enqueue_dma source(%dma_start3A_63 : memref<200x16xf32, #tpu.memory_space<vmem>>) target(%dma_start3A_59 : memref<200x16xf32, #tpu.memory_space<hbm>>) target_semaphore(%run_scoped3A_49 : memref<!tpu.dma_semaphore, #tpu.memory_space<semaphore_mem>>)
        %dma_wait3A_64 = arith.constant 0 : i32
        %dma_wait3A_65 = arith.constant 0 : i32
        %dma_wait3A_66 = tpu.memref_slice %arg13[%run_scoped3A_39, %dma_wait3A_64, %dma_wait3A_65] : memref<8x200x16xf32, #tpu.memory_space<vmem>> -> memref<1x200x16xf32, #tpu.memory_space<vmem>>
        %dma_wait3A_67 = tpu.memref_squeeze %dma_wait3A_66 : memref<1x200x16xf32, #tpu.memory_space<vmem>> -> memref<200x16xf32, #tpu.memory_space<vmem>>
        %dma_wait3A_68 = arith.constant 0 : i32
        %dma_wait3A_69 = tpu.memref_slice %arg6[%run_scoped3A_40, %add3A_11, %dma_wait3A_68] : memref<8x160000x16xf32, #tpu.memory_space<hbm>> -> memref<1x200x16xf32, #tpu.memory_space<hbm>>
        %dma_wait3A_70 = tpu.memref_squeeze %dma_wait3A_69 : memref<1x200x16xf32, #tpu.memory_space<hbm>> -> memref<200x16xf32, #tpu.memory_space<hbm>>
        %dma_wait3A_71 = arith.constant 0 : i32
        %dma_wait3A_72 = tpu.memref_slice %arg6[%run_scoped3A_40, %add3A_11, %dma_wait3A_71] : memref<8x160000x16xf32, #tpu.memory_space<hbm>> -> memref<1x200x16xf32, #tpu.memory_space<hbm>>
        %dma_wait3A_73 = tpu.memref_squeeze %dma_wait3A_72 : memref<1x200x16xf32, #tpu.memory_space<hbm>> -> memref<200x16xf32, #tpu.memory_space<hbm>>
        %dma_wait3A_74 = arith.constant 0 : i32
        %dma_wait3A_75 = arith.constant 0 : i32
        %dma_wait3A_76 = tpu.memref_slice %arg13[%run_scoped3A_39, %dma_wait3A_74, %dma_wait3A_75] : memref<8x200x16xf32, #tpu.memory_space<vmem>> -> memref<1x200x16xf32, #tpu.memory_space<vmem>>
        %dma_wait3A_77 = tpu.memref_squeeze %dma_wait3A_76 : memref<1x200x16xf32, #tpu.memory_space<vmem>> -> memref<200x16xf32, #tpu.memory_space<vmem>>
        tpu.wait_dma2 semaphore(%run_scoped3A_49 : memref<!tpu.dma_semaphore, #tpu.memory_space<semaphore_mem>>) src(%dma_wait3A_77 : memref<200x16xf32, #tpu.memory_space<vmem>>) dst(%dma_wait3A_73 : memref<200x16xf32, #tpu.memory_space<hbm>>)
        tpu.yield
      }) : () -> ()
      %run_scoped3A_41 = arith.constant 4 : i32
      %run_scoped3A_42 = arith.constant 4 : i32
      "tpu.region"() ({
        %run_scoped3A_49 = tpu.sem_alloc : memref<!tpu.dma_semaphore, #tpu.memory_space<semaphore_mem>>
        %dma_start3A_50 = arith.constant 0 : i32
        %dma_start3A_51 = arith.constant 0 : i32
        %dma_start3A_52 = tpu.memref_slice %arg13[%run_scoped3A_41, %dma_start3A_50, %dma_start3A_51] : memref<8x200x16xf32, #tpu.memory_space<vmem>> -> memref<1x200x16xf32, #tpu.memory_space<vmem>>
        %dma_start3A_53 = tpu.memref_squeeze %dma_start3A_52 : memref<1x200x16xf32, #tpu.memory_space<vmem>> -> memref<200x16xf32, #tpu.memory_space<vmem>>
        %dma_start3A_54 = arith.constant 0 : i32
        %dma_start3A_55 = tpu.memref_slice %arg6[%run_scoped3A_42, %add3A_11, %dma_start3A_54] : memref<8x160000x16xf32, #tpu.memory_space<hbm>> -> memref<1x200x16xf32, #tpu.memory_space<hbm>>
        %dma_start3A_56 = tpu.memref_squeeze %dma_start3A_55 : memref<1x200x16xf32, #tpu.memory_space<hbm>> -> memref<200x16xf32, #tpu.memory_space<hbm>>
        %dma_start3A_57 = arith.constant 0 : i32
        %dma_start3A_58 = tpu.memref_slice %arg6[%run_scoped3A_42, %add3A_11, %dma_start3A_57] : memref<8x160000x16xf32, #tpu.memory_space<hbm>> -> memref<1x200x16xf32, #tpu.memory_space<hbm>>
        %dma_start3A_59 = tpu.memref_squeeze %dma_start3A_58 : memref<1x200x16xf32, #tpu.memory_space<hbm>> -> memref<200x16xf32, #tpu.memory_space<hbm>>
        %dma_start3A_60 = arith.constant 0 : i32
        %dma_start3A_61 = arith.constant 0 : i32
        %dma_start3A_62 = tpu.memref_slice %arg13[%run_scoped3A_41, %dma_start3A_60, %dma_start3A_61] : memref<8x200x16xf32, #tpu.memory_space<vmem>> -> memref<1x200x16xf32, #tpu.memory_space<vmem>>
        %dma_start3A_63 = tpu.memref_squeeze %dma_start3A_62 : memref<1x200x16xf32, #tpu.memory_space<vmem>> -> memref<200x16xf32, #tpu.memory_space<vmem>>
        tpu.enqueue_dma source(%dma_start3A_63 : memref<200x16xf32, #tpu.memory_space<vmem>>) target(%dma_start3A_59 : memref<200x16xf32, #tpu.memory_space<hbm>>) target_semaphore(%run_scoped3A_49 : memref<!tpu.dma_semaphore, #tpu.memory_space<semaphore_mem>>)
        %dma_wait3A_64 = arith.constant 0 : i32
        %dma_wait3A_65 = arith.constant 0 : i32
        %dma_wait3A_66 = tpu.memref_slice %arg13[%run_scoped3A_41, %dma_wait3A_64, %dma_wait3A_65] : memref<8x200x16xf32, #tpu.memory_space<vmem>> -> memref<1x200x16xf32, #tpu.memory_space<vmem>>
        %dma_wait3A_67 = tpu.memref_squeeze %dma_wait3A_66 : memref<1x200x16xf32, #tpu.memory_space<vmem>> -> memref<200x16xf32, #tpu.memory_space<vmem>>
        %dma_wait3A_68 = arith.constant 0 : i32
        %dma_wait3A_69 = tpu.memref_slice %arg6[%run_scoped3A_42, %add3A_11, %dma_wait3A_68] : memref<8x160000x16xf32, #tpu.memory_space<hbm>> -> memref<1x200x16xf32, #tpu.memory_space<hbm>>
        %dma_wait3A_70 = tpu.memref_squeeze %dma_wait3A_69 : memref<1x200x16xf32, #tpu.memory_space<hbm>> -> memref<200x16xf32, #tpu.memory_space<hbm>>
        %dma_wait3A_71 = arith.constant 0 : i32
        %dma_wait3A_72 = tpu.memref_slice %arg6[%run_scoped3A_42, %add3A_11, %dma_wait3A_71] : memref<8x160000x16xf32, #tpu.memory_space<hbm>> -> memref<1x200x16xf32, #tpu.memory_space<hbm>>
        %dma_wait3A_73 = tpu.memref_squeeze %dma_wait3A_72 : memref<1x200x16xf32, #tpu.memory_space<hbm>> -> memref<200x16xf32, #tpu.memory_space<hbm>>
        %dma_wait3A_74 = arith.constant 0 : i32
        %dma_wait3A_75 = arith.constant 0 : i32
        %dma_wait3A_76 = tpu.memref_slice %arg13[%run_scoped3A_41, %dma_wait3A_74, %dma_wait3A_75] : memref<8x200x16xf32, #tpu.memory_space<vmem>> -> memref<1x200x16xf32, #tpu.memory_space<vmem>>
        %dma_wait3A_77 = tpu.memref_squeeze %dma_wait3A_76 : memref<1x200x16xf32, #tpu.memory_space<vmem>> -> memref<200x16xf32, #tpu.memory_space<vmem>>
        tpu.wait_dma2 semaphore(%run_scoped3A_49 : memref<!tpu.dma_semaphore, #tpu.memory_space<semaphore_mem>>) src(%dma_wait3A_77 : memref<200x16xf32, #tpu.memory_space<vmem>>) dst(%dma_wait3A_73 : memref<200x16xf32, #tpu.memory_space<hbm>>)
        tpu.yield
      }) : () -> ()
      %run_scoped3A_43 = arith.constant 5 : i32
      %run_scoped3A_44 = arith.constant 5 : i32
      "tpu.region"() ({
        %run_scoped3A_49 = tpu.sem_alloc : memref<!tpu.dma_semaphore, #tpu.memory_space<semaphore_mem>>
        %dma_start3A_50 = arith.constant 0 : i32
        %dma_start3A_51 = arith.constant 0 : i32
        %dma_start3A_52 = tpu.memref_slice %arg13[%run_scoped3A_43, %dma_start3A_50, %dma_start3A_51] : memref<8x200x16xf32, #tpu.memory_space<vmem>> -> memref<1x200x16xf32, #tpu.memory_space<vmem>>
        %dma_start3A_53 = tpu.memref_squeeze %dma_start3A_52 : memref<1x200x16xf32, #tpu.memory_space<vmem>> -> memref<200x16xf32, #tpu.memory_space<vmem>>
        %dma_start3A_54 = arith.constant 0 : i32
        %dma_start3A_55 = tpu.memref_slice %arg6[%run_scoped3A_44, %add3A_11, %dma_start3A_54] : memref<8x160000x16xf32, #tpu.memory_space<hbm>> -> memref<1x200x16xf32, #tpu.memory_space<hbm>>
        %dma_start3A_56 = tpu.memref_squeeze %dma_start3A_55 : memref<1x200x16xf32, #tpu.memory_space<hbm>> -> memref<200x16xf32, #tpu.memory_space<hbm>>
        %dma_start3A_57 = arith.constant 0 : i32
        %dma_start3A_58 = tpu.memref_slice %arg6[%run_scoped3A_44, %add3A_11, %dma_start3A_57] : memref<8x160000x16xf32, #tpu.memory_space<hbm>> -> memref<1x200x16xf32, #tpu.memory_space<hbm>>
        %dma_start3A_59 = tpu.memref_squeeze %dma_start3A_58 : memref<1x200x16xf32, #tpu.memory_space<hbm>> -> memref<200x16xf32, #tpu.memory_space<hbm>>
        %dma_start3A_60 = arith.constant 0 : i32
        %dma_start3A_61 = arith.constant 0 : i32
        %dma_start3A_62 = tpu.memref_slice %arg13[%run_scoped3A_43, %dma_start3A_60, %dma_start3A_61] : memref<8x200x16xf32, #tpu.memory_space<vmem>> -> memref<1x200x16xf32, #tpu.memory_space<vmem>>
        %dma_start3A_63 = tpu.memref_squeeze %dma_start3A_62 : memref<1x200x16xf32, #tpu.memory_space<vmem>> -> memref<200x16xf32, #tpu.memory_space<vmem>>
        tpu.enqueue_dma source(%dma_start3A_63 : memref<200x16xf32, #tpu.memory_space<vmem>>) target(%dma_start3A_59 : memref<200x16xf32, #tpu.memory_space<hbm>>) target_semaphore(%run_scoped3A_49 : memref<!tpu.dma_semaphore, #tpu.memory_space<semaphore_mem>>)
        %dma_wait3A_64 = arith.constant 0 : i32
        %dma_wait3A_65 = arith.constant 0 : i32
        %dma_wait3A_66 = tpu.memref_slice %arg13[%run_scoped3A_43, %dma_wait3A_64, %dma_wait3A_65] : memref<8x200x16xf32, #tpu.memory_space<vmem>> -> memref<1x200x16xf32, #tpu.memory_space<vmem>>
        %dma_wait3A_67 = tpu.memref_squeeze %dma_wait3A_66 : memref<1x200x16xf32, #tpu.memory_space<vmem>> -> memref<200x16xf32, #tpu.memory_space<vmem>>
        %dma_wait3A_68 = arith.constant 0 : i32
        %dma_wait3A_69 = tpu.memref_slice %arg6[%run_scoped3A_44, %add3A_11, %dma_wait3A_68] : memref<8x160000x16xf32, #tpu.memory_space<hbm>> -> memref<1x200x16xf32, #tpu.memory_space<hbm>>
        %dma_wait3A_70 = tpu.memref_squeeze %dma_wait3A_69 : memref<1x200x16xf32, #tpu.memory_space<hbm>> -> memref<200x16xf32, #tpu.memory_space<hbm>>
        %dma_wait3A_71 = arith.constant 0 : i32
        %dma_wait3A_72 = tpu.memref_slice %arg6[%run_scoped3A_44, %add3A_11, %dma_wait3A_71] : memref<8x160000x16xf32, #tpu.memory_space<hbm>> -> memref<1x200x16xf32, #tpu.memory_space<hbm>>
        %dma_wait3A_73 = tpu.memref_squeeze %dma_wait3A_72 : memref<1x200x16xf32, #tpu.memory_space<hbm>> -> memref<200x16xf32, #tpu.memory_space<hbm>>
        %dma_wait3A_74 = arith.constant 0 : i32
        %dma_wait3A_75 = arith.constant 0 : i32
        %dma_wait3A_76 = tpu.memref_slice %arg13[%run_scoped3A_43, %dma_wait3A_74, %dma_wait3A_75] : memref<8x200x16xf32, #tpu.memory_space<vmem>> -> memref<1x200x16xf32, #tpu.memory_space<vmem>>
        %dma_wait3A_77 = tpu.memref_squeeze %dma_wait3A_76 : memref<1x200x16xf32, #tpu.memory_space<vmem>> -> memref<200x16xf32, #tpu.memory_space<vmem>>
        tpu.wait_dma2 semaphore(%run_scoped3A_49 : memref<!tpu.dma_semaphore, #tpu.memory_space<semaphore_mem>>) src(%dma_wait3A_77 : memref<200x16xf32, #tpu.memory_space<vmem>>) dst(%dma_wait3A_73 : memref<200x16xf32, #tpu.memory_space<hbm>>)
        tpu.yield
      }) : () -> ()
      %run_scoped3A_45 = arith.constant 6 : i32
      %run_scoped3A_46 = arith.constant 6 : i32
      "tpu.region"() ({
        %run_scoped3A_49 = tpu.sem_alloc : memref<!tpu.dma_semaphore, #tpu.memory_space<semaphore_mem>>
        %dma_start3A_50 = arith.constant 0 : i32
        %dma_start3A_51 = arith.constant 0 : i32
        %dma_start3A_52 = tpu.memref_slice %arg13[%run_scoped3A_45, %dma_start3A_50, %dma_start3A_51] : memref<8x200x16xf32, #tpu.memory_space<vmem>> -> memref<1x200x16xf32, #tpu.memory_space<vmem>>
        %dma_start3A_53 = tpu.memref_squeeze %dma_start3A_52 : memref<1x200x16xf32, #tpu.memory_space<vmem>> -> memref<200x16xf32, #tpu.memory_space<vmem>>
        %dma_start3A_54 = arith.constant 0 : i32
        %dma_start3A_55 = tpu.memref_slice %arg6[%run_scoped3A_46, %add3A_11, %dma_start3A_54] : memref<8x160000x16xf32, #tpu.memory_space<hbm>> -> memref<1x200x16xf32, #tpu.memory_space<hbm>>
        %dma_start3A_56 = tpu.memref_squeeze %dma_start3A_55 : memref<1x200x16xf32, #tpu.memory_space<hbm>> -> memref<200x16xf32, #tpu.memory_space<hbm>>
        %dma_start3A_57 = arith.constant 0 : i32
        %dma_start3A_58 = tpu.memref_slice %arg6[%run_scoped3A_46, %add3A_11, %dma_start3A_57] : memref<8x160000x16xf32, #tpu.memory_space<hbm>> -> memref<1x200x16xf32, #tpu.memory_space<hbm>>
        %dma_start3A_59 = tpu.memref_squeeze %dma_start3A_58 : memref<1x200x16xf32, #tpu.memory_space<hbm>> -> memref<200x16xf32, #tpu.memory_space<hbm>>
        %dma_start3A_60 = arith.constant 0 : i32
        %dma_start3A_61 = arith.constant 0 : i32
        %dma_start3A_62 = tpu.memref_slice %arg13[%run_scoped3A_45, %dma_start3A_60, %dma_start3A_61] : memref<8x200x16xf32, #tpu.memory_space<vmem>> -> memref<1x200x16xf32, #tpu.memory_space<vmem>>
        %dma_start3A_63 = tpu.memref_squeeze %dma_start3A_62 : memref<1x200x16xf32, #tpu.memory_space<vmem>> -> memref<200x16xf32, #tpu.memory_space<vmem>>
        tpu.enqueue_dma source(%dma_start3A_63 : memref<200x16xf32, #tpu.memory_space<vmem>>) target(%dma_start3A_59 : memref<200x16xf32, #tpu.memory_space<hbm>>) target_semaphore(%run_scoped3A_49 : memref<!tpu.dma_semaphore, #tpu.memory_space<semaphore_mem>>)
        %dma_wait3A_64 = arith.constant 0 : i32
        %dma_wait3A_65 = arith.constant 0 : i32
        %dma_wait3A_66 = tpu.memref_slice %arg13[%run_scoped3A_45, %dma_wait3A_64, %dma_wait3A_65] : memref<8x200x16xf32, #tpu.memory_space<vmem>> -> memref<1x200x16xf32, #tpu.memory_space<vmem>>
        %dma_wait3A_67 = tpu.memref_squeeze %dma_wait3A_66 : memref<1x200x16xf32, #tpu.memory_space<vmem>> -> memref<200x16xf32, #tpu.memory_space<vmem>>
        %dma_wait3A_68 = arith.constant 0 : i32
        %dma_wait3A_69 = tpu.memref_slice %arg6[%run_scoped3A_46, %add3A_11, %dma_wait3A_68] : memref<8x160000x16xf32, #tpu.memory_space<hbm>> -> memref<1x200x16xf32, #tpu.memory_space<hbm>>
        %dma_wait3A_70 = tpu.memref_squeeze %dma_wait3A_69 : memref<1x200x16xf32, #tpu.memory_space<hbm>> -> memref<200x16xf32, #tpu.memory_space<hbm>>
        %dma_wait3A_71 = arith.constant 0 : i32
        %dma_wait3A_72 = tpu.memref_slice %arg6[%run_scoped3A_46, %add3A_11, %dma_wait3A_71] : memref<8x160000x16xf32, #tpu.memory_space<hbm>> -> memref<1x200x16xf32, #tpu.memory_space<hbm>>
        %dma_wait3A_73 = tpu.memref_squeeze %dma_wait3A_72 : memref<1x200x16xf32, #tpu.memory_space<hbm>> -> memref<200x16xf32, #tpu.memory_space<hbm>>
        %dma_wait3A_74 = arith.constant 0 : i32
        %dma_wait3A_75 = arith.constant 0 : i32
        %dma_wait3A_76 = tpu.memref_slice %arg13[%run_scoped3A_45, %dma_wait3A_74, %dma_wait3A_75] : memref<8x200x16xf32, #tpu.memory_space<vmem>> -> memref<1x200x16xf32, #tpu.memory_space<vmem>>
        %dma_wait3A_77 = tpu.memref_squeeze %dma_wait3A_76 : memref<1x200x16xf32, #tpu.memory_space<vmem>> -> memref<200x16xf32, #tpu.memory_space<vmem>>
        tpu.wait_dma2 semaphore(%run_scoped3A_49 : memref<!tpu.dma_semaphore, #tpu.memory_space<semaphore_mem>>) src(%dma_wait3A_77 : memref<200x16xf32, #tpu.memory_space<vmem>>) dst(%dma_wait3A_73 : memref<200x16xf32, #tpu.memory_space<hbm>>)
        tpu.yield
      }) : () -> ()
      %run_scoped3A_47 = arith.constant 7 : i32
      %run_scoped3A_48 = arith.constant 7 : i32
      "tpu.region"() ({
        %run_scoped3A_49 = tpu.sem_alloc : memref<!tpu.dma_semaphore, #tpu.memory_space<semaphore_mem>>
        %dma_start3A_50 = arith.constant 0 : i32
        %dma_start3A_51 = arith.constant 0 : i32
        %dma_start3A_52 = tpu.memref_slice %arg13[%run_scoped3A_47, %dma_start3A_50, %dma_start3A_51] : memref<8x200x16xf32, #tpu.memory_space<vmem>> -> memref<1x200x16xf32, #tpu.memory_space<vmem>>
        %dma_start3A_53 = tpu.memref_squeeze %dma_start3A_52 : memref<1x200x16xf32, #tpu.memory_space<vmem>> -> memref<200x16xf32, #tpu.memory_space<vmem>>
        %dma_start3A_54 = arith.constant 0 : i32
        %dma_start3A_55 = tpu.memref_slice %arg6[%run_scoped3A_48, %add3A_11, %dma_start3A_54] : memref<8x160000x16xf32, #tpu.memory_space<hbm>> -> memref<1x200x16xf32, #tpu.memory_space<hbm>>
        %dma_start3A_56 = tpu.memref_squeeze %dma_start3A_55 : memref<1x200x16xf32, #tpu.memory_space<hbm>> -> memref<200x16xf32, #tpu.memory_space<hbm>>
        %dma_start3A_57 = arith.constant 0 : i32
        %dma_start3A_58 = tpu.memref_slice %arg6[%run_scoped3A_48, %add3A_11, %dma_start3A_57] : memref<8x160000x16xf32, #tpu.memory_space<hbm>> -> memref<1x200x16xf32, #tpu.memory_space<hbm>>
        %dma_start3A_59 = tpu.memref_squeeze %dma_start3A_58 : memref<1x200x16xf32, #tpu.memory_space<hbm>> -> memref<200x16xf32, #tpu.memory_space<hbm>>
        %dma_start3A_60 = arith.constant 0 : i32
        %dma_start3A_61 = arith.constant 0 : i32
        %dma_start3A_62 = tpu.memref_slice %arg13[%run_scoped3A_47, %dma_start3A_60, %dma_start3A_61] : memref<8x200x16xf32, #tpu.memory_space<vmem>> -> memref<1x200x16xf32, #tpu.memory_space<vmem>>
        %dma_start3A_63 = tpu.memref_squeeze %dma_start3A_62 : memref<1x200x16xf32, #tpu.memory_space<vmem>> -> memref<200x16xf32, #tpu.memory_space<vmem>>
        tpu.enqueue_dma source(%dma_start3A_63 : memref<200x16xf32, #tpu.memory_space<vmem>>) target(%dma_start3A_59 : memref<200x16xf32, #tpu.memory_space<hbm>>) target_semaphore(%run_scoped3A_49 : memref<!tpu.dma_semaphore, #tpu.memory_space<semaphore_mem>>)
        %dma_wait3A_64 = arith.constant 0 : i32
        %dma_wait3A_65 = arith.constant 0 : i32
        %dma_wait3A_66 = tpu.memref_slice %arg13[%run_scoped3A_47, %dma_wait3A_64, %dma_wait3A_65] : memref<8x200x16xf32, #tpu.memory_space<vmem>> -> memref<1x200x16xf32, #tpu.memory_space<vmem>>
        %dma_wait3A_67 = tpu.memref_squeeze %dma_wait3A_66 : memref<1x200x16xf32, #tpu.memory_space<vmem>> -> memref<200x16xf32, #tpu.memory_space<vmem>>
        %dma_wait3A_68 = arith.constant 0 : i32
        %dma_wait3A_69 = tpu.memref_slice %arg6[%run_scoped3A_48, %add3A_11, %dma_wait3A_68] : memref<8x160000x16xf32, #tpu.memory_space<hbm>> -> memref<1x200x16xf32, #tpu.memory_space<hbm>>
        %dma_wait3A_70 = tpu.memref_squeeze %dma_wait3A_69 : memref<1x200x16xf32, #tpu.memory_space<hbm>> -> memref<200x16xf32, #tpu.memory_space<hbm>>
        %dma_wait3A_71 = arith.constant 0 : i32
        %dma_wait3A_72 = tpu.memref_slice %arg6[%run_scoped3A_48, %add3A_11, %dma_wait3A_71] : memref<8x160000x16xf32, #tpu.memory_space<hbm>> -> memref<1x200x16xf32, #tpu.memory_space<hbm>>
        %dma_wait3A_73 = tpu.memref_squeeze %dma_wait3A_72 : memref<1x200x16xf32, #tpu.memory_space<hbm>> -> memref<200x16xf32, #tpu.memory_space<hbm>>
        %dma_wait3A_74 = arith.constant 0 : i32
        %dma_wait3A_75 = arith.constant 0 : i32
        %dma_wait3A_76 = tpu.memref_slice %arg13[%run_scoped3A_47, %dma_wait3A_74, %dma_wait3A_75] : memref<8x200x16xf32, #tpu.memory_space<vmem>> -> memref<1x200x16xf32, #tpu.memory_space<vmem>>
        %dma_wait3A_77 = tpu.memref_squeeze %dma_wait3A_76 : memref<1x200x16xf32, #tpu.memory_space<vmem>> -> memref<200x16xf32, #tpu.memory_space<vmem>>
        tpu.wait_dma2 semaphore(%run_scoped3A_49 : memref<!tpu.dma_semaphore, #tpu.memory_space<semaphore_mem>>) src(%dma_wait3A_77 : memref<200x16xf32, #tpu.memory_space<vmem>>) dst(%dma_wait3A_73 : memref<200x16xf32, #tpu.memory_space<hbm>>)
        tpu.yield
      }) : () -> ()
    }
    %scan3A_7 = arith.constant 25 : i32
    return
  }
}

#map = affine_map<(d0, d1) -> (0, 0)>
#map1 = affine_map<(d0, d1) -> (0)>
#map2 = affine_map<(d0, d1) -> (0, 0, 0)>
module attributes {stable_mosaic.version = 14 : i64} {
  func.func @node_scatter(%arg0: i32, %arg1: i32, %arg2: memref<320000x128xf32, #tpu.memory_space<hbm>>, %arg3: memref<320000xi32, #tpu.memory_space<hbm>>, %arg4: memref<320000xi32, #tpu.memory_space<hbm>>, %arg5: memref<2x10240x128xf32, #tpu.memory_space<hbm>>, %arg6: memref<10240x128xf32, #tpu.memory_space<vmem_shared>>, %arg7: memref<200xi32, #tpu.memory_space<vmem>>, %arg8: memref<200xi32, #tpu.memory_space<vmem>>, %arg9: memref<200x128xf32, #tpu.memory_space<vmem>>, %arg10: memref<128x128xf32, #tpu.memory_space<vmem>>, %arg11: memref<!tpu.dma_semaphore, #tpu.memory_space<semaphore_mem>>) attributes {dimension_semantics = [#tpu.dimension_semantics<core_parallel>, #tpu.dimension_semantics<subcore_parallel>], iteration_bounds = array<i64: 2, 16>, scalar_prefetch = 0 : i64, scratch_operands = 6 : i64, tpu.core_type = #tpu.core_type<sc_vector_subcore>, window_params = [{transform_indices = #map}, {transform_indices = #map1}, {transform_indices = #map1}, {transform_indices = #map2}]} {
    %mul3A = arith.constant 2 : i32
    %mul3A_0 = arith.muli %arg1, %mul3A : i32
    %add3A = arith.addi %mul3A_0, %arg0 : i32
    %scan3A = arith.constant 0 : i32
    %scan3A_1 = arith.constant 0 : i32
    %scan3A_2 = arith.constant 128 : i32
    %scan3A_3 = arith.addi %scan3A_1, %scan3A_2 : i32
    %scan3A_4 = arith.constant 1 : i32
    scf.for %scan3A_27 = %scan3A_1 to %scan3A_3 step %scan3A_4  : i32 {
      %broadcast_in_dim3A = arith.constant 0.000000e+00 : f32
      %broadcast_in_dim3A_28 = vector.broadcast %broadcast_in_dim3A : f32 to vector<16xf32>
      %swap3A = arith.index_cast %scan3A_27 : i32 to index
      %swap3A_29 = arith.constant 0 : index
      %swap3A_30 = tpu.vector_load %arg10[%swap3A, %swap3A_29] {strides = array<i32>} : memref<128x128xf32, #tpu.memory_space<vmem>>, vector<1x16xf32>,
      %swap3A_31 = vector.shape_cast %swap3A_30 : vector<1x16xf32> to vector<16xf32>
      %swap3A_32 = vector.shape_cast %broadcast_in_dim3A_28 : vector<16xf32> to vector<1x16xf32>
      tpu.vector_store %arg10[%swap3A, %swap3A_29], %swap3A_32 {strides = array<i32>} : memref<128x128xf32, #tpu.memory_space<vmem>>, vector<1x16xf32>,
      %broadcast_in_dim3A_33 = arith.constant 0.000000e+00 : f32
      %broadcast_in_dim3A_34 = vector.broadcast %broadcast_in_dim3A_33 : f32 to vector<16xf32>
      %swap3A_35 = arith.index_cast %scan3A_27 : i32 to index
      %swap3A_36 = arith.constant 16 : index
      %swap3A_37 = tpu.vector_load %arg10[%swap3A_35, %swap3A_36] {strides = array<i32>} : memref<128x128xf32, #tpu.memory_space<vmem>>, vector<1x16xf32>,
      %swap3A_38 = vector.shape_cast %swap3A_37 : vector<1x16xf32> to vector<16xf32>
      %swap3A_39 = vector.shape_cast %broadcast_in_dim3A_34 : vector<16xf32> to vector<1x16xf32>
      tpu.vector_store %arg10[%swap3A_35, %swap3A_36], %swap3A_39 {strides = array<i32>} : memref<128x128xf32, #tpu.memory_space<vmem>>, vector<1x16xf32>,
      %broadcast_in_dim3A_40 = arith.constant 0.000000e+00 : f32
      %broadcast_in_dim3A_41 = vector.broadcast %broadcast_in_dim3A_40 : f32 to vector<16xf32>
      %swap3A_42 = arith.index_cast %scan3A_27 : i32 to index
      %swap3A_43 = arith.constant 32 : index
      %swap3A_44 = tpu.vector_load %arg10[%swap3A_42, %swap3A_43] {strides = array<i32>} : memref<128x128xf32, #tpu.memory_space<vmem>>, vector<1x16xf32>,
      %swap3A_45 = vector.shape_cast %swap3A_44 : vector<1x16xf32> to vector<16xf32>
      %swap3A_46 = vector.shape_cast %broadcast_in_dim3A_41 : vector<16xf32> to vector<1x16xf32>
      tpu.vector_store %arg10[%swap3A_42, %swap3A_43], %swap3A_46 {strides = array<i32>} : memref<128x128xf32, #tpu.memory_space<vmem>>, vector<1x16xf32>,
      %broadcast_in_dim3A_47 = arith.constant 0.000000e+00 : f32
      %broadcast_in_dim3A_48 = vector.broadcast %broadcast_in_dim3A_47 : f32 to vector<16xf32>
      %swap3A_49 = arith.index_cast %scan3A_27 : i32 to index
      %swap3A_50 = arith.constant 48 : index
      %swap3A_51 = tpu.vector_load %arg10[%swap3A_49, %swap3A_50] {strides = array<i32>} : memref<128x128xf32, #tpu.memory_space<vmem>>, vector<1x16xf32>,
      %swap3A_52 = vector.shape_cast %swap3A_51 : vector<1x16xf32> to vector<16xf32>
      %swap3A_53 = vector.shape_cast %broadcast_in_dim3A_48 : vector<16xf32> to vector<1x16xf32>
      tpu.vector_store %arg10[%swap3A_49, %swap3A_50], %swap3A_53 {strides = array<i32>} : memref<128x128xf32, #tpu.memory_space<vmem>>, vector<1x16xf32>,
      %broadcast_in_dim3A_54 = arith.constant 0.000000e+00 : f32
      %broadcast_in_dim3A_55 = vector.broadcast %broadcast_in_dim3A_54 : f32 to vector<16xf32>
      %swap3A_56 = arith.index_cast %scan3A_27 : i32 to index
      %swap3A_57 = arith.constant 64 : index
      %swap3A_58 = tpu.vector_load %arg10[%swap3A_56, %swap3A_57] {strides = array<i32>} : memref<128x128xf32, #tpu.memory_space<vmem>>, vector<1x16xf32>,
      %swap3A_59 = vector.shape_cast %swap3A_58 : vector<1x16xf32> to vector<16xf32>
      %swap3A_60 = vector.shape_cast %broadcast_in_dim3A_55 : vector<16xf32> to vector<1x16xf32>
      tpu.vector_store %arg10[%swap3A_56, %swap3A_57], %swap3A_60 {strides = array<i32>} : memref<128x128xf32, #tpu.memory_space<vmem>>, vector<1x16xf32>,
      %broadcast_in_dim3A_61 = arith.constant 0.000000e+00 : f32
      %broadcast_in_dim3A_62 = vector.broadcast %broadcast_in_dim3A_61 : f32 to vector<16xf32>
      %swap3A_63 = arith.index_cast %scan3A_27 : i32 to index
      %swap3A_64 = arith.constant 80 : index
      %swap3A_65 = tpu.vector_load %arg10[%swap3A_63, %swap3A_64] {strides = array<i32>} : memref<128x128xf32, #tpu.memory_space<vmem>>, vector<1x16xf32>,
      %swap3A_66 = vector.shape_cast %swap3A_65 : vector<1x16xf32> to vector<16xf32>
      %swap3A_67 = vector.shape_cast %broadcast_in_dim3A_62 : vector<16xf32> to vector<1x16xf32>
      tpu.vector_store %arg10[%swap3A_63, %swap3A_64], %swap3A_67 {strides = array<i32>} : memref<128x128xf32, #tpu.memory_space<vmem>>, vector<1x16xf32>,
      %broadcast_in_dim3A_68 = arith.constant 0.000000e+00 : f32
      %broadcast_in_dim3A_69 = vector.broadcast %broadcast_in_dim3A_68 : f32 to vector<16xf32>
      %swap3A_70 = arith.index_cast %scan3A_27 : i32 to index
      %swap3A_71 = arith.constant 96 : index
      %swap3A_72 = tpu.vector_load %arg10[%swap3A_70, %swap3A_71] {strides = array<i32>} : memref<128x128xf32, #tpu.memory_space<vmem>>, vector<1x16xf32>,
      %swap3A_73 = vector.shape_cast %swap3A_72 : vector<1x16xf32> to vector<16xf32>
      %swap3A_74 = vector.shape_cast %broadcast_in_dim3A_69 : vector<16xf32> to vector<1x16xf32>
      tpu.vector_store %arg10[%swap3A_70, %swap3A_71], %swap3A_74 {strides = array<i32>} : memref<128x128xf32, #tpu.memory_space<vmem>>, vector<1x16xf32>,
      %broadcast_in_dim3A_75 = arith.constant 0.000000e+00 : f32
      %broadcast_in_dim3A_76 = vector.broadcast %broadcast_in_dim3A_75 : f32 to vector<16xf32>
      %swap3A_77 = arith.index_cast %scan3A_27 : i32 to index
      %swap3A_78 = arith.constant 112 : index
      %swap3A_79 = tpu.vector_load %arg10[%swap3A_77, %swap3A_78] {strides = array<i32>} : memref<128x128xf32, #tpu.memory_space<vmem>>, vector<1x16xf32>,
      %swap3A_80 = vector.shape_cast %swap3A_79 : vector<1x16xf32> to vector<16xf32>
      %swap3A_81 = vector.shape_cast %broadcast_in_dim3A_76 : vector<16xf32> to vector<1x16xf32>
      tpu.vector_store %arg10[%swap3A_77, %swap3A_78], %swap3A_81 {strides = array<i32>} : memref<128x128xf32, #tpu.memory_space<vmem>>, vector<1x16xf32>,
    }
    %scan3A_5 = arith.constant 128 : i32
    %scan3A_6 = arith.constant 0 : i32
    %scan3A_7 = arith.constant 0 : i32
    %scan3A_8 = arith.constant 5 : i32
    %scan3A_9 = arith.addi %scan3A_7, %scan3A_8 : i32
    %scan3A_10 = arith.constant 1 : i32
    scf.for %scan3A_27 = %scan3A_7 to %scan3A_9 step %scan3A_10  : i32 {
      %mul3A_28 = arith.constant 640 : i32
      %mul3A_29 = arith.muli %arg1, %mul3A_28 : i32
      %mul3A_30 = arith.constant 128 : i32
      %mul3A_31 = arith.muli %scan3A_27, %mul3A_30 : i32
      %add3A_32 = arith.addi %mul3A_29, %mul3A_31 : i32
      "tpu.region"() ({
        %run_scoped3A = tpu.sem_alloc : memref<!tpu.dma_semaphore, #tpu.memory_space<semaphore_mem>>
        %dma_start3A = arith.constant 0 : i32
        %dma_start3A_33 = tpu.memref_slice %arg6[%add3A_32, %dma_start3A] : memref<10240x128xf32, #tpu.memory_space<vmem_shared>> -> memref<128x128xf32, #tpu.memory_space<vmem_shared>>
        %dma_start3A_34 = arith.constant 0 : i32
        %dma_start3A_35 = tpu.memref_slice %arg6[%add3A_32, %dma_start3A_34] : memref<10240x128xf32, #tpu.memory_space<vmem_shared>> -> memref<128x128xf32, #tpu.memory_space<vmem_shared>>
        tpu.enqueue_dma source(%arg10 : memref<128x128xf32, #tpu.memory_space<vmem>>) target(%dma_start3A_35 : memref<128x128xf32, #tpu.memory_space<vmem_shared>>) target_semaphore(%run_scoped3A : memref<!tpu.dma_semaphore, #tpu.memory_space<semaphore_mem>>)
        %dma_wait3A = arith.constant 0 : i32
        %dma_wait3A_36 = tpu.memref_slice %arg6[%add3A_32, %dma_wait3A] : memref<10240x128xf32, #tpu.memory_space<vmem_shared>> -> memref<128x128xf32, #tpu.memory_space<vmem_shared>>
        %dma_wait3A_37 = arith.constant 0 : i32
        %dma_wait3A_38 = tpu.memref_slice %arg6[%add3A_32, %dma_wait3A_37] : memref<10240x128xf32, #tpu.memory_space<vmem_shared>> -> memref<128x128xf32, #tpu.memory_space<vmem_shared>>
        tpu.wait_dma2 semaphore(%run_scoped3A : memref<!tpu.dma_semaphore, #tpu.memory_space<semaphore_mem>>) src(%arg10 : memref<128x128xf32, #tpu.memory_space<vmem>>) dst(%dma_wait3A_38 : memref<128x128xf32, #tpu.memory_space<vmem_shared>>)
        tpu.yield
      }) : () -> ()
    }
    %scan3A_11 = arith.constant 5 : i32
    %barrier3A = arith.constant 0 : index
    tpu.barrier barrier_id(%barrier3A)
    %mul3A_12 = arith.constant 10000 : i32
    %mul3A_13 = arith.muli %add3A, %mul3A_12 : i32
    %scan3A_14 = arith.constant 0 : i32
    %scan3A_15 = arith.constant 0 : i32
    %scan3A_16 = arith.constant 50 : i32
    %scan3A_17 = arith.addi %scan3A_15, %scan3A_16 : i32
    %scan3A_18 = arith.constant 1 : i32
    scf.for %scan3A_27 = %scan3A_15 to %scan3A_17 step %scan3A_18  : i32 {
      %mul3A_28 = arith.constant 200 : i32
      %mul3A_29 = arith.muli %scan3A_27, %mul3A_28 : i32
      %add3A_30 = arith.addi %mul3A_13, %mul3A_29 : i32
      "tpu.region"() ({
        %run_scoped3A = tpu.sem_alloc : memref<!tpu.dma_semaphore, #tpu.memory_space<semaphore_mem>>
        %dma_start3A_43 = tpu.memref_slice %arg3[%add3A_30] : memref<320000xi32, #tpu.memory_space<hbm>> -> memref<200xi32, #tpu.memory_space<hbm>>
        %dma_start3A_44 = tpu.memref_slice %arg3[%add3A_30] : memref<320000xi32, #tpu.memory_space<hbm>> -> memref<200xi32, #tpu.memory_space<hbm>>
        tpu.enqueue_dma source(%dma_start3A_44 : memref<200xi32, #tpu.memory_space<hbm>>) target(%arg7 : memref<200xi32, #tpu.memory_space<vmem>>) target_semaphore(%run_scoped3A : memref<!tpu.dma_semaphore, #tpu.memory_space<semaphore_mem>>)
        %dma_wait3A_45 = tpu.memref_slice %arg3[%add3A_30] : memref<320000xi32, #tpu.memory_space<hbm>> -> memref<200xi32, #tpu.memory_space<hbm>>
        %dma_wait3A_46 = tpu.memref_slice %arg3[%add3A_30] : memref<320000xi32, #tpu.memory_space<hbm>> -> memref<200xi32, #tpu.memory_space<hbm>>
        tpu.wait_dma2 semaphore(%run_scoped3A : memref<!tpu.dma_semaphore, #tpu.memory_space<semaphore_mem>>) src(%dma_wait3A_46 : memref<200xi32, #tpu.memory_space<hbm>>) dst(%arg7 : memref<200xi32, #tpu.memory_space<vmem>>)
        tpu.yield
      }) : () -> ()
      "tpu.region"() ({
        %run_scoped3A = tpu.sem_alloc : memref<!tpu.dma_semaphore, #tpu.memory_space<semaphore_mem>>
        %dma_start3A_43 = tpu.memref_slice %arg4[%add3A_30] : memref<320000xi32, #tpu.memory_space<hbm>> -> memref<200xi32, #tpu.memory_space<hbm>>
        %dma_start3A_44 = tpu.memref_slice %arg4[%add3A_30] : memref<320000xi32, #tpu.memory_space<hbm>> -> memref<200xi32, #tpu.memory_space<hbm>>
        tpu.enqueue_dma source(%dma_start3A_44 : memref<200xi32, #tpu.memory_space<hbm>>) target(%arg8 : memref<200xi32, #tpu.memory_space<vmem>>) target_semaphore(%run_scoped3A : memref<!tpu.dma_semaphore, #tpu.memory_space<semaphore_mem>>)
        %dma_wait3A_45 = tpu.memref_slice %arg4[%add3A_30] : memref<320000xi32, #tpu.memory_space<hbm>> -> memref<200xi32, #tpu.memory_space<hbm>>
        %dma_wait3A_46 = tpu.memref_slice %arg4[%add3A_30] : memref<320000xi32, #tpu.memory_space<hbm>> -> memref<200xi32, #tpu.memory_space<hbm>>
        tpu.wait_dma2 semaphore(%run_scoped3A : memref<!tpu.dma_semaphore, #tpu.memory_space<semaphore_mem>>) src(%dma_wait3A_46 : memref<200xi32, #tpu.memory_space<hbm>>) dst(%arg8 : memref<200xi32, #tpu.memory_space<vmem>>)
        tpu.yield
      }) : () -> ()
      %dma_start3A = arith.constant 0 : i32
      %dma_start3A_31 = tpu.memref_slice %arg2[%add3A_30, %dma_start3A] : memref<320000x128xf32, #tpu.memory_space<hbm>> -> memref<200x128xf32, #tpu.memory_space<hbm>>
      %dma_start3A_32 = arith.constant 0 : i32
      %dma_start3A_33 = tpu.memref_slice %arg2[%add3A_30, %dma_start3A_32] : memref<320000x128xf32, #tpu.memory_space<hbm>> -> memref<200x128xf32, #tpu.memory_space<hbm>>
      tpu.enqueue_dma source(%dma_start3A_33 : memref<200x128xf32, #tpu.memory_space<hbm>>) target(%arg9 : memref<200x128xf32, #tpu.memory_space<vmem>>) target_semaphore(%arg11 : memref<!tpu.dma_semaphore, #tpu.memory_space<semaphore_mem>>)
      %dma_wait3A = arith.constant 0 : i32
      %dma_wait3A_34 = tpu.memref_slice %arg2[%add3A_30, %dma_wait3A] : memref<320000x128xf32, #tpu.memory_space<hbm>> -> memref<200x128xf32, #tpu.memory_space<hbm>>
      %dma_wait3A_35 = arith.constant 0 : i32
      %dma_wait3A_36 = tpu.memref_slice %arg2[%add3A_30, %dma_wait3A_35] : memref<320000x128xf32, #tpu.memory_space<hbm>> -> memref<200x128xf32, #tpu.memory_space<hbm>>
      tpu.wait_dma2 semaphore(%arg11 : memref<!tpu.dma_semaphore, #tpu.memory_space<semaphore_mem>>) src(%dma_wait3A_36 : memref<200x128xf32, #tpu.memory_space<hbm>>) dst(%arg9 : memref<200x128xf32, #tpu.memory_space<vmem>>)
      "tpu.region"() ({
        %run_scoped3A = tpu.sem_alloc : memref<!tpu.dma_semaphore, #tpu.memory_space<semaphore_mem>>
        %dma_start3A_43 = arith.constant 0 : i32
        %dma_start3A_44 = arith.constant 0 : i32
        %dma_start3A_45 = tpu.memref_slice %arg6[%dma_start3A_43, %dma_start3A_44] : memref<10240x128xf32, #tpu.memory_space<vmem_shared>> -> memref<10240x128xf32, #tpu.memory_space<vmem_shared>>
        tpu.enqueue_indirect_dma source(%arg9 : memref<200x128xf32, #tpu.memory_space<vmem>>) target(%dma_start3A_45 : memref<10240x128xf32, #tpu.memory_space<vmem_shared>>) offsets(%arg8 : memref<200xi32, #tpu.memory_space<vmem>>) semaphore(%run_scoped3A : memref<!tpu.dma_semaphore, #tpu.memory_space<semaphore_mem>>) {add = true}
        %dma_wait3A_46 = arith.constant 0 : i32
        %dma_wait3A_47 = arith.constant 0 : i32
        %dma_wait3A_48 = tpu.memref_slice %arg6[%dma_wait3A_46, %dma_wait3A_47] : memref<10240x128xf32, #tpu.memory_space<vmem_shared>> -> memref<10240x128xf32, #tpu.memory_space<vmem_shared>>
        tpu.wait_indirect_dma semaphore(%run_scoped3A : memref<!tpu.dma_semaphore, #tpu.memory_space<semaphore_mem>>) src(%arg9 : memref<200x128xf32, #tpu.memory_space<vmem>>) dst(%dma_wait3A_48 : memref<10240x128xf32, #tpu.memory_space<vmem_shared>>)
        tpu.yield
      }) : () -> ()
      %scan3A_37 = arith.constant 0 : i32
      %scan3A_38 = arith.constant 0 : i32
      %scan3A_39 = arith.constant 200 : i32
      %scan3A_40 = arith.addi %scan3A_38, %scan3A_39 : i32
      %scan3A_41 = arith.constant 1 : i32
      scf.for %scan3A_43 = %scan3A_38 to %scan3A_40 step %scan3A_41  : i32 {
        %get3A = arith.index_cast %scan3A_43 : i32 to index
        %get3A_44 = arith.constant 0 : index
        %get3A_45 = tpu.vector_load %arg9[%get3A, %get3A_44] {strides = array<i32>} : memref<200x128xf32, #tpu.memory_space<vmem>>, vector<1x16xf32>,
        %get3A_46 = vector.shape_cast %get3A_45 : vector<1x16xf32> to vector<16xf32>
        %neg3A = arith.constant 0.000000e+00 : f32
        %neg3A_47 = vector.broadcast %neg3A : f32 to vector<16xf32>
        %neg3A_48 = arith.subf %neg3A_47, %get3A_46 : vector<16xf32>
        %swap3A = arith.index_cast %scan3A_43 : i32 to index
        %swap3A_49 = arith.constant 0 : index
        %swap3A_50 = tpu.vector_load %arg9[%swap3A, %swap3A_49] {strides = array<i32>} : memref<200x128xf32, #tpu.memory_space<vmem>>, vector<1x16xf32>,
        %swap3A_51 = vector.shape_cast %swap3A_50 : vector<1x16xf32> to vector<16xf32>
        %swap3A_52 = vector.shape_cast %neg3A_48 : vector<16xf32> to vector<1x16xf32>
        tpu.vector_store %arg9[%swap3A, %swap3A_49], %swap3A_52 {strides = array<i32>} : memref<200x128xf32, #tpu.memory_space<vmem>>, vector<1x16xf32>,
        %get3A_53 = arith.index_cast %scan3A_43 : i32 to index
        %get3A_54 = arith.constant 16 : index
        %get3A_55 = tpu.vector_load %arg9[%get3A_53, %get3A_54] {strides = array<i32>} : memref<200x128xf32, #tpu.memory_space<vmem>>, vector<1x16xf32>,
        %get3A_56 = vector.shape_cast %get3A_55 : vector<1x16xf32> to vector<16xf32>
        %neg3A_57 = arith.constant 0.000000e+00 : f32
        %neg3A_58 = vector.broadcast %neg3A_57 : f32 to vector<16xf32>
        %neg3A_59 = arith.subf %neg3A_58, %get3A_56 : vector<16xf32>
        %swap3A_60 = arith.index_cast %scan3A_43 : i32 to index
        %swap3A_61 = arith.constant 16 : index
        %swap3A_62 = tpu.vector_load %arg9[%swap3A_60, %swap3A_61] {strides = array<i32>} : memref<200x128xf32, #tpu.memory_space<vmem>>, vector<1x16xf32>,
        %swap3A_63 = vector.shape_cast %swap3A_62 : vector<1x16xf32> to vector<16xf32>
        %swap3A_64 = vector.shape_cast %neg3A_59 : vector<16xf32> to vector<1x16xf32>
        tpu.vector_store %arg9[%swap3A_60, %swap3A_61], %swap3A_64 {strides = array<i32>} : memref<200x128xf32, #tpu.memory_space<vmem>>, vector<1x16xf32>,
        %get3A_65 = arith.index_cast %scan3A_43 : i32 to index
        %get3A_66 = arith.constant 32 : index
        %get3A_67 = tpu.vector_load %arg9[%get3A_65, %get3A_66] {strides = array<i32>} : memref<200x128xf32, #tpu.memory_space<vmem>>, vector<1x16xf32>,
        %get3A_68 = vector.shape_cast %get3A_67 : vector<1x16xf32> to vector<16xf32>
        %neg3A_69 = arith.constant 0.000000e+00 : f32
        %neg3A_70 = vector.broadcast %neg3A_69 : f32 to vector<16xf32>
        %neg3A_71 = arith.subf %neg3A_70, %get3A_68 : vector<16xf32>
        %swap3A_72 = arith.index_cast %scan3A_43 : i32 to index
        %swap3A_73 = arith.constant 32 : index
        %swap3A_74 = tpu.vector_load %arg9[%swap3A_72, %swap3A_73] {strides = array<i32>} : memref<200x128xf32, #tpu.memory_space<vmem>>, vector<1x16xf32>,
        %swap3A_75 = vector.shape_cast %swap3A_74 : vector<1x16xf32> to vector<16xf32>
        %swap3A_76 = vector.shape_cast %neg3A_71 : vector<16xf32> to vector<1x16xf32>
        tpu.vector_store %arg9[%swap3A_72, %swap3A_73], %swap3A_76 {strides = array<i32>} : memref<200x128xf32, #tpu.memory_space<vmem>>, vector<1x16xf32>,
        %get3A_77 = arith.index_cast %scan3A_43 : i32 to index
        %get3A_78 = arith.constant 48 : index
        %get3A_79 = tpu.vector_load %arg9[%get3A_77, %get3A_78] {strides = array<i32>} : memref<200x128xf32, #tpu.memory_space<vmem>>, vector<1x16xf32>,
        %get3A_80 = vector.shape_cast %get3A_79 : vector<1x16xf32> to vector<16xf32>
        %neg3A_81 = arith.constant 0.000000e+00 : f32
        %neg3A_82 = vector.broadcast %neg3A_81 : f32 to vector<16xf32>
        %neg3A_83 = arith.subf %neg3A_82, %get3A_80 : vector<16xf32>
        %swap3A_84 = arith.index_cast %scan3A_43 : i32 to index
        %swap3A_85 = arith.constant 48 : index
        %swap3A_86 = tpu.vector_load %arg9[%swap3A_84, %swap3A_85] {strides = array<i32>} : memref<200x128xf32, #tpu.memory_space<vmem>>, vector<1x16xf32>,
        %swap3A_87 = vector.shape_cast %swap3A_86 : vector<1x16xf32> to vector<16xf32>
        %swap3A_88 = vector.shape_cast %neg3A_83 : vector<16xf32> to vector<1x16xf32>
        tpu.vector_store %arg9[%swap3A_84, %swap3A_85], %swap3A_88 {strides = array<i32>} : memref<200x128xf32, #tpu.memory_space<vmem>>, vector<1x16xf32>,
        %get3A_89 = arith.index_cast %scan3A_43 : i32 to index
        %get3A_90 = arith.constant 64 : index
        %get3A_91 = tpu.vector_load %arg9[%get3A_89, %get3A_90] {strides = array<i32>} : memref<200x128xf32, #tpu.memory_space<vmem>>, vector<1x16xf32>,
        %get3A_92 = vector.shape_cast %get3A_91 : vector<1x16xf32> to vector<16xf32>
        %neg3A_93 = arith.constant 0.000000e+00 : f32
        %neg3A_94 = vector.broadcast %neg3A_93 : f32 to vector<16xf32>
        %neg3A_95 = arith.subf %neg3A_94, %get3A_92 : vector<16xf32>
        %swap3A_96 = arith.index_cast %scan3A_43 : i32 to index
        %swap3A_97 = arith.constant 64 : index
        %swap3A_98 = tpu.vector_load %arg9[%swap3A_96, %swap3A_97] {strides = array<i32>} : memref<200x128xf32, #tpu.memory_space<vmem>>, vector<1x16xf32>,
        %swap3A_99 = vector.shape_cast %swap3A_98 : vector<1x16xf32> to vector<16xf32>
        %swap3A_100 = vector.shape_cast %neg3A_95 : vector<16xf32> to vector<1x16xf32>
        tpu.vector_store %arg9[%swap3A_96, %swap3A_97], %swap3A_100 {strides = array<i32>} : memref<200x128xf32, #tpu.memory_space<vmem>>, vector<1x16xf32>,
        %get3A_101 = arith.index_cast %scan3A_43 : i32 to index
        %get3A_102 = arith.constant 80 : index
        %get3A_103 = tpu.vector_load %arg9[%get3A_101, %get3A_102] {strides = array<i32>} : memref<200x128xf32, #tpu.memory_space<vmem>>, vector<1x16xf32>,
        %get3A_104 = vector.shape_cast %get3A_103 : vector<1x16xf32> to vector<16xf32>
        %neg3A_105 = arith.constant 0.000000e+00 : f32
        %neg3A_106 = vector.broadcast %neg3A_105 : f32 to vector<16xf32>
        %neg3A_107 = arith.subf %neg3A_106, %get3A_104 : vector<16xf32>
        %swap3A_108 = arith.index_cast %scan3A_43 : i32 to index
        %swap3A_109 = arith.constant 80 : index
        %swap3A_110 = tpu.vector_load %arg9[%swap3A_108, %swap3A_109] {strides = array<i32>} : memref<200x128xf32, #tpu.memory_space<vmem>>, vector<1x16xf32>,
        %swap3A_111 = vector.shape_cast %swap3A_110 : vector<1x16xf32> to vector<16xf32>
        %swap3A_112 = vector.shape_cast %neg3A_107 : vector<16xf32> to vector<1x16xf32>
        tpu.vector_store %arg9[%swap3A_108, %swap3A_109], %swap3A_112 {strides = array<i32>} : memref<200x128xf32, #tpu.memory_space<vmem>>, vector<1x16xf32>,
        %get3A_113 = arith.index_cast %scan3A_43 : i32 to index
        %get3A_114 = arith.constant 96 : index
        %get3A_115 = tpu.vector_load %arg9[%get3A_113, %get3A_114] {strides = array<i32>} : memref<200x128xf32, #tpu.memory_space<vmem>>, vector<1x16xf32>,
        %get3A_116 = vector.shape_cast %get3A_115 : vector<1x16xf32> to vector<16xf32>
        %neg3A_117 = arith.constant 0.000000e+00 : f32
        %neg3A_118 = vector.broadcast %neg3A_117 : f32 to vector<16xf32>
        %neg3A_119 = arith.subf %neg3A_118, %get3A_116 : vector<16xf32>
        %swap3A_120 = arith.index_cast %scan3A_43 : i32 to index
        %swap3A_121 = arith.constant 96 : index
        %swap3A_122 = tpu.vector_load %arg9[%swap3A_120, %swap3A_121] {strides = array<i32>} : memref<200x128xf32, #tpu.memory_space<vmem>>, vector<1x16xf32>,
        %swap3A_123 = vector.shape_cast %swap3A_122 : vector<1x16xf32> to vector<16xf32>
        %swap3A_124 = vector.shape_cast %neg3A_119 : vector<16xf32> to vector<1x16xf32>
        tpu.vector_store %arg9[%swap3A_120, %swap3A_121], %swap3A_124 {strides = array<i32>} : memref<200x128xf32, #tpu.memory_space<vmem>>, vector<1x16xf32>,
        %get3A_125 = arith.index_cast %scan3A_43 : i32 to index
        %get3A_126 = arith.constant 112 : index
        %get3A_127 = tpu.vector_load %arg9[%get3A_125, %get3A_126] {strides = array<i32>} : memref<200x128xf32, #tpu.memory_space<vmem>>, vector<1x16xf32>,
        %get3A_128 = vector.shape_cast %get3A_127 : vector<1x16xf32> to vector<16xf32>
        %neg3A_129 = arith.constant 0.000000e+00 : f32
        %neg3A_130 = vector.broadcast %neg3A_129 : f32 to vector<16xf32>
        %neg3A_131 = arith.subf %neg3A_130, %get3A_128 : vector<16xf32>
        %swap3A_132 = arith.index_cast %scan3A_43 : i32 to index
        %swap3A_133 = arith.constant 112 : index
        %swap3A_134 = tpu.vector_load %arg9[%swap3A_132, %swap3A_133] {strides = array<i32>} : memref<200x128xf32, #tpu.memory_space<vmem>>, vector<1x16xf32>,
        %swap3A_135 = vector.shape_cast %swap3A_134 : vector<1x16xf32> to vector<16xf32>
        %swap3A_136 = vector.shape_cast %neg3A_131 : vector<16xf32> to vector<1x16xf32>
        tpu.vector_store %arg9[%swap3A_132, %swap3A_133], %swap3A_136 {strides = array<i32>} : memref<200x128xf32, #tpu.memory_space<vmem>>, vector<1x16xf32>,
      }
      %scan3A_42 = arith.constant 200 : i32
      "tpu.region"() ({
        %run_scoped3A = tpu.sem_alloc : memref<!tpu.dma_semaphore, #tpu.memory_space<semaphore_mem>>
        %dma_start3A_43 = arith.constant 0 : i32
        %dma_start3A_44 = arith.constant 0 : i32
        %dma_start3A_45 = tpu.memref_slice %arg6[%dma_start3A_43, %dma_start3A_44] : memref<10240x128xf32, #tpu.memory_space<vmem_shared>> -> memref<10240x128xf32, #tpu.memory_space<vmem_shared>>
        tpu.enqueue_indirect_dma source(%arg9 : memref<200x128xf32, #tpu.memory_space<vmem>>) target(%dma_start3A_45 : memref<10240x128xf32, #tpu.memory_space<vmem_shared>>) offsets(%arg7 : memref<200xi32, #tpu.memory_space<vmem>>) semaphore(%run_scoped3A : memref<!tpu.dma_semaphore, #tpu.memory_space<semaphore_mem>>) {add = true}
        %dma_wait3A_46 = arith.constant 0 : i32
        %dma_wait3A_47 = arith.constant 0 : i32
        %dma_wait3A_48 = tpu.memref_slice %arg6[%dma_wait3A_46, %dma_wait3A_47] : memref<10240x128xf32, #tpu.memory_space<vmem_shared>> -> memref<10240x128xf32, #tpu.memory_space<vmem_shared>>
        tpu.wait_indirect_dma semaphore(%run_scoped3A : memref<!tpu.dma_semaphore, #tpu.memory_space<semaphore_mem>>) src(%arg9 : memref<200x128xf32, #tpu.memory_space<vmem>>) dst(%dma_wait3A_48 : memref<10240x128xf32, #tpu.memory_space<vmem_shared>>)
        tpu.yield
      }) : () -> ()
    }
    %scan3A_19 = arith.constant 50 : i32
    %barrier3A_20 = arith.constant 0 : index
    tpu.barrier barrier_id(%barrier3A_20)
    %scan3A_21 = arith.constant 0 : i32
    %scan3A_22 = arith.constant 0 : i32
    %scan3A_23 = arith.constant 5 : i32
    %scan3A_24 = arith.addi %scan3A_22, %scan3A_23 : i32
    %scan3A_25 = arith.constant 1 : i32
    scf.for %scan3A_27 = %scan3A_22 to %scan3A_24 step %scan3A_25  : i32 {
      %mul3A_28 = arith.constant 640 : i32
      %mul3A_29 = arith.muli %arg1, %mul3A_28 : i32
      %mul3A_30 = arith.constant 128 : i32
      %mul3A_31 = arith.muli %scan3A_27, %mul3A_30 : i32
      %add3A_32 = arith.addi %mul3A_29, %mul3A_31 : i32
      "tpu.region"() ({
        %run_scoped3A = tpu.sem_alloc : memref<!tpu.dma_semaphore, #tpu.memory_space<semaphore_mem>>
        %dma_start3A = arith.constant 0 : i32
        %dma_start3A_33 = tpu.memref_slice %arg6[%add3A_32, %dma_start3A] : memref<10240x128xf32, #tpu.memory_space<vmem_shared>> -> memref<128x128xf32, #tpu.memory_space<vmem_shared>>
        %dma_start3A_34 = arith.constant 0 : i32
        %dma_start3A_35 = tpu.memref_slice %arg6[%add3A_32, %dma_start3A_34] : memref<10240x128xf32, #tpu.memory_space<vmem_shared>> -> memref<128x128xf32, #tpu.memory_space<vmem_shared>>
        tpu.enqueue_dma source(%dma_start3A_35 : memref<128x128xf32, #tpu.memory_space<vmem_shared>>) target(%arg10 : memref<128x128xf32, #tpu.memory_space<vmem>>) target_semaphore(%run_scoped3A : memref<!tpu.dma_semaphore, #tpu.memory_space<semaphore_mem>>)
        %dma_wait3A = arith.constant 0 : i32
        %dma_wait3A_36 = tpu.memref_slice %arg6[%add3A_32, %dma_wait3A] : memref<10240x128xf32, #tpu.memory_space<vmem_shared>> -> memref<128x128xf32, #tpu.memory_space<vmem_shared>>
        %dma_wait3A_37 = arith.constant 0 : i32
        %dma_wait3A_38 = tpu.memref_slice %arg6[%add3A_32, %dma_wait3A_37] : memref<10240x128xf32, #tpu.memory_space<vmem_shared>> -> memref<128x128xf32, #tpu.memory_space<vmem_shared>>
        tpu.wait_dma2 semaphore(%run_scoped3A : memref<!tpu.dma_semaphore, #tpu.memory_space<semaphore_mem>>) src(%dma_wait3A_38 : memref<128x128xf32, #tpu.memory_space<vmem_shared>>) dst(%arg10 : memref<128x128xf32, #tpu.memory_space<vmem>>)
        tpu.yield
      }) : () -> ()
      "tpu.region"() ({
        %run_scoped3A = tpu.sem_alloc : memref<!tpu.dma_semaphore, #tpu.memory_space<semaphore_mem>>
        %dma_start3A = arith.constant 0 : i32
        %dma_start3A_33 = tpu.memref_slice %arg5[%arg0, %add3A_32, %dma_start3A] : memref<2x10240x128xf32, #tpu.memory_space<hbm>> -> memref<1x128x128xf32, #tpu.memory_space<hbm>>
        %dma_start3A_34 = tpu.memref_squeeze %dma_start3A_33 : memref<1x128x128xf32, #tpu.memory_space<hbm>> -> memref<128x128xf32, #tpu.memory_space<hbm>>
        %dma_start3A_35 = arith.constant 0 : i32
        %dma_start3A_36 = tpu.memref_slice %arg5[%arg0, %add3A_32, %dma_start3A_35] : memref<2x10240x128xf32, #tpu.memory_space<hbm>> -> memref<1x128x128xf32, #tpu.memory_space<hbm>>
        %dma_start3A_37 = tpu.memref_squeeze %dma_start3A_36 : memref<1x128x128xf32, #tpu.memory_space<hbm>> -> memref<128x128xf32, #tpu.memory_space<hbm>>
        tpu.enqueue_dma source(%arg10 : memref<128x128xf32, #tpu.memory_space<vmem>>) target(%dma_start3A_37 : memref<128x128xf32, #tpu.memory_space<hbm>>) target_semaphore(%run_scoped3A : memref<!tpu.dma_semaphore, #tpu.memory_space<semaphore_mem>>)
        %dma_wait3A = arith.constant 0 : i32
        %dma_wait3A_38 = tpu.memref_slice %arg5[%arg0, %add3A_32, %dma_wait3A] : memref<2x10240x128xf32, #tpu.memory_space<hbm>> -> memref<1x128x128xf32, #tpu.memory_space<hbm>>
        %dma_wait3A_39 = tpu.memref_squeeze %dma_wait3A_38 : memref<1x128x128xf32, #tpu.memory_space<hbm>> -> memref<128x128xf32, #tpu.memory_space<hbm>>
        %dma_wait3A_40 = arith.constant 0 : i32
        %dma_wait3A_41 = tpu.memref_slice %arg5[%arg0, %add3A_32, %dma_wait3A_40] : memref<2x10240x128xf32, #tpu.memory_space<hbm>> -> memref<1x128x128xf32, #tpu.memory_space<hbm>>
        %dma_wait3A_42 = tpu.memref_squeeze %dma_wait3A_41 : memref<1x128x128xf32, #tpu.memory_space<hbm>> -> memref<128x128xf32, #tpu.memory_space<hbm>>
        tpu.wait_dma2 semaphore(%run_scoped3A : memref<!tpu.dma_semaphore, #tpu.memory_space<semaphore_mem>>) src(%arg10 : memref<128x128xf32, #tpu.memory_space<vmem>>) dst(%dma_wait3A_42 : memref<128x128xf32, #tpu.memory_space<hbm>>)
        tpu.yield
      }) : () -> ()
    }
    %scan3A_26 = arith.constant 5 : i32
    return
  }
}

#map = affine_map<(d0, d1) -> (0, 0)>
#map1 = affine_map<(d0, d1) -> (0)>
module attributes {stable_mosaic.version = 14 : i64} {
  func.func @edge_gather(%arg0: i32, %arg1: i32, %arg2: memref<10000x128xf32, #tpu.memory_space<hbm>>, %arg3: memref<320000xi32, #tpu.memory_space<hbm>>, %arg4: memref<320000xi32, #tpu.memory_space<hbm>>, %arg5: memref<320000x128xf32, #tpu.memory_space<hbm>>, %arg6: memref<200xi32, #tpu.memory_space<vmem>>, %arg7: memref<200xi32, #tpu.memory_space<vmem>>, %arg8: memref<200x128xf32, #tpu.memory_space<vmem>>, %arg9: memref<200x128xf32, #tpu.memory_space<vmem>>, %arg10: memref<!tpu.dma_semaphore, #tpu.memory_space<semaphore_mem>>) attributes {dimension_semantics = [#tpu.dimension_semantics<core_parallel>, #tpu.dimension_semantics<subcore_parallel>], iteration_bounds = array<i64: 2, 16>, scalar_prefetch = 0 : i64, scratch_operands = 5 : i64, tpu.core_type = #tpu.core_type<sc_vector_subcore>, window_params = [{transform_indices = #map}, {transform_indices = #map1}, {transform_indices = #map1}, {transform_indices = #map}]} {
    %mul3A = arith.constant 2 : i32
    %mul3A_0 = arith.muli %arg1, %mul3A : i32
    %add3A = arith.addi %mul3A_0, %arg0 : i32
    %mul3A_1 = arith.constant 10000 : i32
    %mul3A_2 = arith.muli %add3A, %mul3A_1 : i32
    %scan3A = arith.constant 0 : i32
    %scan3A_3 = arith.constant 0 : i32
    %scan3A_4 = arith.constant 50 : i32
    %scan3A_5 = arith.addi %scan3A_3, %scan3A_4 : i32
    %scan3A_6 = arith.constant 1 : i32
    scf.for %scan3A_8 = %scan3A_3 to %scan3A_5 step %scan3A_6  : i32 {
      %mul3A_9 = arith.constant 200 : i32
      %mul3A_10 = arith.muli %scan3A_8, %mul3A_9 : i32
      %add3A_11 = arith.addi %mul3A_2, %mul3A_10 : i32
      "tpu.region"() ({
        %run_scoped3A = tpu.sem_alloc : memref<!tpu.dma_semaphore, #tpu.memory_space<semaphore_mem>>
        %dma_start3A_28 = tpu.memref_slice %arg3[%add3A_11] : memref<320000xi32, #tpu.memory_space<hbm>> -> memref<200xi32, #tpu.memory_space<hbm>>
        %dma_start3A_29 = tpu.memref_slice %arg3[%add3A_11] : memref<320000xi32, #tpu.memory_space<hbm>> -> memref<200xi32, #tpu.memory_space<hbm>>
        tpu.enqueue_dma source(%dma_start3A_29 : memref<200xi32, #tpu.memory_space<hbm>>) target(%arg6 : memref<200xi32, #tpu.memory_space<vmem>>) target_semaphore(%run_scoped3A : memref<!tpu.dma_semaphore, #tpu.memory_space<semaphore_mem>>)
        %dma_wait3A_30 = tpu.memref_slice %arg3[%add3A_11] : memref<320000xi32, #tpu.memory_space<hbm>> -> memref<200xi32, #tpu.memory_space<hbm>>
        %dma_wait3A_31 = tpu.memref_slice %arg3[%add3A_11] : memref<320000xi32, #tpu.memory_space<hbm>> -> memref<200xi32, #tpu.memory_space<hbm>>
        tpu.wait_dma2 semaphore(%run_scoped3A : memref<!tpu.dma_semaphore, #tpu.memory_space<semaphore_mem>>) src(%dma_wait3A_31 : memref<200xi32, #tpu.memory_space<hbm>>) dst(%arg6 : memref<200xi32, #tpu.memory_space<vmem>>)
        tpu.yield
      }) : () -> ()
      "tpu.region"() ({
        %run_scoped3A = tpu.sem_alloc : memref<!tpu.dma_semaphore, #tpu.memory_space<semaphore_mem>>
        %dma_start3A_28 = tpu.memref_slice %arg4[%add3A_11] : memref<320000xi32, #tpu.memory_space<hbm>> -> memref<200xi32, #tpu.memory_space<hbm>>
        %dma_start3A_29 = tpu.memref_slice %arg4[%add3A_11] : memref<320000xi32, #tpu.memory_space<hbm>> -> memref<200xi32, #tpu.memory_space<hbm>>
        tpu.enqueue_dma source(%dma_start3A_29 : memref<200xi32, #tpu.memory_space<hbm>>) target(%arg7 : memref<200xi32, #tpu.memory_space<vmem>>) target_semaphore(%run_scoped3A : memref<!tpu.dma_semaphore, #tpu.memory_space<semaphore_mem>>)
        %dma_wait3A_30 = tpu.memref_slice %arg4[%add3A_11] : memref<320000xi32, #tpu.memory_space<hbm>> -> memref<200xi32, #tpu.memory_space<hbm>>
        %dma_wait3A_31 = tpu.memref_slice %arg4[%add3A_11] : memref<320000xi32, #tpu.memory_space<hbm>> -> memref<200xi32, #tpu.memory_space<hbm>>
        tpu.wait_dma2 semaphore(%run_scoped3A : memref<!tpu.dma_semaphore, #tpu.memory_space<semaphore_mem>>) src(%dma_wait3A_31 : memref<200xi32, #tpu.memory_space<hbm>>) dst(%arg7 : memref<200xi32, #tpu.memory_space<vmem>>)
        tpu.yield
      }) : () -> ()
      %dma_start3A = arith.constant 0 : i32
      %dma_start3A_12 = arith.constant 0 : i32
      %dma_start3A_13 = tpu.memref_slice %arg2[%dma_start3A, %dma_start3A_12] : memref<10000x128xf32, #tpu.memory_space<hbm>> -> memref<10000x128xf32, #tpu.memory_space<hbm>>
      tpu.enqueue_indirect_dma source(%dma_start3A_13 : memref<10000x128xf32, #tpu.memory_space<hbm>>) target(%arg8 : memref<200x128xf32, #tpu.memory_space<vmem>>) offsets(%arg6 : memref<200xi32, #tpu.memory_space<vmem>>) semaphore(%arg10 : memref<!tpu.dma_semaphore, #tpu.memory_space<semaphore_mem>>)
      %dma_start3A_14 = arith.constant 0 : i32
      %dma_start3A_15 = arith.constant 0 : i32
      %dma_start3A_16 = tpu.memref_slice %arg2[%dma_start3A_14, %dma_start3A_15] : memref<10000x128xf32, #tpu.memory_space<hbm>> -> memref<10000x128xf32, #tpu.memory_space<hbm>>
      tpu.enqueue_indirect_dma source(%dma_start3A_16 : memref<10000x128xf32, #tpu.memory_space<hbm>>) target(%arg9 : memref<200x128xf32, #tpu.memory_space<vmem>>) offsets(%arg7 : memref<200xi32, #tpu.memory_space<vmem>>) semaphore(%arg10 : memref<!tpu.dma_semaphore, #tpu.memory_space<semaphore_mem>>)
      %dma_wait3A = arith.constant 0 : i32
      %dma_wait3A_17 = arith.constant 0 : i32
      %dma_wait3A_18 = tpu.memref_slice %arg2[%dma_wait3A, %dma_wait3A_17] : memref<10000x128xf32, #tpu.memory_space<hbm>> -> memref<10000x128xf32, #tpu.memory_space<hbm>>
      tpu.wait_indirect_dma semaphore(%arg10 : memref<!tpu.dma_semaphore, #tpu.memory_space<semaphore_mem>>) src(%dma_wait3A_18 : memref<10000x128xf32, #tpu.memory_space<hbm>>) dst(%arg8 : memref<200x128xf32, #tpu.memory_space<vmem>>)
      %dma_wait3A_19 = arith.constant 0 : i32
      %dma_wait3A_20 = arith.constant 0 : i32
      %dma_wait3A_21 = tpu.memref_slice %arg2[%dma_wait3A_19, %dma_wait3A_20] : memref<10000x128xf32, #tpu.memory_space<hbm>> -> memref<10000x128xf32, #tpu.memory_space<hbm>>
      tpu.wait_indirect_dma semaphore(%arg10 : memref<!tpu.dma_semaphore, #tpu.memory_space<semaphore_mem>>) src(%dma_wait3A_21 : memref<10000x128xf32, #tpu.memory_space<hbm>>) dst(%arg9 : memref<200x128xf32, #tpu.memory_space<vmem>>)
      %scan3A_22 = arith.constant 0 : i32
      %scan3A_23 = arith.constant 0 : i32
      %scan3A_24 = arith.constant 200 : i32
      %scan3A_25 = arith.addi %scan3A_23, %scan3A_24 : i32
      %scan3A_26 = arith.constant 1 : i32
      scf.for %scan3A_28 = %scan3A_23 to %scan3A_25 step %scan3A_26  : i32 {
        %get3A = arith.index_cast %scan3A_28 : i32 to index
        %get3A_29 = arith.constant 0 : index
        %get3A_30 = tpu.vector_load %arg9[%get3A, %get3A_29] {strides = array<i32>} : memref<200x128xf32, #tpu.memory_space<vmem>>, vector<1x16xf32>,
        %get3A_31 = vector.shape_cast %get3A_30 : vector<1x16xf32> to vector<16xf32>
        %get3A_32 = arith.index_cast %scan3A_28 : i32 to index
        %get3A_33 = arith.constant 0 : index
        %get3A_34 = tpu.vector_load %arg8[%get3A_32, %get3A_33] {strides = array<i32>} : memref<200x128xf32, #tpu.memory_space<vmem>>, vector<1x16xf32>,
        %get3A_35 = vector.shape_cast %get3A_34 : vector<1x16xf32> to vector<16xf32>
        %sub3A = arith.subf %get3A_31, %get3A_35 : vector<16xf32>
        %swap3A = arith.index_cast %scan3A_28 : i32 to index
        %swap3A_36 = arith.constant 0 : index
        %swap3A_37 = tpu.vector_load %arg9[%swap3A, %swap3A_36] {strides = array<i32>} : memref<200x128xf32, #tpu.memory_space<vmem>>, vector<1x16xf32>,
        %swap3A_38 = vector.shape_cast %swap3A_37 : vector<1x16xf32> to vector<16xf32>
        %swap3A_39 = vector.shape_cast %sub3A : vector<16xf32> to vector<1x16xf32>
        tpu.vector_store %arg9[%swap3A, %swap3A_36], %swap3A_39 {strides = array<i32>} : memref<200x128xf32, #tpu.memory_space<vmem>>, vector<1x16xf32>,
        %get3A_40 = arith.index_cast %scan3A_28 : i32 to index
        %get3A_41 = arith.constant 16 : index
        %get3A_42 = tpu.vector_load %arg9[%get3A_40, %get3A_41] {strides = array<i32>} : memref<200x128xf32, #tpu.memory_space<vmem>>, vector<1x16xf32>,
        %get3A_43 = vector.shape_cast %get3A_42 : vector<1x16xf32> to vector<16xf32>
        %get3A_44 = arith.index_cast %scan3A_28 : i32 to index
        %get3A_45 = arith.constant 16 : index
        %get3A_46 = tpu.vector_load %arg8[%get3A_44, %get3A_45] {strides = array<i32>} : memref<200x128xf32, #tpu.memory_space<vmem>>, vector<1x16xf32>,
        %get3A_47 = vector.shape_cast %get3A_46 : vector<1x16xf32> to vector<16xf32>
        %sub3A_48 = arith.subf %get3A_43, %get3A_47 : vector<16xf32>
        %swap3A_49 = arith.index_cast %scan3A_28 : i32 to index
        %swap3A_50 = arith.constant 16 : index
        %swap3A_51 = tpu.vector_load %arg9[%swap3A_49, %swap3A_50] {strides = array<i32>} : memref<200x128xf32, #tpu.memory_space<vmem>>, vector<1x16xf32>,
        %swap3A_52 = vector.shape_cast %swap3A_51 : vector<1x16xf32> to vector<16xf32>
        %swap3A_53 = vector.shape_cast %sub3A_48 : vector<16xf32> to vector<1x16xf32>
        tpu.vector_store %arg9[%swap3A_49, %swap3A_50], %swap3A_53 {strides = array<i32>} : memref<200x128xf32, #tpu.memory_space<vmem>>, vector<1x16xf32>,
        %get3A_54 = arith.index_cast %scan3A_28 : i32 to index
        %get3A_55 = arith.constant 32 : index
        %get3A_56 = tpu.vector_load %arg9[%get3A_54, %get3A_55] {strides = array<i32>} : memref<200x128xf32, #tpu.memory_space<vmem>>, vector<1x16xf32>,
        %get3A_57 = vector.shape_cast %get3A_56 : vector<1x16xf32> to vector<16xf32>
        %get3A_58 = arith.index_cast %scan3A_28 : i32 to index
        %get3A_59 = arith.constant 32 : index
        %get3A_60 = tpu.vector_load %arg8[%get3A_58, %get3A_59] {strides = array<i32>} : memref<200x128xf32, #tpu.memory_space<vmem>>, vector<1x16xf32>,
        %get3A_61 = vector.shape_cast %get3A_60 : vector<1x16xf32> to vector<16xf32>
        %sub3A_62 = arith.subf %get3A_57, %get3A_61 : vector<16xf32>
        %swap3A_63 = arith.index_cast %scan3A_28 : i32 to index
        %swap3A_64 = arith.constant 32 : index
        %swap3A_65 = tpu.vector_load %arg9[%swap3A_63, %swap3A_64] {strides = array<i32>} : memref<200x128xf32, #tpu.memory_space<vmem>>, vector<1x16xf32>,
        %swap3A_66 = vector.shape_cast %swap3A_65 : vector<1x16xf32> to vector<16xf32>
        %swap3A_67 = vector.shape_cast %sub3A_62 : vector<16xf32> to vector<1x16xf32>
        tpu.vector_store %arg9[%swap3A_63, %swap3A_64], %swap3A_67 {strides = array<i32>} : memref<200x128xf32, #tpu.memory_space<vmem>>, vector<1x16xf32>,
        %get3A_68 = arith.index_cast %scan3A_28 : i32 to index
        %get3A_69 = arith.constant 48 : index
        %get3A_70 = tpu.vector_load %arg9[%get3A_68, %get3A_69] {strides = array<i32>} : memref<200x128xf32, #tpu.memory_space<vmem>>, vector<1x16xf32>,
        %get3A_71 = vector.shape_cast %get3A_70 : vector<1x16xf32> to vector<16xf32>
        %get3A_72 = arith.index_cast %scan3A_28 : i32 to index
        %get3A_73 = arith.constant 48 : index
        %get3A_74 = tpu.vector_load %arg8[%get3A_72, %get3A_73] {strides = array<i32>} : memref<200x128xf32, #tpu.memory_space<vmem>>, vector<1x16xf32>,
        %get3A_75 = vector.shape_cast %get3A_74 : vector<1x16xf32> to vector<16xf32>
        %sub3A_76 = arith.subf %get3A_71, %get3A_75 : vector<16xf32>
        %swap3A_77 = arith.index_cast %scan3A_28 : i32 to index
        %swap3A_78 = arith.constant 48 : index
        %swap3A_79 = tpu.vector_load %arg9[%swap3A_77, %swap3A_78] {strides = array<i32>} : memref<200x128xf32, #tpu.memory_space<vmem>>, vector<1x16xf32>,
        %swap3A_80 = vector.shape_cast %swap3A_79 : vector<1x16xf32> to vector<16xf32>
        %swap3A_81 = vector.shape_cast %sub3A_76 : vector<16xf32> to vector<1x16xf32>
        tpu.vector_store %arg9[%swap3A_77, %swap3A_78], %swap3A_81 {strides = array<i32>} : memref<200x128xf32, #tpu.memory_space<vmem>>, vector<1x16xf32>,
        %get3A_82 = arith.index_cast %scan3A_28 : i32 to index
        %get3A_83 = arith.constant 64 : index
        %get3A_84 = tpu.vector_load %arg9[%get3A_82, %get3A_83] {strides = array<i32>} : memref<200x128xf32, #tpu.memory_space<vmem>>, vector<1x16xf32>,
        %get3A_85 = vector.shape_cast %get3A_84 : vector<1x16xf32> to vector<16xf32>
        %get3A_86 = arith.index_cast %scan3A_28 : i32 to index
        %get3A_87 = arith.constant 64 : index
        %get3A_88 = tpu.vector_load %arg8[%get3A_86, %get3A_87] {strides = array<i32>} : memref<200x128xf32, #tpu.memory_space<vmem>>, vector<1x16xf32>,
        %get3A_89 = vector.shape_cast %get3A_88 : vector<1x16xf32> to vector<16xf32>
        %sub3A_90 = arith.subf %get3A_85, %get3A_89 : vector<16xf32>
        %swap3A_91 = arith.index_cast %scan3A_28 : i32 to index
        %swap3A_92 = arith.constant 64 : index
        %swap3A_93 = tpu.vector_load %arg9[%swap3A_91, %swap3A_92] {strides = array<i32>} : memref<200x128xf32, #tpu.memory_space<vmem>>, vector<1x16xf32>,
        %swap3A_94 = vector.shape_cast %swap3A_93 : vector<1x16xf32> to vector<16xf32>
        %swap3A_95 = vector.shape_cast %sub3A_90 : vector<16xf32> to vector<1x16xf32>
        tpu.vector_store %arg9[%swap3A_91, %swap3A_92], %swap3A_95 {strides = array<i32>} : memref<200x128xf32, #tpu.memory_space<vmem>>, vector<1x16xf32>,
        %get3A_96 = arith.index_cast %scan3A_28 : i32 to index
        %get3A_97 = arith.constant 80 : index
        %get3A_98 = tpu.vector_load %arg9[%get3A_96, %get3A_97] {strides = array<i32>} : memref<200x128xf32, #tpu.memory_space<vmem>>, vector<1x16xf32>,
        %get3A_99 = vector.shape_cast %get3A_98 : vector<1x16xf32> to vector<16xf32>
        %get3A_100 = arith.index_cast %scan3A_28 : i32 to index
        %get3A_101 = arith.constant 80 : index
        %get3A_102 = tpu.vector_load %arg8[%get3A_100, %get3A_101] {strides = array<i32>} : memref<200x128xf32, #tpu.memory_space<vmem>>, vector<1x16xf32>,
        %get3A_103 = vector.shape_cast %get3A_102 : vector<1x16xf32> to vector<16xf32>
        %sub3A_104 = arith.subf %get3A_99, %get3A_103 : vector<16xf32>
        %swap3A_105 = arith.index_cast %scan3A_28 : i32 to index
        %swap3A_106 = arith.constant 80 : index
        %swap3A_107 = tpu.vector_load %arg9[%swap3A_105, %swap3A_106] {strides = array<i32>} : memref<200x128xf32, #tpu.memory_space<vmem>>, vector<1x16xf32>,
        %swap3A_108 = vector.shape_cast %swap3A_107 : vector<1x16xf32> to vector<16xf32>
        %swap3A_109 = vector.shape_cast %sub3A_104 : vector<16xf32> to vector<1x16xf32>
        tpu.vector_store %arg9[%swap3A_105, %swap3A_106], %swap3A_109 {strides = array<i32>} : memref<200x128xf32, #tpu.memory_space<vmem>>, vector<1x16xf32>,
        %get3A_110 = arith.index_cast %scan3A_28 : i32 to index
        %get3A_111 = arith.constant 96 : index
        %get3A_112 = tpu.vector_load %arg9[%get3A_110, %get3A_111] {strides = array<i32>} : memref<200x128xf32, #tpu.memory_space<vmem>>, vector<1x16xf32>,
        %get3A_113 = vector.shape_cast %get3A_112 : vector<1x16xf32> to vector<16xf32>
        %get3A_114 = arith.index_cast %scan3A_28 : i32 to index
        %get3A_115 = arith.constant 96 : index
        %get3A_116 = tpu.vector_load %arg8[%get3A_114, %get3A_115] {strides = array<i32>} : memref<200x128xf32, #tpu.memory_space<vmem>>, vector<1x16xf32>,
        %get3A_117 = vector.shape_cast %get3A_116 : vector<1x16xf32> to vector<16xf32>
        %sub3A_118 = arith.subf %get3A_113, %get3A_117 : vector<16xf32>
        %swap3A_119 = arith.index_cast %scan3A_28 : i32 to index
        %swap3A_120 = arith.constant 96 : index
        %swap3A_121 = tpu.vector_load %arg9[%swap3A_119, %swap3A_120] {strides = array<i32>} : memref<200x128xf32, #tpu.memory_space<vmem>>, vector<1x16xf32>,
        %swap3A_122 = vector.shape_cast %swap3A_121 : vector<1x16xf32> to vector<16xf32>
        %swap3A_123 = vector.shape_cast %sub3A_118 : vector<16xf32> to vector<1x16xf32>
        tpu.vector_store %arg9[%swap3A_119, %swap3A_120], %swap3A_123 {strides = array<i32>} : memref<200x128xf32, #tpu.memory_space<vmem>>, vector<1x16xf32>,
        %get3A_124 = arith.index_cast %scan3A_28 : i32 to index
        %get3A_125 = arith.constant 112 : index
        %get3A_126 = tpu.vector_load %arg9[%get3A_124, %get3A_125] {strides = array<i32>} : memref<200x128xf32, #tpu.memory_space<vmem>>, vector<1x16xf32>,
        %get3A_127 = vector.shape_cast %get3A_126 : vector<1x16xf32> to vector<16xf32>
        %get3A_128 = arith.index_cast %scan3A_28 : i32 to index
        %get3A_129 = arith.constant 112 : index
        %get3A_130 = tpu.vector_load %arg8[%get3A_128, %get3A_129] {strides = array<i32>} : memref<200x128xf32, #tpu.memory_space<vmem>>, vector<1x16xf32>,
        %get3A_131 = vector.shape_cast %get3A_130 : vector<1x16xf32> to vector<16xf32>
        %sub3A_132 = arith.subf %get3A_127, %get3A_131 : vector<16xf32>
        %swap3A_133 = arith.index_cast %scan3A_28 : i32 to index
        %swap3A_134 = arith.constant 112 : index
        %swap3A_135 = tpu.vector_load %arg9[%swap3A_133, %swap3A_134] {strides = array<i32>} : memref<200x128xf32, #tpu.memory_space<vmem>>, vector<1x16xf32>,
        %swap3A_136 = vector.shape_cast %swap3A_135 : vector<1x16xf32> to vector<16xf32>
        %swap3A_137 = vector.shape_cast %sub3A_132 : vector<16xf32> to vector<1x16xf32>
        tpu.vector_store %arg9[%swap3A_133, %swap3A_134], %swap3A_137 {strides = array<i32>} : memref<200x128xf32, #tpu.memory_space<vmem>>, vector<1x16xf32>,
      }
      %scan3A_27 = arith.constant 200 : i32
      "tpu.region"() ({
        %run_scoped3A = tpu.sem_alloc : memref<!tpu.dma_semaphore, #tpu.memory_space<semaphore_mem>>
        %dma_start3A_28 = arith.constant 0 : i32
        %dma_start3A_29 = tpu.memref_slice %arg5[%add3A_11, %dma_start3A_28] : memref<320000x128xf32, #tpu.memory_space<hbm>> -> memref<200x128xf32, #tpu.memory_space<hbm>>
        %dma_start3A_30 = arith.constant 0 : i32
        %dma_start3A_31 = tpu.memref_slice %arg5[%add3A_11, %dma_start3A_30] : memref<320000x128xf32, #tpu.memory_space<hbm>> -> memref<200x128xf32, #tpu.memory_space<hbm>>
        tpu.enqueue_dma source(%arg9 : memref<200x128xf32, #tpu.memory_space<vmem>>) target(%dma_start3A_31 : memref<200x128xf32, #tpu.memory_space<hbm>>) target_semaphore(%run_scoped3A : memref<!tpu.dma_semaphore, #tpu.memory_space<semaphore_mem>>)
        %dma_wait3A_32 = arith.constant 0 : i32
        %dma_wait3A_33 = tpu.memref_slice %arg5[%add3A_11, %dma_wait3A_32] : memref<320000x128xf32, #tpu.memory_space<hbm>> -> memref<200x128xf32, #tpu.memory_space<hbm>>
        %dma_wait3A_34 = arith.constant 0 : i32
        %dma_wait3A_35 = tpu.memref_slice %arg5[%add3A_11, %dma_wait3A_34] : memref<320000x128xf32, #tpu.memory_space<hbm>> -> memref<200x128xf32, #tpu.memory_space<hbm>>
        tpu.wait_dma2 semaphore(%run_scoped3A : memref<!tpu.dma_semaphore, #tpu.memory_space<semaphore_mem>>) src(%arg9 : memref<200x128xf32, #tpu.memory_space<vmem>>) dst(%dma_wait3A_35 : memref<200x128xf32, #tpu.memory_space<hbm>>)
        tpu.yield
      }) : () -> ()
    }
    %scan3A_7 = arith.constant 50 : i32
    return
  }
}

#map = affine_map<(d0, d1) -> (0, 0, 0)>
#map1 = affine_map<(d0, d1) -> (0)>
module attributes {stable_mosaic.version = 14 : i64} {
  func.func @tri_scatter(%arg0: i32, %arg1: i32, %arg2: memref<8x160000x16xf32, #tpu.memory_space<hbm>>, %arg3: memref<160000xi32, #tpu.memory_space<hbm>>, %arg4: memref<160000xi32, #tpu.memory_space<hbm>>, %arg5: memref<160000xi32, #tpu.memory_space<hbm>>, %arg6: memref<8x331776x16xf32, #tpu.memory_space<hbm>>, %arg7: memref<110600x16xf32, #tpu.memory_space<vmem_shared>>, %arg8: memref<400xi32, #tpu.memory_space<vmem>>, %arg9: memref<400xi32, #tpu.memory_space<vmem>>, %arg10: memref<400xi32, #tpu.memory_space<vmem>>, %arg11: memref<400xi32, #tpu.memory_space<vmem>>, %arg12: memref<400xi32, #tpu.memory_space<vmem>>, %arg13: memref<400xi32, #tpu.memory_space<vmem>>, %arg14: memref<400x16xf32, #tpu.memory_space<vmem>>, %arg15: memref<128x16xf32, #tpu.memory_space<vmem>>, %arg16: memref<128x16xf32, #tpu.memory_space<vmem>>, %arg17: memref<!tpu.dma_semaphore, #tpu.memory_space<semaphore_mem>>) attributes {dimension_semantics = [#tpu.dimension_semantics<core_parallel>, #tpu.dimension_semantics<subcore_parallel>], iteration_bounds = array<i64: 2, 16>, scalar_prefetch = 0 : i64, scratch_operands = 11 : i64, tpu.core_type = #tpu.core_type<sc_vector_subcore>, window_params = [{transform_indices = #map}, {transform_indices = #map1}, {transform_indices = #map1}, {transform_indices = #map1}, {transform_indices = #map}]} {
    %mul3A = arith.constant 10000 : i32
    %mul3A_0 = arith.muli %arg1, %mul3A : i32
    %scan3A = arith.constant 0 : i32
    %scan3A_1 = arith.constant 0 : i32
    %scan3A_2 = arith.constant 128 : i32
    %scan3A_3 = arith.addi %scan3A_1, %scan3A_2 : i32
    %scan3A_4 = arith.constant 1 : i32
    scf.for %scan3A_12 = %scan3A_1 to %scan3A_3 step %scan3A_4  : i32 {
      %broadcast_in_dim3A = arith.constant 0.000000e+00 : f32
      %broadcast_in_dim3A_13 = vector.broadcast %broadcast_in_dim3A : f32 to vector<16xf32>
      %swap3A = arith.index_cast %scan3A_12 : i32 to index
      %swap3A_14 = arith.constant 0 : index
      %swap3A_15 = tpu.vector_load %arg15[%swap3A, %swap3A_14] {strides = array<i32>} : memref<128x16xf32, #tpu.memory_space<vmem>>, vector<1x16xf32>,
      %swap3A_16 = vector.shape_cast %swap3A_15 : vector<1x16xf32> to vector<16xf32>
      %swap3A_17 = vector.shape_cast %broadcast_in_dim3A_13 : vector<16xf32> to vector<1x16xf32>
      tpu.vector_store %arg15[%swap3A, %swap3A_14], %swap3A_17 {strides = array<i32>} : memref<128x16xf32, #tpu.memory_space<vmem>>, vector<1x16xf32>,
    }
    %scan3A_5 = arith.constant 128 : i32
    %scan3A_6 = arith.constant 0 : i32
    %scan3A_7 = arith.constant 0 : i32
    %scan3A_8 = arith.constant 12 : i32
    %scan3A_9 = arith.addi %scan3A_7, %scan3A_8 : i32
    %scan3A_10 = arith.constant 1 : i32
    scf.for %scan3A_12 = %scan3A_7 to %scan3A_9 step %scan3A_10  : i32 {
      %mul3A_13 = arith.constant 2 : i32
      %mul3A_14 = arith.muli %scan3A_12, %mul3A_13 : i32
      %add3A = arith.addi %mul3A_14, %arg0 : i32
      %jit3A = arith.constant 8 : i32
      %div3A = arith.divsi %add3A, %jit3A : i32
      %sign3A = arith.constant 0 : i32
      %sign3A_15 = arith.cmpi sgt, %add3A, %sign3A : i32
      %sign3A_16 = arith.extui %sign3A_15 : i1 to i32
      %sign3A_17 = arith.constant 0 : i32
      %sign3A_18 = arith.cmpi slt, %add3A, %sign3A_17 : i32
      %sign3A_19 = arith.extui %sign3A_18 : i1 to i32
      %sign3A_20 = arith.subi %sign3A_16, %sign3A_19 : i32
      %sign3A_21 = arith.constant 0 : i32
      %sign3A_22 = arith.cmpi sgt, %jit3A, %sign3A_21 : i32
      %sign3A_23 = arith.extui %sign3A_22 : i1 to i32
      %sign3A_24 = arith.constant 0 : i32
      %sign3A_25 = arith.cmpi slt, %jit3A, %sign3A_24 : i32
      %sign3A_26 = arith.extui %sign3A_25 : i1 to i32
      %sign3A_27 = arith.subi %sign3A_23, %sign3A_26 : i32
      %ne3A = arith.cmpi ne, %sign3A_20, %sign3A_27 : i32
      %rem3A = arith.remsi %add3A, %jit3A : i32
      %ne3A_28 = arith.constant 0 : i32
      %ne3A_29 = arith.cmpi ne, %rem3A, %ne3A_28 : i32
      %and3A = arith.andi %ne3A, %ne3A_29 : i1
      %sub3A = arith.constant 1 : i32
      %sub3A_30 = arith.subi %div3A, %sub3A : i32
      %select_n3A = arith.select %and3A, %sub3A_30, %div3A : i32
      %mul3A_31 = arith.constant 8 : i32
      %mul3A_32 = arith.muli %select_n3A, %mul3A_31 : i32
      %sub3A_33 = arith.subi %add3A, %mul3A_32 : i32
      %mul3A_34 = arith.constant 110592 : i32
      %mul3A_35 = arith.muli %select_n3A, %mul3A_34 : i32
      %scan3A_36 = arith.constant 0 : i32
      %scan3A_37 = arith.constant 0 : i32
      %scan3A_38 = arith.constant 54 : i32
      %scan3A_39 = arith.addi %scan3A_37, %scan3A_38 : i32
      %scan3A_40 = arith.constant 1 : i32
      scf.for %scan3A_56 = %scan3A_37 to %scan3A_39 step %scan3A_40  : i32 {
        %mul3A_57 = arith.constant 6912 : i32
        %mul3A_58 = arith.muli %arg1, %mul3A_57 : i32
        %mul3A_59 = arith.constant 128 : i32
        %mul3A_60 = arith.muli %scan3A_56, %mul3A_59 : i32
        %add3A_61 = arith.addi %mul3A_58, %mul3A_60 : i32
        "tpu.region"() ({
          %run_scoped3A = tpu.sem_alloc : memref<!tpu.dma_semaphore, #tpu.memory_space<semaphore_mem>>
          %dma_start3A = arith.constant 0 : i32
          %dma_start3A_62 = tpu.memref_slice %arg7[%add3A_61, %dma_start3A] : memref<110600x16xf32, #tpu.memory_space<vmem_shared>> -> memref<128x16xf32, #tpu.memory_space<vmem_shared>>
          %dma_start3A_63 = arith.constant 0 : i32
          %dma_start3A_64 = tpu.memref_slice %arg7[%add3A_61, %dma_start3A_63] : memref<110600x16xf32, #tpu.memory_space<vmem_shared>> -> memref<128x16xf32, #tpu.memory_space<vmem_shared>>
          tpu.enqueue_dma source(%arg15 : memref<128x16xf32, #tpu.memory_space<vmem>>) target(%dma_start3A_64 : memref<128x16xf32, #tpu.memory_space<vmem_shared>>) target_semaphore(%run_scoped3A : memref<!tpu.dma_semaphore, #tpu.memory_space<semaphore_mem>>)
          %dma_wait3A = arith.constant 0 : i32
          %dma_wait3A_65 = tpu.memref_slice %arg7[%add3A_61, %dma_wait3A] : memref<110600x16xf32, #tpu.memory_space<vmem_shared>> -> memref<128x16xf32, #tpu.memory_space<vmem_shared>>
          %dma_wait3A_66 = arith.constant 0 : i32
          %dma_wait3A_67 = tpu.memref_slice %arg7[%add3A_61, %dma_wait3A_66] : memref<110600x16xf32, #tpu.memory_space<vmem_shared>> -> memref<128x16xf32, #tpu.memory_space<vmem_shared>>
          tpu.wait_dma2 semaphore(%run_scoped3A : memref<!tpu.dma_semaphore, #tpu.memory_space<semaphore_mem>>) src(%arg15 : memref<128x16xf32, #tpu.memory_space<vmem>>) dst(%dma_wait3A_67 : memref<128x16xf32, #tpu.memory_space<vmem_shared>>)
          tpu.yield
        }) : () -> ()
      }
      %scan3A_41 = arith.constant 54 : i32
      %barrier3A = arith.constant 0 : index
      tpu.barrier barrier_id(%barrier3A)
      %scan3A_42 = arith.constant 0 : i32
      %scan3A_43 = arith.constant 0 : i32
      %scan3A_44 = arith.constant 25 : i32
      %scan3A_45 = arith.addi %scan3A_43, %scan3A_44 : i32
      %scan3A_46 = arith.constant 1 : i32
      scf.for %scan3A_56 = %scan3A_43 to %scan3A_45 step %scan3A_46  : i32 {
        %mul3A_57 = arith.constant 400 : i32
        %mul3A_58 = arith.muli %scan3A_56, %mul3A_57 : i32
        %add3A_59 = arith.addi %mul3A_0, %mul3A_58 : i32
        %dma_start3A = arith.constant 0 : i32
        %dma_start3A_60 = tpu.memref_slice %arg2[%sub3A_33, %add3A_59, %dma_start3A] : memref<8x160000x16xf32, #tpu.memory_space<hbm>> -> memref<1x400x16xf32, #tpu.memory_space<hbm>>
        %dma_start3A_61 = tpu.memref_squeeze %dma_start3A_60 : memref<1x400x16xf32, #tpu.memory_space<hbm>> -> memref<400x16xf32, #tpu.memory_space<hbm>>
        %dma_start3A_62 = arith.constant 0 : i32
        %dma_start3A_63 = tpu.memref_slice %arg2[%sub3A_33, %add3A_59, %dma_start3A_62] : memref<8x160000x16xf32, #tpu.memory_space<hbm>> -> memref<1x400x16xf32, #tpu.memory_space<hbm>>
        %dma_start3A_64 = tpu.memref_squeeze %dma_start3A_63 : memref<1x400x16xf32, #tpu.memory_space<hbm>> -> memref<400x16xf32, #tpu.memory_space<hbm>>
        tpu.enqueue_dma source(%dma_start3A_64 : memref<400x16xf32, #tpu.memory_space<hbm>>) target(%arg14 : memref<400x16xf32, #tpu.memory_space<vmem>>) target_semaphore(%arg17 : memref<!tpu.dma_semaphore, #tpu.memory_space<semaphore_mem>>)
        %dma_start3A_65 = tpu.memref_slice %arg3[%add3A_59] : memref<160000xi32, #tpu.memory_space<hbm>> -> memref<400xi32, #tpu.memory_space<hbm>>
        %dma_start3A_66 = tpu.memref_slice %arg3[%add3A_59] : memref<160000xi32, #tpu.memory_space<hbm>> -> memref<400xi32, #tpu.memory_space<hbm>>
        tpu.enqueue_dma source(%dma_start3A_66 : memref<400xi32, #tpu.memory_space<hbm>>) target(%arg8 : memref<400xi32, #tpu.memory_space<vmem>>) target_semaphore(%arg17 : memref<!tpu.dma_semaphore, #tpu.memory_space<semaphore_mem>>)
        %dma_start3A_67 = tpu.memref_slice %arg4[%add3A_59] : memref<160000xi32, #tpu.memory_space<hbm>> -> memref<400xi32, #tpu.memory_space<hbm>>
        %dma_start3A_68 = tpu.memref_slice %arg4[%add3A_59] : memref<160000xi32, #tpu.memory_space<hbm>> -> memref<400xi32, #tpu.memory_space<hbm>>
        tpu.enqueue_dma source(%dma_start3A_68 : memref<400xi32, #tpu.memory_space<hbm>>) target(%arg9 : memref<400xi32, #tpu.memory_space<vmem>>) target_semaphore(%arg17 : memref<!tpu.dma_semaphore, #tpu.memory_space<semaphore_mem>>)
        %dma_start3A_69 = tpu.memref_slice %arg5[%add3A_59] : memref<160000xi32, #tpu.memory_space<hbm>> -> memref<400xi32, #tpu.memory_space<hbm>>
        %dma_start3A_70 = tpu.memref_slice %arg5[%add3A_59] : memref<160000xi32, #tpu.memory_space<hbm>> -> memref<400xi32, #tpu.memory_space<hbm>>
        tpu.enqueue_dma source(%dma_start3A_70 : memref<400xi32, #tpu.memory_space<hbm>>) target(%arg10 : memref<400xi32, #tpu.memory_space<vmem>>) target_semaphore(%arg17 : memref<!tpu.dma_semaphore, #tpu.memory_space<semaphore_mem>>)
        %dma_wait3A = tpu.memref_slice %arg3[%add3A_59] : memref<160000xi32, #tpu.memory_space<hbm>> -> memref<400xi32, #tpu.memory_space<hbm>>
        %dma_wait3A_71 = tpu.memref_slice %arg3[%add3A_59] : memref<160000xi32, #tpu.memory_space<hbm>> -> memref<400xi32, #tpu.memory_space<hbm>>
        tpu.wait_dma2 semaphore(%arg17 : memref<!tpu.dma_semaphore, #tpu.memory_space<semaphore_mem>>) src(%dma_wait3A_71 : memref<400xi32, #tpu.memory_space<hbm>>) dst(%arg8 : memref<400xi32, #tpu.memory_space<vmem>>)
        %scan3A_72 = arith.constant 0 : i32
        %scan3A_73 = arith.constant 0 : i32
        %scan3A_74 = arith.constant 25 : i32
        %scan3A_75 = arith.addi %scan3A_73, %scan3A_74 : i32
        %scan3A_76 = arith.constant 1 : i32
        scf.for %scan3A_106 = %scan3A_73 to %scan3A_75 step %scan3A_76  : i32 {
          %mul3A_107 = arith.constant 16 : i32
          %mul3A_108 = arith.muli %scan3A_106, %mul3A_107 : i32
          %get3A = arith.index_cast %mul3A_108 : i32 to index
          %get3A_109 = tpu.vector_load %arg8[%get3A] {strides = array<i32>} : memref<400xi32, #tpu.memory_space<vmem>>, vector<16xi32>,
          %get3A_110 = vector.shape_cast %get3A_109 : vector<16xi32> to vector<16xi32>
          %broadcast_in_dim3A = vector.broadcast %mul3A_35 : i32 to vector<16xi32>
          %sub3A_111 = arith.subi %get3A_110, %broadcast_in_dim3A : vector<16xi32>
          %broadcast_in_dim3A_112 = arith.constant 0 : i32
          %broadcast_in_dim3A_113 = vector.broadcast %broadcast_in_dim3A_112 : i32 to vector<16xi32>
          %ge3A = arith.cmpi sge, %sub3A_111, %broadcast_in_dim3A_113 : vector<16xi32>
          %broadcast_in_dim3A_114 = arith.constant 110592 : i32
          %broadcast_in_dim3A_115 = vector.broadcast %broadcast_in_dim3A_114 : i32 to vector<16xi32>
          %lt3A = arith.cmpi slt, %sub3A_111, %broadcast_in_dim3A_115 : vector<16xi32>
          %and3A_116 = arith.andi %ge3A, %lt3A : vector<16xi1>
          %broadcast_in_dim3A_117 = arith.constant 110592 : i32
          %broadcast_in_dim3A_118 = vector.broadcast %broadcast_in_dim3A_117 : i32 to vector<16xi32>
          %select_n3A_119 = arith.select %and3A_116, %sub3A_111, %broadcast_in_dim3A_118 : vector<16xi1>, vector<16xi32>
          %swap3A = arith.index_cast %mul3A_108 : i32 to index
          %swap3A_120 = tpu.vector_load %arg11[%swap3A] {strides = array<i32>} : memref<400xi32, #tpu.memory_space<vmem>>, vector<16xi32>,
          %swap3A_121 = vector.shape_cast %swap3A_120 : vector<16xi32> to vector<16xi32>
          %swap3A_122 = vector.shape_cast %select_n3A_119 : vector<16xi32> to vector<16xi32>
          tpu.vector_store %arg11[%swap3A], %swap3A_122 {strides = array<i32>} : memref<400xi32, #tpu.memory_space<vmem>>, vector<16xi32>,
        }
        %scan3A_77 = arith.constant 25 : i32
        %dma_wait3A_78 = tpu.memref_slice %arg4[%add3A_59] : memref<160000xi32, #tpu.memory_space<hbm>> -> memref<400xi32, #tpu.memory_space<hbm>>
        %dma_wait3A_79 = tpu.memref_slice %arg4[%add3A_59] : memref<160000xi32, #tpu.memory_space<hbm>> -> memref<400xi32, #tpu.memory_space<hbm>>
        tpu.wait_dma2 semaphore(%arg17 : memref<!tpu.dma_semaphore, #tpu.memory_space<semaphore_mem>>) src(%dma_wait3A_79 : memref<400xi32, #tpu.memory_space<hbm>>) dst(%arg9 : memref<400xi32, #tpu.memory_space<vmem>>)
        %scan3A_80 = arith.constant 0 : i32
        %scan3A_81 = arith.constant 0 : i32
        %scan3A_82 = arith.constant 25 : i32
        %scan3A_83 = arith.addi %scan3A_81, %scan3A_82 : i32
        %scan3A_84 = arith.constant 1 : i32
        scf.for %scan3A_106 = %scan3A_81 to %scan3A_83 step %scan3A_84  : i32 {
          %mul3A_107 = arith.constant 16 : i32
          %mul3A_108 = arith.muli %scan3A_106, %mul3A_107 : i32
          %get3A = arith.index_cast %mul3A_108 : i32 to index
          %get3A_109 = tpu.vector_load %arg9[%get3A] {strides = array<i32>} : memref<400xi32, #tpu.memory_space<vmem>>, vector<16xi32>,
          %get3A_110 = vector.shape_cast %get3A_109 : vector<16xi32> to vector<16xi32>
          %broadcast_in_dim3A = vector.broadcast %mul3A_35 : i32 to vector<16xi32>
          %sub3A_111 = arith.subi %get3A_110, %broadcast_in_dim3A : vector<16xi32>
          %broadcast_in_dim3A_112 = arith.constant 0 : i32
          %broadcast_in_dim3A_113 = vector.broadcast %broadcast_in_dim3A_112 : i32 to vector<16xi32>
          %ge3A = arith.cmpi sge, %sub3A_111, %broadcast_in_dim3A_113 : vector<16xi32>
          %broadcast_in_dim3A_114 = arith.constant 110592 : i32
          %broadcast_in_dim3A_115 = vector.broadcast %broadcast_in_dim3A_114 : i32 to vector<16xi32>
          %lt3A = arith.cmpi slt, %sub3A_111, %broadcast_in_dim3A_115 : vector<16xi32>
          %and3A_116 = arith.andi %ge3A, %lt3A : vector<16xi1>
          %broadcast_in_dim3A_117 = arith.constant 110592 : i32
          %broadcast_in_dim3A_118 = vector.broadcast %broadcast_in_dim3A_117 : i32 to vector<16xi32>
          %select_n3A_119 = arith.select %and3A_116, %sub3A_111, %broadcast_in_dim3A_118 : vector<16xi1>, vector<16xi32>
          %swap3A = arith.index_cast %mul3A_108 : i32 to index
          %swap3A_120 = tpu.vector_load %arg12[%swap3A] {strides = array<i32>} : memref<400xi32, #tpu.memory_space<vmem>>, vector<16xi32>,
          %swap3A_121 = vector.shape_cast %swap3A_120 : vector<16xi32> to vector<16xi32>
          %swap3A_122 = vector.shape_cast %select_n3A_119 : vector<16xi32> to vector<16xi32>
          tpu.vector_store %arg12[%swap3A], %swap3A_122 {strides = array<i32>} : memref<400xi32, #tpu.memory_space<vmem>>, vector<16xi32>,
        }
        %scan3A_85 = arith.constant 25 : i32
        %dma_wait3A_86 = tpu.memref_slice %arg5[%add3A_59] : memref<160000xi32, #tpu.memory_space<hbm>> -> memref<400xi32, #tpu.memory_space<hbm>>
        %dma_wait3A_87 = tpu.memref_slice %arg5[%add3A_59] : memref<160000xi32, #tpu.memory_space<hbm>> -> memref<400xi32, #tpu.memory_space<hbm>>
        tpu.wait_dma2 semaphore(%arg17 : memref<!tpu.dma_semaphore, #tpu.memory_space<semaphore_mem>>) src(%dma_wait3A_87 : memref<400xi32, #tpu.memory_space<hbm>>) dst(%arg10 : memref<400xi32, #tpu.memory_space<vmem>>)
        %scan3A_88 = arith.constant 0 : i32
        %scan3A_89 = arith.constant 0 : i32
        %scan3A_90 = arith.constant 25 : i32
        %scan3A_91 = arith.addi %scan3A_89, %scan3A_90 : i32
        %scan3A_92 = arith.constant 1 : i32
        scf.for %scan3A_106 = %scan3A_89 to %scan3A_91 step %scan3A_92  : i32 {
          %mul3A_107 = arith.constant 16 : i32
          %mul3A_108 = arith.muli %scan3A_106, %mul3A_107 : i32
          %get3A = arith.index_cast %mul3A_108 : i32 to index
          %get3A_109 = tpu.vector_load %arg10[%get3A] {strides = array<i32>} : memref<400xi32, #tpu.memory_space<vmem>>, vector<16xi32>,
          %get3A_110 = vector.shape_cast %get3A_109 : vector<16xi32> to vector<16xi32>
          %broadcast_in_dim3A = vector.broadcast %mul3A_35 : i32 to vector<16xi32>
          %sub3A_111 = arith.subi %get3A_110, %broadcast_in_dim3A : vector<16xi32>
          %broadcast_in_dim3A_112 = arith.constant 0 : i32
          %broadcast_in_dim3A_113 = vector.broadcast %broadcast_in_dim3A_112 : i32 to vector<16xi32>
          %ge3A = arith.cmpi sge, %sub3A_111, %broadcast_in_dim3A_113 : vector<16xi32>
          %broadcast_in_dim3A_114 = arith.constant 110592 : i32
          %broadcast_in_dim3A_115 = vector.broadcast %broadcast_in_dim3A_114 : i32 to vector<16xi32>
          %lt3A = arith.cmpi slt, %sub3A_111, %broadcast_in_dim3A_115 : vector<16xi32>
          %and3A_116 = arith.andi %ge3A, %lt3A : vector<16xi1>
          %broadcast_in_dim3A_117 = arith.constant 110592 : i32
          %broadcast_in_dim3A_118 = vector.broadcast %broadcast_in_dim3A_117 : i32 to vector<16xi32>
          %select_n3A_119 = arith.select %and3A_116, %sub3A_111, %broadcast_in_dim3A_118 : vector<16xi1>, vector<16xi32>
          %swap3A = arith.index_cast %mul3A_108 : i32 to index
          %swap3A_120 = tpu.vector_load %arg13[%swap3A] {strides = array<i32>} : memref<400xi32, #tpu.memory_space<vmem>>, vector<16xi32>,
          %swap3A_121 = vector.shape_cast %swap3A_120 : vector<16xi32> to vector<16xi32>
          %swap3A_122 = vector.shape_cast %select_n3A_119 : vector<16xi32> to vector<16xi32>
          tpu.vector_store %arg13[%swap3A], %swap3A_122 {strides = array<i32>} : memref<400xi32, #tpu.memory_space<vmem>>, vector<16xi32>,
        }
        %scan3A_93 = arith.constant 25 : i32
        %dma_wait3A_94 = arith.constant 0 : i32
        %dma_wait3A_95 = tpu.memref_slice %arg2[%sub3A_33, %add3A_59, %dma_wait3A_94] : memref<8x160000x16xf32, #tpu.memory_space<hbm>> -> memref<1x400x16xf32, #tpu.memory_space<hbm>>
        %dma_wait3A_96 = tpu.memref_squeeze %dma_wait3A_95 : memref<1x400x16xf32, #tpu.memory_space<hbm>> -> memref<400x16xf32, #tpu.memory_space<hbm>>
        %dma_wait3A_97 = arith.constant 0 : i32
        %dma_wait3A_98 = tpu.memref_slice %arg2[%sub3A_33, %add3A_59, %dma_wait3A_97] : memref<8x160000x16xf32, #tpu.memory_space<hbm>> -> memref<1x400x16xf32, #tpu.memory_space<hbm>>
        %dma_wait3A_99 = tpu.memref_squeeze %dma_wait3A_98 : memref<1x400x16xf32, #tpu.memory_space<hbm>> -> memref<400x16xf32, #tpu.memory_space<hbm>>
        tpu.wait_dma2 semaphore(%arg17 : memref<!tpu.dma_semaphore, #tpu.memory_space<semaphore_mem>>) src(%dma_wait3A_99 : memref<400x16xf32, #tpu.memory_space<hbm>>) dst(%arg14 : memref<400x16xf32, #tpu.memory_space<vmem>>)
        "tpu.region"() ({
          %run_scoped3A = tpu.sem_alloc : memref<!tpu.dma_semaphore, #tpu.memory_space<semaphore_mem>>
          %dma_start3A_106 = arith.constant 0 : i32
          %dma_start3A_107 = arith.constant 0 : i32
          %dma_start3A_108 = tpu.memref_slice %arg7[%dma_start3A_106, %dma_start3A_107] : memref<110600x16xf32, #tpu.memory_space<vmem_shared>> -> memref<110600x16xf32, #tpu.memory_space<vmem_shared>>
          tpu.enqueue_indirect_dma source(%arg14 : memref<400x16xf32, #tpu.memory_space<vmem>>) target(%dma_start3A_108 : memref<110600x16xf32, #tpu.memory_space<vmem_shared>>) offsets(%arg11 : memref<400xi32, #tpu.memory_space<vmem>>) semaphore(%run_scoped3A : memref<!tpu.dma_semaphore, #tpu.memory_space<semaphore_mem>>) {add = true}
          %dma_wait3A_109 = arith.constant 0 : i32
          %dma_wait3A_110 = arith.constant 0 : i32
          %dma_wait3A_111 = tpu.memref_slice %arg7[%dma_wait3A_109, %dma_wait3A_110] : memref<110600x16xf32, #tpu.memory_space<vmem_shared>> -> memref<110600x16xf32, #tpu.memory_space<vmem_shared>>
          tpu.wait_indirect_dma semaphore(%run_scoped3A : memref<!tpu.dma_semaphore, #tpu.memory_space<semaphore_mem>>) src(%arg14 : memref<400x16xf32, #tpu.memory_space<vmem>>) dst(%dma_wait3A_111 : memref<110600x16xf32, #tpu.memory_space<vmem_shared>>)
          tpu.yield
        }) : () -> ()
        "tpu.region"() ({
          %run_scoped3A = tpu.sem_alloc : memref<!tpu.dma_semaphore, #tpu.memory_space<semaphore_mem>>
          %dma_start3A_106 = arith.constant 0 : i32
          %dma_start3A_107 = arith.constant 0 : i32
          %dma_start3A_108 = tpu.memref_slice %arg7[%dma_start3A_106, %dma_start3A_107] : memref<110600x16xf32, #tpu.memory_space<vmem_shared>> -> memref<110600x16xf32, #tpu.memory_space<vmem_shared>>
          tpu.enqueue_indirect_dma source(%arg14 : memref<400x16xf32, #tpu.memory_space<vmem>>) target(%dma_start3A_108 : memref<110600x16xf32, #tpu.memory_space<vmem_shared>>) offsets(%arg13 : memref<400xi32, #tpu.memory_space<vmem>>) semaphore(%run_scoped3A : memref<!tpu.dma_semaphore, #tpu.memory_space<semaphore_mem>>) {add = true}
          %dma_wait3A_109 = arith.constant 0 : i32
          %dma_wait3A_110 = arith.constant 0 : i32
          %dma_wait3A_111 = tpu.memref_slice %arg7[%dma_wait3A_109, %dma_wait3A_110] : memref<110600x16xf32, #tpu.memory_space<vmem_shared>> -> memref<110600x16xf32, #tpu.memory_space<vmem_shared>>
          tpu.wait_indirect_dma semaphore(%run_scoped3A : memref<!tpu.dma_semaphore, #tpu.memory_space<semaphore_mem>>) src(%arg14 : memref<400x16xf32, #tpu.memory_space<vmem>>) dst(%dma_wait3A_111 : memref<110600x16xf32, #tpu.memory_space<vmem_shared>>)
          tpu.yield
        }) : () -> ()
        %scan3A_100 = arith.constant 0 : i32
        %scan3A_101 = arith.constant 0 : i32
        %scan3A_102 = arith.constant 50 : i32
        %scan3A_103 = arith.addi %scan3A_101, %scan3A_102 : i32
        %scan3A_104 = arith.constant 1 : i32
        scf.for %scan3A_106 = %scan3A_101 to %scan3A_103 step %scan3A_104  : i32 {
          %mul3A_107 = arith.constant 8 : i32
          %mul3A_108 = arith.muli %scan3A_106, %mul3A_107 : i32
          %add3A_109 = arith.constant 0 : i32
          %add3A_110 = arith.addi %mul3A_108, %add3A_109 : i32
          %get3A = arith.index_cast %add3A_110 : i32 to index
          %get3A_111 = arith.constant 0 : index
          %get3A_112 = tpu.vector_load %arg14[%get3A, %get3A_111] {strides = array<i32>} : memref<400x16xf32, #tpu.memory_space<vmem>>, vector<1x16xf32>,
          %get3A_113 = vector.shape_cast %get3A_112 : vector<1x16xf32> to vector<16xf32>
          %neg3A = arith.constant 0.000000e+00 : f32
          %neg3A_114 = vector.broadcast %neg3A : f32 to vector<16xf32>
          %neg3A_115 = arith.subf %neg3A_114, %get3A_113 : vector<16xf32>
          %swap3A = arith.index_cast %add3A_110 : i32 to index
          %swap3A_116 = arith.constant 0 : index
          %swap3A_117 = tpu.vector_load %arg14[%swap3A, %swap3A_116] {strides = array<i32>} : memref<400x16xf32, #tpu.memory_space<vmem>>, vector<1x16xf32>,
          %swap3A_118 = vector.shape_cast %swap3A_117 : vector<1x16xf32> to vector<16xf32>
          %swap3A_119 = vector.shape_cast %neg3A_115 : vector<16xf32> to vector<1x16xf32>
          tpu.vector_store %arg14[%swap3A, %swap3A_116], %swap3A_119 {strides = array<i32>} : memref<400x16xf32, #tpu.memory_space<vmem>>, vector<1x16xf32>,
          %mul3A_120 = arith.constant 8 : i32
          %mul3A_121 = arith.muli %scan3A_106, %mul3A_120 : i32
          %add3A_122 = arith.constant 1 : i32
          %add3A_123 = arith.addi %mul3A_121, %add3A_122 : i32
          %get3A_124 = arith.index_cast %add3A_123 : i32 to index
          %get3A_125 = arith.constant 0 : index
          %get3A_126 = tpu.vector_load %arg14[%get3A_124, %get3A_125] {strides = array<i32>} : memref<400x16xf32, #tpu.memory_space<vmem>>, vector<1x16xf32>,
          %get3A_127 = vector.shape_cast %get3A_126 : vector<1x16xf32> to vector<16xf32>
          %neg3A_128 = arith.constant 0.000000e+00 : f32
          %neg3A_129 = vector.broadcast %neg3A_128 : f32 to vector<16xf32>
          %neg3A_130 = arith.subf %neg3A_129, %get3A_127 : vector<16xf32>
          %swap3A_131 = arith.index_cast %add3A_123 : i32 to index
          %swap3A_132 = arith.constant 0 : index
          %swap3A_133 = tpu.vector_load %arg14[%swap3A_131, %swap3A_132] {strides = array<i32>} : memref<400x16xf32, #tpu.memory_space<vmem>>, vector<1x16xf32>,
          %swap3A_134 = vector.shape_cast %swap3A_133 : vector<1x16xf32> to vector<16xf32>
          %swap3A_135 = vector.shape_cast %neg3A_130 : vector<16xf32> to vector<1x16xf32>
          tpu.vector_store %arg14[%swap3A_131, %swap3A_132], %swap3A_135 {strides = array<i32>} : memref<400x16xf32, #tpu.memory_space<vmem>>, vector<1x16xf32>,
          %mul3A_136 = arith.constant 8 : i32
          %mul3A_137 = arith.muli %scan3A_106, %mul3A_136 : i32
          %add3A_138 = arith.constant 2 : i32
          %add3A_139 = arith.addi %mul3A_137, %add3A_138 : i32
          %get3A_140 = arith.index_cast %add3A_139 : i32 to index
          %get3A_141 = arith.constant 0 : index
          %get3A_142 = tpu.vector_load %arg14[%get3A_140, %get3A_141] {strides = array<i32>} : memref<400x16xf32, #tpu.memory_space<vmem>>, vector<1x16xf32>,
          %get3A_143 = vector.shape_cast %get3A_142 : vector<1x16xf32> to vector<16xf32>
          %neg3A_144 = arith.constant 0.000000e+00 : f32
          %neg3A_145 = vector.broadcast %neg3A_144 : f32 to vector<16xf32>
          %neg3A_146 = arith.subf %neg3A_145, %get3A_143 : vector<16xf32>
          %swap3A_147 = arith.index_cast %add3A_139 : i32 to index
          %swap3A_148 = arith.constant 0 : index
          %swap3A_149 = tpu.vector_load %arg14[%swap3A_147, %swap3A_148] {strides = array<i32>} : memref<400x16xf32, #tpu.memory_space<vmem>>, vector<1x16xf32>,
          %swap3A_150 = vector.shape_cast %swap3A_149 : vector<1x16xf32> to vector<16xf32>
          %swap3A_151 = vector.shape_cast %neg3A_146 : vector<16xf32> to vector<1x16xf32>
          tpu.vector_store %arg14[%swap3A_147, %swap3A_148], %swap3A_151 {strides = array<i32>} : memref<400x16xf32, #tpu.memory_space<vmem>>, vector<1x16xf32>,
          %mul3A_152 = arith.constant 8 : i32
          %mul3A_153 = arith.muli %scan3A_106, %mul3A_152 : i32
          %add3A_154 = arith.constant 3 : i32
          %add3A_155 = arith.addi %mul3A_153, %add3A_154 : i32
          %get3A_156 = arith.index_cast %add3A_155 : i32 to index
          %get3A_157 = arith.constant 0 : index
          %get3A_158 = tpu.vector_load %arg14[%get3A_156, %get3A_157] {strides = array<i32>} : memref<400x16xf32, #tpu.memory_space<vmem>>, vector<1x16xf32>,
          %get3A_159 = vector.shape_cast %get3A_158 : vector<1x16xf32> to vector<16xf32>
          %neg3A_160 = arith.constant 0.000000e+00 : f32
          %neg3A_161 = vector.broadcast %neg3A_160 : f32 to vector<16xf32>
          %neg3A_162 = arith.subf %neg3A_161, %get3A_159 : vector<16xf32>
          %swap3A_163 = arith.index_cast %add3A_155 : i32 to index
          %swap3A_164 = arith.constant 0 : index
          %swap3A_165 = tpu.vector_load %arg14[%swap3A_163, %swap3A_164] {strides = array<i32>} : memref<400x16xf32, #tpu.memory_space<vmem>>, vector<1x16xf32>,
          %swap3A_166 = vector.shape_cast %swap3A_165 : vector<1x16xf32> to vector<16xf32>
          %swap3A_167 = vector.shape_cast %neg3A_162 : vector<16xf32> to vector<1x16xf32>
          tpu.vector_store %arg14[%swap3A_163, %swap3A_164], %swap3A_167 {strides = array<i32>} : memref<400x16xf32, #tpu.memory_space<vmem>>, vector<1x16xf32>,
          %mul3A_168 = arith.constant 8 : i32
          %mul3A_169 = arith.muli %scan3A_106, %mul3A_168 : i32
          %add3A_170 = arith.constant 4 : i32
          %add3A_171 = arith.addi %mul3A_169, %add3A_170 : i32
          %get3A_172 = arith.index_cast %add3A_171 : i32 to index
          %get3A_173 = arith.constant 0 : index
          %get3A_174 = tpu.vector_load %arg14[%get3A_172, %get3A_173] {strides = array<i32>} : memref<400x16xf32, #tpu.memory_space<vmem>>, vector<1x16xf32>,
          %get3A_175 = vector.shape_cast %get3A_174 : vector<1x16xf32> to vector<16xf32>
          %neg3A_176 = arith.constant 0.000000e+00 : f32
          %neg3A_177 = vector.broadcast %neg3A_176 : f32 to vector<16xf32>
          %neg3A_178 = arith.subf %neg3A_177, %get3A_175 : vector<16xf32>
          %swap3A_179 = arith.index_cast %add3A_171 : i32 to index
          %swap3A_180 = arith.constant 0 : index
          %swap3A_181 = tpu.vector_load %arg14[%swap3A_179, %swap3A_180] {strides = array<i32>} : memref<400x16xf32, #tpu.memory_space<vmem>>, vector<1x16xf32>,
          %swap3A_182 = vector.shape_cast %swap3A_181 : vector<1x16xf32> to vector<16xf32>
          %swap3A_183 = vector.shape_cast %neg3A_178 : vector<16xf32> to vector<1x16xf32>
          tpu.vector_store %arg14[%swap3A_179, %swap3A_180], %swap3A_183 {strides = array<i32>} : memref<400x16xf32, #tpu.memory_space<vmem>>, vector<1x16xf32>,
          %mul3A_184 = arith.constant 8 : i32
          %mul3A_185 = arith.muli %scan3A_106, %mul3A_184 : i32
          %add3A_186 = arith.constant 5 : i32
          %add3A_187 = arith.addi %mul3A_185, %add3A_186 : i32
          %get3A_188 = arith.index_cast %add3A_187 : i32 to index
          %get3A_189 = arith.constant 0 : index
          %get3A_190 = tpu.vector_load %arg14[%get3A_188, %get3A_189] {strides = array<i32>} : memref<400x16xf32, #tpu.memory_space<vmem>>, vector<1x16xf32>,
          %get3A_191 = vector.shape_cast %get3A_190 : vector<1x16xf32> to vector<16xf32>
          %neg3A_192 = arith.constant 0.000000e+00 : f32
          %neg3A_193 = vector.broadcast %neg3A_192 : f32 to vector<16xf32>
          %neg3A_194 = arith.subf %neg3A_193, %get3A_191 : vector<16xf32>
          %swap3A_195 = arith.index_cast %add3A_187 : i32 to index
          %swap3A_196 = arith.constant 0 : index
          %swap3A_197 = tpu.vector_load %arg14[%swap3A_195, %swap3A_196] {strides = array<i32>} : memref<400x16xf32, #tpu.memory_space<vmem>>, vector<1x16xf32>,
          %swap3A_198 = vector.shape_cast %swap3A_197 : vector<1x16xf32> to vector<16xf32>
          %swap3A_199 = vector.shape_cast %neg3A_194 : vector<16xf32> to vector<1x16xf32>
          tpu.vector_store %arg14[%swap3A_195, %swap3A_196], %swap3A_199 {strides = array<i32>} : memref<400x16xf32, #tpu.memory_space<vmem>>, vector<1x16xf32>,
          %mul3A_200 = arith.constant 8 : i32
          %mul3A_201 = arith.muli %scan3A_106, %mul3A_200 : i32
          %add3A_202 = arith.constant 6 : i32
          %add3A_203 = arith.addi %mul3A_201, %add3A_202 : i32
          %get3A_204 = arith.index_cast %add3A_203 : i32 to index
          %get3A_205 = arith.constant 0 : index
          %get3A_206 = tpu.vector_load %arg14[%get3A_204, %get3A_205] {strides = array<i32>} : memref<400x16xf32, #tpu.memory_space<vmem>>, vector<1x16xf32>,
          %get3A_207 = vector.shape_cast %get3A_206 : vector<1x16xf32> to vector<16xf32>
          %neg3A_208 = arith.constant 0.000000e+00 : f32
          %neg3A_209 = vector.broadcast %neg3A_208 : f32 to vector<16xf32>
          %neg3A_210 = arith.subf %neg3A_209, %get3A_207 : vector<16xf32>
          %swap3A_211 = arith.index_cast %add3A_203 : i32 to index
          %swap3A_212 = arith.constant 0 : index
          %swap3A_213 = tpu.vector_load %arg14[%swap3A_211, %swap3A_212] {strides = array<i32>} : memref<400x16xf32, #tpu.memory_space<vmem>>, vector<1x16xf32>,
          %swap3A_214 = vector.shape_cast %swap3A_213 : vector<1x16xf32> to vector<16xf32>
          %swap3A_215 = vector.shape_cast %neg3A_210 : vector<16xf32> to vector<1x16xf32>
          tpu.vector_store %arg14[%swap3A_211, %swap3A_212], %swap3A_215 {strides = array<i32>} : memref<400x16xf32, #tpu.memory_space<vmem>>, vector<1x16xf32>,
          %mul3A_216 = arith.constant 8 : i32
          %mul3A_217 = arith.muli %scan3A_106, %mul3A_216 : i32
          %add3A_218 = arith.constant 7 : i32
          %add3A_219 = arith.addi %mul3A_217, %add3A_218 : i32
          %get3A_220 = arith.index_cast %add3A_219 : i32 to index
          %get3A_221 = arith.constant 0 : index
          %get3A_222 = tpu.vector_load %arg14[%get3A_220, %get3A_221] {strides = array<i32>} : memref<400x16xf32, #tpu.memory_space<vmem>>, vector<1x16xf32>,
          %get3A_223 = vector.shape_cast %get3A_222 : vector<1x16xf32> to vector<16xf32>
          %neg3A_224 = arith.constant 0.000000e+00 : f32
          %neg3A_225 = vector.broadcast %neg3A_224 : f32 to vector<16xf32>
          %neg3A_226 = arith.subf %neg3A_225, %get3A_223 : vector<16xf32>
          %swap3A_227 = arith.index_cast %add3A_219 : i32 to index
          %swap3A_228 = arith.constant 0 : index
          %swap3A_229 = tpu.vector_load %arg14[%swap3A_227, %swap3A_228] {strides = array<i32>} : memref<400x16xf32, #tpu.memory_space<vmem>>, vector<1x16xf32>,
          %swap3A_230 = vector.shape_cast %swap3A_229 : vector<1x16xf32> to vector<16xf32>
          %swap3A_231 = vector.shape_cast %neg3A_226 : vector<16xf32> to vector<1x16xf32>
          tpu.vector_store %arg14[%swap3A_227, %swap3A_228], %swap3A_231 {strides = array<i32>} : memref<400x16xf32, #tpu.memory_space<vmem>>, vector<1x16xf32>,
        }
        %scan3A_105 = arith.constant 50 : i32
        "tpu.region"() ({
          %run_scoped3A = tpu.sem_alloc : memref<!tpu.dma_semaphore, #tpu.memory_space<semaphore_mem>>
          %dma_start3A_106 = arith.constant 0 : i32
          %dma_start3A_107 = arith.constant 0 : i32
          %dma_start3A_108 = tpu.memref_slice %arg7[%dma_start3A_106, %dma_start3A_107] : memref<110600x16xf32, #tpu.memory_space<vmem_shared>> -> memref<110600x16xf32, #tpu.memory_space<vmem_shared>>
          tpu.enqueue_indirect_dma source(%arg14 : memref<400x16xf32, #tpu.memory_space<vmem>>) target(%dma_start3A_108 : memref<110600x16xf32, #tpu.memory_space<vmem_shared>>) offsets(%arg12 : memref<400xi32, #tpu.memory_space<vmem>>) semaphore(%run_scoped3A : memref<!tpu.dma_semaphore, #tpu.memory_space<semaphore_mem>>) {add = true}
          %dma_wait3A_109 = arith.constant 0 : i32
          %dma_wait3A_110 = arith.constant 0 : i32
          %dma_wait3A_111 = tpu.memref_slice %arg7[%dma_wait3A_109, %dma_wait3A_110] : memref<110600x16xf32, #tpu.memory_space<vmem_shared>> -> memref<110600x16xf32, #tpu.memory_space<vmem_shared>>
          tpu.wait_indirect_dma semaphore(%run_scoped3A : memref<!tpu.dma_semaphore, #tpu.memory_space<semaphore_mem>>) src(%arg14 : memref<400x16xf32, #tpu.memory_space<vmem>>) dst(%dma_wait3A_111 : memref<110600x16xf32, #tpu.memory_space<vmem_shared>>)
          tpu.yield
        }) : () -> ()
      }
      %scan3A_47 = arith.constant 25 : i32
      %barrier3A_48 = arith.constant 0 : index
      tpu.barrier barrier_id(%barrier3A_48)
      %scan3A_49 = arith.constant 0 : i32
      %scan3A_50 = arith.constant 0 : i32
      %scan3A_51 = arith.constant 54 : i32
      %scan3A_52 = arith.addi %scan3A_50, %scan3A_51 : i32
      %scan3A_53 = arith.constant 1 : i32
      scf.for %scan3A_56 = %scan3A_50 to %scan3A_52 step %scan3A_53  : i32 {
        %mul3A_57 = arith.constant 6912 : i32
        %mul3A_58 = arith.muli %arg1, %mul3A_57 : i32
        %mul3A_59 = arith.constant 128 : i32
        %mul3A_60 = arith.muli %scan3A_56, %mul3A_59 : i32
        %add3A_61 = arith.addi %mul3A_58, %mul3A_60 : i32
        "tpu.region"() ({
          %run_scoped3A = tpu.sem_alloc : memref<!tpu.dma_semaphore, #tpu.memory_space<semaphore_mem>>
          %dma_start3A = arith.constant 0 : i32
          %dma_start3A_63 = tpu.memref_slice %arg7[%add3A_61, %dma_start3A] : memref<110600x16xf32, #tpu.memory_space<vmem_shared>> -> memref<128x16xf32, #tpu.memory_space<vmem_shared>>
          %dma_start3A_64 = arith.constant 0 : i32
          %dma_start3A_65 = tpu.memref_slice %arg7[%add3A_61, %dma_start3A_64] : memref<110600x16xf32, #tpu.memory_space<vmem_shared>> -> memref<128x16xf32, #tpu.memory_space<vmem_shared>>
          tpu.enqueue_dma source(%dma_start3A_65 : memref<128x16xf32, #tpu.memory_space<vmem_shared>>) target(%arg16 : memref<128x16xf32, #tpu.memory_space<vmem>>) target_semaphore(%run_scoped3A : memref<!tpu.dma_semaphore, #tpu.memory_space<semaphore_mem>>)
          %dma_wait3A = arith.constant 0 : i32
          %dma_wait3A_66 = tpu.memref_slice %arg7[%add3A_61, %dma_wait3A] : memref<110600x16xf32, #tpu.memory_space<vmem_shared>> -> memref<128x16xf32, #tpu.memory_space<vmem_shared>>
          %dma_wait3A_67 = arith.constant 0 : i32
          %dma_wait3A_68 = tpu.memref_slice %arg7[%add3A_61, %dma_wait3A_67] : memref<110600x16xf32, #tpu.memory_space<vmem_shared>> -> memref<128x16xf32, #tpu.memory_space<vmem_shared>>
          tpu.wait_dma2 semaphore(%run_scoped3A : memref<!tpu.dma_semaphore, #tpu.memory_space<semaphore_mem>>) src(%dma_wait3A_68 : memref<128x16xf32, #tpu.memory_space<vmem_shared>>) dst(%arg16 : memref<128x16xf32, #tpu.memory_space<vmem>>)
          tpu.yield
        }) : () -> ()
        %add3A_62 = arith.addi %mul3A_35, %add3A_61 : i32
        "tpu.region"() ({
          %run_scoped3A = tpu.sem_alloc : memref<!tpu.dma_semaphore, #tpu.memory_space<semaphore_mem>>
          %dma_start3A = arith.constant 0 : i32
          %dma_start3A_63 = tpu.memref_slice %arg6[%sub3A_33, %add3A_62, %dma_start3A] : memref<8x331776x16xf32, #tpu.memory_space<hbm>> -> memref<1x128x16xf32, #tpu.memory_space<hbm>>
          %dma_start3A_64 = tpu.memref_squeeze %dma_start3A_63 : memref<1x128x16xf32, #tpu.memory_space<hbm>> -> memref<128x16xf32, #tpu.memory_space<hbm>>
          %dma_start3A_65 = arith.constant 0 : i32
          %dma_start3A_66 = tpu.memref_slice %arg6[%sub3A_33, %add3A_62, %dma_start3A_65] : memref<8x331776x16xf32, #tpu.memory_space<hbm>> -> memref<1x128x16xf32, #tpu.memory_space<hbm>>
          %dma_start3A_67 = tpu.memref_squeeze %dma_start3A_66 : memref<1x128x16xf32, #tpu.memory_space<hbm>> -> memref<128x16xf32, #tpu.memory_space<hbm>>
          tpu.enqueue_dma source(%arg16 : memref<128x16xf32, #tpu.memory_space<vmem>>) target(%dma_start3A_67 : memref<128x16xf32, #tpu.memory_space<hbm>>) target_semaphore(%run_scoped3A : memref<!tpu.dma_semaphore, #tpu.memory_space<semaphore_mem>>)
          %dma_wait3A = arith.constant 0 : i32
          %dma_wait3A_68 = tpu.memref_slice %arg6[%sub3A_33, %add3A_62, %dma_wait3A] : memref<8x331776x16xf32, #tpu.memory_space<hbm>> -> memref<1x128x16xf32, #tpu.memory_space<hbm>>
          %dma_wait3A_69 = tpu.memref_squeeze %dma_wait3A_68 : memref<1x128x16xf32, #tpu.memory_space<hbm>> -> memref<128x16xf32, #tpu.memory_space<hbm>>
          %dma_wait3A_70 = arith.constant 0 : i32
          %dma_wait3A_71 = tpu.memref_slice %arg6[%sub3A_33, %add3A_62, %dma_wait3A_70] : memref<8x331776x16xf32, #tpu.memory_space<hbm>> -> memref<1x128x16xf32, #tpu.memory_space<hbm>>
          %dma_wait3A_72 = tpu.memref_squeeze %dma_wait3A_71 : memref<1x128x16xf32, #tpu.memory_space<hbm>> -> memref<128x16xf32, #tpu.memory_space<hbm>>
          tpu.wait_dma2 semaphore(%run_scoped3A : memref<!tpu.dma_semaphore, #tpu.memory_space<semaphore_mem>>) src(%arg16 : memref<128x16xf32, #tpu.memory_space<vmem>>) dst(%dma_wait3A_72 : memref<128x16xf32, #tpu.memory_space<hbm>>)
          tpu.yield
        }) : () -> ()
      }
      %scan3A_54 = arith.constant 54 : i32
      %barrier3A_55 = arith.constant 0 : index
      tpu.barrier barrier_id(%barrier3A_55)
    }
    %scan3A_11 = arith.constant 12 : i32
    return
  }
}

module attributes {stable_mosaic.version = 14 : i64} {
  func.func @_combine_body(%arg0: i32, %arg1: memref<8x640x16xf32, #tpu.memory_space<vmem>>, %arg2: memref<640x128xf32, #tpu.memory_space<vmem>>, %arg3: memref<640x128xf32, #tpu.memory_space<vmem>>, %arg4: memref<128x128xf32, #tpu.memory_space<vmem>>, %arg5: memref<128x128xf32, #tpu.memory_space<vmem>>, %arg6: memref<640x128xf32, #tpu.memory_space<vmem>>) attributes {dimension_semantics = [#tpu.dimension_semantics<arbitrary>], iteration_bounds = array<i64: 500>, scalar_prefetch = 0 : i64, scratch_operands = 0 : i64, tpu.core_type = #tpu.core_type<tc>, window_params = [{transform_indices = @transform_0, window_bounds = array<i64: 8, 640, 16>}, {transform_indices = @transform_1, window_bounds = array<i64: 640, 128>}, {transform_indices = @transform_2, window_bounds = array<i64: 640, 128>}, {pipeline_mode = #tpu.pipeline_mode<synchronous>, transform_indices = @transform_3, window_bounds = array<i64: 128, 128>}, {pipeline_mode = #tpu.pipeline_mode<synchronous>, transform_indices = @transform_4, window_bounds = array<i64: 128, 128>}, {transform_indices = @transform_5, window_bounds = array<i64: 640, 128>}]} {
    %get3A = arith.constant 0 : index
    %get3A_0 = arith.constant 0 : index
    %get3A_1 = vector.load %arg2[%get3A, %get3A_0] : memref<640x128xf32, #tpu.memory_space<vmem>>, vector<640x128xf32>
    %get3A_2 = arith.constant 0 : index
    %get3A_3 = arith.constant 0 : index
    %get3A_4 = vector.load %arg5[%get3A_2, %get3A_3] : memref<128x128xf32, #tpu.memory_space<vmem>>, vector<128x128xf32>
    %dot_general3A = arith.constant dense<0.000000e+00> : vector<640x128xf32>
    %dot_general3A_5 = tpu.matmul %get3A_1, %get3A_4, %dot_general3A {dimension_numbers = #tpu.dot_dimension_numbers<[1], [0], [0], [1], [0, 0, 1, 1], [], []>, transpose_lhs_hint = false} : vector<640x128xf32>, vector<128x128xf32>, vector<640x128xf32> -> vector<640x128xf32>
    %get3A_6 = arith.constant 0 : index
    %get3A_7 = arith.constant 0 : index
    %get3A_8 = arith.constant 0 : index
    %get3A_9 = vector.load %arg1[%get3A_6, %get3A_7, %get3A_8] : memref<8x640x16xf32, #tpu.memory_space<vmem>>, vector<1x640x16xf32>
    %get3A_10 = vector.shape_cast %get3A_9 : vector<1x640x16xf32> to vector<640x16xf32>
    %get3A_11 = arith.constant 0 : index
    %get3A_12 = arith.constant 0 : index
    %get3A_13 = vector.load %arg4[%get3A_11, %get3A_12] : memref<128x128xf32, #tpu.memory_space<vmem>>, vector<16x128xf32>
    %dot_general3A_14 = arith.constant dense<0.000000e+00> : vector<640x128xf32>
    %dot_general3A_15 = tpu.matmul %get3A_10, %get3A_13, %dot_general3A_14 {dimension_numbers = #tpu.dot_dimension_numbers<[1], [0], [0], [1], [0, 0, 1, 1], [], []>, transpose_lhs_hint = false} : vector<640x16xf32>, vector<16x128xf32>, vector<640x128xf32> -> vector<640x128xf32>
    %add3A = arith.addf %dot_general3A_5, %dot_general3A_15 : vector<640x128xf32>
    %get3A_16 = arith.constant 1 : index
    %get3A_17 = arith.constant 0 : index
    %get3A_18 = arith.constant 0 : index
    %get3A_19 = vector.load %arg1[%get3A_16, %get3A_17, %get3A_18] : memref<8x640x16xf32, #tpu.memory_space<vmem>>, vector<1x640x16xf32>
    %get3A_20 = vector.shape_cast %get3A_19 : vector<1x640x16xf32> to vector<640x16xf32>
    %get3A_21 = arith.constant 16 : index
    %get3A_22 = arith.constant 0 : index
    %get3A_23 = vector.load %arg4[%get3A_21, %get3A_22] : memref<128x128xf32, #tpu.memory_space<vmem>>, vector<16x128xf32>
    %dot_general3A_24 = arith.constant dense<0.000000e+00> : vector<640x128xf32>
    %dot_general3A_25 = tpu.matmul %get3A_20, %get3A_23, %dot_general3A_24 {dimension_numbers = #tpu.dot_dimension_numbers<[1], [0], [0], [1], [0, 0, 1, 1], [], []>, transpose_lhs_hint = false} : vector<640x16xf32>, vector<16x128xf32>, vector<640x128xf32> -> vector<640x128xf32>
    %add3A_26 = arith.addf %add3A, %dot_general3A_25 : vector<640x128xf32>
    %get3A_27 = arith.constant 2 : index
    %get3A_28 = arith.constant 0 : index
    %get3A_29 = arith.constant 0 : index
    %get3A_30 = vector.load %arg1[%get3A_27, %get3A_28, %get3A_29] : memref<8x640x16xf32, #tpu.memory_space<vmem>>, vector<1x640x16xf32>
    %get3A_31 = vector.shape_cast %get3A_30 : vector<1x640x16xf32> to vector<640x16xf32>
    %get3A_32 = arith.constant 32 : index
    %get3A_33 = arith.constant 0 : index
    %get3A_34 = vector.load %arg4[%get3A_32, %get3A_33] : memref<128x128xf32, #tpu.memory_space<vmem>>, vector<16x128xf32>
    %dot_general3A_35 = arith.constant dense<0.000000e+00> : vector<640x128xf32>
    %dot_general3A_36 = tpu.matmul %get3A_31, %get3A_34, %dot_general3A_35 {dimension_numbers = #tpu.dot_dimension_numbers<[1], [0], [0], [1], [0, 0, 1, 1], [], []>, transpose_lhs_hint = false} : vector<640x16xf32>, vector<16x128xf32>, vector<640x128xf32> -> vector<640x128xf32>
    %add3A_37 = arith.addf %add3A_26, %dot_general3A_36 : vector<640x128xf32>
    %get3A_38 = arith.constant 3 : index
    %get3A_39 = arith.constant 0 : index
    %get3A_40 = arith.constant 0 : index
    %get3A_41 = vector.load %arg1[%get3A_38, %get3A_39, %get3A_40] : memref<8x640x16xf32, #tpu.memory_space<vmem>>, vector<1x640x16xf32>
    %get3A_42 = vector.shape_cast %get3A_41 : vector<1x640x16xf32> to vector<640x16xf32>
    %get3A_43 = arith.constant 48 : index
    %get3A_44 = arith.constant 0 : index
    %get3A_45 = vector.load %arg4[%get3A_43, %get3A_44] : memref<128x128xf32, #tpu.memory_space<vmem>>, vector<16x128xf32>
    %dot_general3A_46 = arith.constant dense<0.000000e+00> : vector<640x128xf32>
    %dot_general3A_47 = tpu.matmul %get3A_42, %get3A_45, %dot_general3A_46 {dimension_numbers = #tpu.dot_dimension_numbers<[1], [0], [0], [1], [0, 0, 1, 1], [], []>, transpose_lhs_hint = false} : vector<640x16xf32>, vector<16x128xf32>, vector<640x128xf32> -> vector<640x128xf32>
    %add3A_48 = arith.addf %add3A_37, %dot_general3A_47 : vector<640x128xf32>
    %get3A_49 = arith.constant 4 : index
    %get3A_50 = arith.constant 0 : index
    %get3A_51 = arith.constant 0 : index
    %get3A_52 = vector.load %arg1[%get3A_49, %get3A_50, %get3A_51] : memref<8x640x16xf32, #tpu.memory_space<vmem>>, vector<1x640x16xf32>
    %get3A_53 = vector.shape_cast %get3A_52 : vector<1x640x16xf32> to vector<640x16xf32>
    %get3A_54 = arith.constant 64 : index
    %get3A_55 = arith.constant 0 : index
    %get3A_56 = vector.load %arg4[%get3A_54, %get3A_55] : memref<128x128xf32, #tpu.memory_space<vmem>>, vector<16x128xf32>
    %dot_general3A_57 = arith.constant dense<0.000000e+00> : vector<640x128xf32>
    %dot_general3A_58 = tpu.matmul %get3A_53, %get3A_56, %dot_general3A_57 {dimension_numbers = #tpu.dot_dimension_numbers<[1], [0], [0], [1], [0, 0, 1, 1], [], []>, transpose_lhs_hint = false} : vector<640x16xf32>, vector<16x128xf32>, vector<640x128xf32> -> vector<640x128xf32>
    %add3A_59 = arith.addf %add3A_48, %dot_general3A_58 : vector<640x128xf32>
    %get3A_60 = arith.constant 5 : index
    %get3A_61 = arith.constant 0 : index
    %get3A_62 = arith.constant 0 : index
    %get3A_63 = vector.load %arg1[%get3A_60, %get3A_61, %get3A_62] : memref<8x640x16xf32, #tpu.memory_space<vmem>>, vector<1x640x16xf32>
    %get3A_64 = vector.shape_cast %get3A_63 : vector<1x640x16xf32> to vector<640x16xf32>
    %get3A_65 = arith.constant 80 : index
    %get3A_66 = arith.constant 0 : index
    %get3A_67 = vector.load %arg4[%get3A_65, %get3A_66] : memref<128x128xf32, #tpu.memory_space<vmem>>, vector<16x128xf32>
    %dot_general3A_68 = arith.constant dense<0.000000e+00> : vector<640x128xf32>
    %dot_general3A_69 = tpu.matmul %get3A_64, %get3A_67, %dot_general3A_68 {dimension_numbers = #tpu.dot_dimension_numbers<[1], [0], [0], [1], [0, 0, 1, 1], [], []>, transpose_lhs_hint = false} : vector<640x16xf32>, vector<16x128xf32>, vector<640x128xf32> -> vector<640x128xf32>
    %add3A_70 = arith.addf %add3A_59, %dot_general3A_69 : vector<640x128xf32>
    %get3A_71 = arith.constant 6 : index
    %get3A_72 = arith.constant 0 : index
    %get3A_73 = arith.constant 0 : index
    %get3A_74 = vector.load %arg1[%get3A_71, %get3A_72, %get3A_73] : memref<8x640x16xf32, #tpu.memory_space<vmem>>, vector<1x640x16xf32>
    %get3A_75 = vector.shape_cast %get3A_74 : vector<1x640x16xf32> to vector<640x16xf32>
    %get3A_76 = arith.constant 96 : index
    %get3A_77 = arith.constant 0 : index
    %get3A_78 = vector.load %arg4[%get3A_76, %get3A_77] : memref<128x128xf32, #tpu.memory_space<vmem>>, vector<16x128xf32>
    %dot_general3A_79 = arith.constant dense<0.000000e+00> : vector<640x128xf32>
    %dot_general3A_80 = tpu.matmul %get3A_75, %get3A_78, %dot_general3A_79 {dimension_numbers = #tpu.dot_dimension_numbers<[1], [0], [0], [1], [0, 0, 1, 1], [], []>, transpose_lhs_hint = false} : vector<640x16xf32>, vector<16x128xf32>, vector<640x128xf32> -> vector<640x128xf32>
    %add3A_81 = arith.addf %add3A_70, %dot_general3A_80 : vector<640x128xf32>
    %get3A_82 = arith.constant 7 : index
    %get3A_83 = arith.constant 0 : index
    %get3A_84 = arith.constant 0 : index
    %get3A_85 = vector.load %arg1[%get3A_82, %get3A_83, %get3A_84] : memref<8x640x16xf32, #tpu.memory_space<vmem>>, vector<1x640x16xf32>
    %get3A_86 = vector.shape_cast %get3A_85 : vector<1x640x16xf32> to vector<640x16xf32>
    %get3A_87 = arith.constant 112 : index
    %get3A_88 = arith.constant 0 : index
    %get3A_89 = vector.load %arg4[%get3A_87, %get3A_88] : memref<128x128xf32, #tpu.memory_space<vmem>>, vector<16x128xf32>
    %dot_general3A_90 = arith.constant dense<0.000000e+00> : vector<640x128xf32>
    %dot_general3A_91 = tpu.matmul %get3A_86, %get3A_89, %dot_general3A_90 {dimension_numbers = #tpu.dot_dimension_numbers<[1], [0], [0], [1], [0, 0, 1, 1], [], []>, transpose_lhs_hint = false} : vector<640x16xf32>, vector<16x128xf32>, vector<640x128xf32> -> vector<640x128xf32>
    %add3A_92 = arith.addf %add3A_81, %dot_general3A_91 : vector<640x128xf32>
    %get3A_93 = arith.constant 0 : index
    %get3A_94 = arith.constant 0 : index
    %get3A_95 = vector.load %arg3[%get3A_93, %get3A_94] : memref<640x128xf32, #tpu.memory_space<vmem>>, vector<640x128xf32>
    %add3A_96 = arith.addf %add3A_92, %get3A_95 : vector<640x128xf32>
    %tanh3A = math.tanh %add3A_96 : vector<640x128xf32>
    %swap3A = arith.constant 0 : index
    %swap3A_97 = arith.constant 0 : index
    %swap3A_98 = vector.load %arg6[%swap3A, %swap3A_97] : memref<640x128xf32, #tpu.memory_space<vmem>>, vector<640x128xf32>
    tpu.vector_store %arg6[%swap3A, %swap3A_97], %tanh3A {strides = array<i32>} : memref<640x128xf32, #tpu.memory_space<vmem>>, vector<640x128xf32>,
    return
  }
  func.func @transform_0(%arg0: i32) -> (i32, i32, i32) {
    %c0_i32 = arith.constant 0 : i32
    %c0_i32_0 = arith.constant 0 : i32
    %c0_i32_1 = arith.constant 0 : i32
    return %c0_i32, %arg0, %c0_i32_0 : i32, i32, i32
  }
  func.func @transform_1(%arg0: i32) -> (i32, i32) {
    %c0_i32 = arith.constant 0 : i32
    %c0_i32_0 = arith.constant 0 : i32
    return %arg0, %c0_i32 : i32, i32
  }
  func.func @transform_2(%arg0: i32) -> (i32, i32) {
    %c0_i32 = arith.constant 0 : i32
    %c0_i32_0 = arith.constant 0 : i32
    return %arg0, %c0_i32 : i32, i32
  }
  func.func @transform_3(%arg0: i32) -> (i32, i32) {
    %c0_i32 = arith.constant 0 : i32
    %c0_i32_0 = arith.constant 0 : i32
    %c0_i32_1 = arith.constant 0 : i32
    return %c0_i32, %c0_i32_0 : i32, i32
  }
  func.func @transform_4(%arg0: i32) -> (i32, i32) {
    %c0_i32 = arith.constant 0 : i32
    %c0_i32_0 = arith.constant 0 : i32
    %c0_i32_1 = arith.constant 0 : i32
    return %c0_i32, %c0_i32_0 : i32, i32
  }
  func.func @transform_5(%arg0: i32) -> (i32, i32) {
    %c0_i32 = arith.constant 0 : i32
    %c0_i32_0 = arith.constant 0 : i32
    return %arg0, %c0_i32 : i32, i32
  }
}

</mosaic_0001>

<sc_bundles>
// kernel: kernel.10.cloned.1.call-start
scs
__scs_entry_jumppad:
0x0: {  	(pc) =	sbr.rel $0x88, $3  }
0x1: {  	(tag) =	ssettag $0x0;
	lr =	simm.s32 $0x1  }
0x2: {  	[smem:$0x3F9B] =	sst lr;
	_ =	strace $0xD0000000  }
0x3: {  	_ = 	snop  }
0x4: {  	_ = 	snop  }
0x5: {  	_ = 	snop  }
0x6: {  	_ = 	snop  }
0x7: {  	_ = 	snop  }
__scs_overlays_trampoline_lowered:
0x8: {  	[smem:$0x3FAA] =	sst s0  }
0x9: {  	[smem:$0x3FAB] =	sst s1  }
0xa: {  	[smem:$0x3FAC] =	sst s2  }
0xb: {  	[smem:$0x3FAD] =	sst s3  }
0xc: {  	[smem:$0x3FAE] =	sst s4  }
0xd: {  	[smem:$0x3FAF] =	sst s5  }
0xe: {  	[smem:$0x3FB0] =	sst s6  }
0xf: {  	[smem:$0x3FB1] =	sst s7  }
0x10: {  	[smem:$0x3FB2] =	sst s8  }
0x11: {  	[smem:$0x3FB3] =	sst s9;
	s0 =	simm.s32 @!p0 $0x0  }
0x12: {  	s1 =	sld [smem:$0x3F99];
	s0 =	simm.s32 @p0 $0x1  }
0x13: {  	[smem:$0x3FB4] =	sst s0;
	s0 =	simm.s32 @!p1 $0x0  }
0x14: {  	s2 =	sld [smem:$0x3F98];
	s0 =	simm.s32 @p1 $0x1  }
0x15: {  	[smem:$0x3FB5] =	sst s0;
	s0 =	simm.s32 @!p2 $0x0  }
0x16: {  	s3 =	sld [smem:$0x3FDB];
	s0 =	simm.s32 @p2 $0x1  }
0x17: {  	s4 =	simm.s32 $0x1BF5;
	[smem:$0x3FB7] =	sst s0  }
0x18: {  	s0 =	sld [smem:$0x3F9A];
	_ =	swait.ge [sflag:s4], $0x0  }
0x19: {  	s7 =	sld [smem:$0x3F9B]  }
0x1a: {  	s8 =	sadd.s32 $0xFFFFE003, lr  }
0x1b: {  	s9 =	sadd.s32 $0xFFFFFEF7, lr;
	s5 =	simm.s32 $0xFFFFFFFF;
	p2 =	slt.u32 s8, $0xFFFFF086  }
0x1c: {  	p1 =	slt.u32 s9, $0xF7A;
	s5 =	simm.s32 @!p2 $0x0  }
0x1d: {  	s5 =	simm.s32 @p1 $0x1;
	p0 =	seq.s32 s7, s2  }
0x1e: {  	s7 =	smul.u32 @!p0 $0xF7A, s2;
	p2 =	seq.s32 @!p0 s5, $0x0  }
0x1f: {  	s9 =	smul.u32 $0xF7A, s1;
	s8 =	simm.s32 @!p0 $0x1BF5;
	p2 =	por !p2, p0  }
0x20: {  	[sflag:s8] =	ssyncset.s32 @!p0 $0xFFFFF086;
	s6 =	sadd.s32 @!p0 s3, s7;
	s7 =	simm.s32 @!p0 $0x108  }
0x21: {  	s3 =	sadd.s32 s3, s9;
	s6 =	sadd.s32 @!p0 $0x88, s6;
	s7 =	simm.s32 @p2 $0x1082  }
0x22: {  	[simem:s7], [sflag:s8] =	dma.local @!p0 [hbm:s6], $0xF7A  }
0x23: {  	s9 =	sor.u32 $0xD0000000, s2;
	s6 =	simm.s32 $0x108;
	_ =	swait.ge @!p0 [sflag:s8], $0x0  }
0x24: {  	s3 =	sadd.s32 $0x88, s3;
	s6 =	simm.s32 @!p1 $0x1082;
	[sflag:s4] =	ssyncset.s32 $0xFFFFF086  }
0x25: {  	[simem:s6], [sflag:s4] =	dma.local [hbm:s3], $0xF7A  }
0x26: {  	[smem:$0x3F9B] =	sst s1;
	(tag) =	ssettag s2;
	_ =	strace s9  }
0x27: {  	s1 =	sld [smem:$0x3FAB]  }
0x28: {  	s2 =	sld [smem:$0x3FAC]  }
0x29: {  	s4 =	sld [smem:$0x3FAE]  }
0x2a: {  	p0 =	seq.s32 s5, $0x0;
	s5 =	sld [smem:$0x3FAF]  }
0x2b: {  	s6 =	sld [smem:$0x3FB0]  }
0x2c: {  	s7 =	sld [smem:$0x3FB1]  }
0x2d: {  	s3 =	simm.s32 $0x108;
	s8 =	sld [smem:$0x3FB2]  }
0x2e: {  	s3 =	simm.s32 @!p0 $0x1082;
	s9 =	sld [smem:$0x3FB3]  }
0x2f: {  	lr =	sadd.s32 s0, s3;
	s0 =	sld [smem:$0x3FAA]  }
0x30: {  	s3 =	sld [smem:$0x3FAD]  }
0x31: {  	[smem:$0x3FB6] =	sst s10  }
0x32: {  	s10 =	sld [smem:$0x3FB4];
	_ =	sdelay $0x3  }
0x33: {  	p0 =	seq.s32 s10, $0x1;
	s10 =	sld [smem:$0x3FB6];
	_ =	sdelay $0x3  }
0x34: {  	[smem:$0x3FB6] =	sst s10  }
0x35: {  	s10 =	sld [smem:$0x3FB5];
	_ =	sdelay $0x3  }
0x36: {  	p1 =	seq.s32 s10, $0x1;
	s10 =	sld [smem:$0x3FB6];
	_ =	sdelay $0x3  }
0x37: {  	[smem:$0x3FB6] =	sst s10  }
0x38: {  	s10 =	sld [smem:$0x3FB7]  }
0x39: {  	_ = 	snop;
	(pc) =	sbr.ind lr, $3  }
0x3a: {  	_ = 	snop  }
0x3b: {  	_ = 	snop  }
0x3c: {  	p2 =	seq.s32 s10, $0x1;
	s10 =	sld [smem:$0x3FB6]  }
0x3d: {  	_ =	shalt  }
0x3e: {  	_ =	shalt  }
0x3f: {  	_ =	shalt  }
0x40: {  	_ =	shalt  }
0x41: {  	_ =	shalt  }
0x42: {  	_ =	shalt  }
0x43: {  	_ =	shalt  }
0x44: {  	_ =	shalt  }
0x45: {  	_ =	shalt  }
0x46: {  	_ =	shalt  }
0x47: {  	_ =	shalt  }
0x48: {  	_ =	shalt  }
0x49: {  	_ =	shalt  }
0x4a: {  	_ =	shalt  }
0x4b: {  	_ =	shalt  }
0x4c: {  	_ =	shalt  }
0x4d: {  	_ =	shalt  }
0x4e: {  	_ =	shalt  }
0x4f: {  	_ =	shalt  }
0x50: {  	_ =	shalt  }
0x51: {  	_ =	shalt  }
0x52: {  	_ =	shalt  }
0x53: {  	_ =	shalt  }
0x54: {  	_ =	shalt  }
0x55: {  	_ =	shalt  }
0x56: {  	_ =	shalt  }
0x57: {  	_ =	shalt  }
0x58: {  	_ =	shalt  }
0x59: {  	_ =	shalt  }
0x5a: {  	_ =	shalt  }
0x5b: {  	_ =	shalt  }
0x5c: {  	_ =	shalt  }
0x5d: {  	_ =	shalt  }
0x5e: {  	_ =	shalt  }
0x5f: {  	_ =	shalt  }
0x60: {  	_ =	shalt  }
0x61: {  	_ =	shalt  }
0x62: {  	_ =	shalt  }
0x63: {  	_ =	shalt  }
0x64: {  	_ =	shalt  }
0x65: {  	_ =	shalt  }
0x66: {  	_ =	shalt  }
0x67: {  	_ =	shalt  }
0x68: {  	_ =	shalt  }
0x69: {  	_ =	shalt  }
0x6a: {  	_ =	shalt  }
0x6b: {  	_ =	shalt  }
0x6c: {  	_ =	shalt  }
0x6d: {  	_ =	shalt  }
0x6e: {  	_ =	shalt  }
0x6f: {  	_ =	shalt  }
0x70: {  	_ =	shalt  }
0x71: {  	_ =	shalt  }
0x72: {  	_ =	shalt  }
0x73: {  	_ =	shalt  }
0x74: {  	_ =	shalt  }
0x75: {  	_ =	shalt  }
0x76: {  	_ =	shalt  }
0x77: {  	_ =	shalt  }
0x78: {  	_ =	shalt  }
0x79: {  	_ =	shalt  }
0x7a: {  	_ =	shalt  }
0x7b: {  	_ =	shalt  }
0x7c: {  	_ =	shalt  }
0x7d: {  	_ =	shalt  }
0x7e: {  	_ =	shalt  }
0x7f: {  	_ =	shalt  }
0x80: {  	_ =	shalt  }
0x81: {  	_ =	shalt  }
0x82: {  	_ =	shalt  }
0x83: {  	_ =	shalt  }
0x84: {  	_ =	shalt  }
0x85: {  	_ =	shalt  }
0x86: {  	_ =	shalt  }
0x87: {  	_ =	shalt  }
.Lfunc_end0:
.L_simem_size_0:
called_computation.1_lowered:
.L_overlay_start_0:
0x88: {  	s2 =	sld [smem:$0x3FD9]  }
0x89: {  	s3 =	sld [smem:$0x3FFE];
	_ =	sdelay $0x1  }
0x8a: {  	s1 =	srdreg.scid  }
0x8b: {  	s0 =	sand.u32 $0x1, s1  }
0x8c: {  	s17 =	sshll.u32 s0, $0xA;
	s2 =	sadd.s32 s3, s2  }
0x8d: {  	s2 =	sadd.s32 s2, s17  }
0x8e: {  	[smem:$0x3FC2] =	sst s2  }
0x8f: {  	_ = 	snop  }
0x90: {  	(tm) =	ssettm $0x1  }
0x91: {  	s18 =	sld [smem:$0x3FFB];
	_ =	sdelay $0x3  }
0x92: {  	_ =	strace s18  }
0x93: {  	s2 =	sld [smem:$0x3FFC];
	_ =	sdelay $0x3  }
0x94: {  	_ =	strace s2  }
0x95: {  	s2 =	sld [smem:$0x3FFD];
	_ =	sdelay $0x3  }
0x96: {  	_ =	strace s2  }
0x97: {  	_ =	strace $0x8FFFFFFF  }
0x98: {  	s19 =	sld [smem:$0x3FDB];
	_ =	sdelay $0x1  }
0x99: {  	s20 =	simm.s32 $_scs_section_size  }
0x9a: {  	s4 =	simm.s32 $_size__tile_overlayer_lowered;
	s5 =	simm.s32 $_tile_overlayer_lowered  }
0x9b: {  	s6 =	simm.s32 $0x1BFF;
	s21 =	sshll.u32 s5, $0x1;
	s3 =	sadd.s32 s20, s19  }
0x9c: {  	s22 =	simm.s32 $0x0;
	s4 =	sshll.u32 s4, $0x1;
	s5 =	sadd.s32 s21, s3  }
0x9d: {  	[timem:s22], [sflag:s6] =	dma.local [hbm:s5], s4  }
0x9e: {  	_ =	swait.ge [sflag:s6], s4  }
0x9f: {  	s4 =	ssub.s32 $0x0, s4;
	[sflag:s6] =	ssyncset.done $0x0  }
0xa0: {  	[sflag:s6] =	ssyncadd.s32 s4;
	_ =	sdelay $0x1  }
0xa1: {  	s23 =	simm.s32 $0x1B8B  }
0xa2: {  	_ =	swait.ge [sflag:s23], $0x1  }
0xa3: {  	[sflag:s23] =	ssyncset.done $0x0  }
0xa4: {  	[sflag:s23] =	ssyncadd.s32 $0xFFFFFFFF  }
0xa5: {  	s4 =	sld [smem:$0x0]  }
0xa6: {  	s5 =	sand.u32 $0xFFFFFFFE, s1  }
0xa7: {  	p0 =	sne.s32 s1, s5  }
0xa8: {  	s5 =	sshll.u32 @p0 s5, $0xE  }
0xa9: {  	s5 =	sadd.s32 @p0 $0x11B8D, s5;
	s6 =	sshll.u32 @p0 s4, $0x11  }
0xaa: {  	s5 =	sor.u32 @p0 s6, s5  }
0xab: {  	[sflag:s5] =	ssyncadd.remote.s32 @p0 $0x1;
	_ =	sdelay $0x1  }
0xac: {  	s5 =	simm.s32 @p0 $0x1B8D  }
0xad: {  	_ =	swait.eq @p0 [sflag:s5], $0x1  }
0xae: {  	[sflag:s5] =	ssyncadd.s32 @p0 $0xFFFFFFFF  }
0xaf: {  	s6 =	sshll.u32 @!p0 s1, $0xE  }
0xb0: {  	s6 =	sor.u32 @!p0 $0x4000, s6;
	s5 =	simm.s32 @!p0 $0x1B8D  }
0xb1: {  	s4 =	sshll.u32 @!p0 s4, $0x11;
	s6 =	sadd.s32 @!p0 $0x11B8D, s6;
	_ =	swait.eq @!p0 [sflag:s5], $0x1  }
0xb2: {  	s4 =	sor.u32 @!p0 s4, s6;
	[sflag:s5] =	ssyncadd.s32 @!p0 $0xFFFFFFFF  }
0xb3: {  	s25 =	simm.s32 $0x1B8E;
	s24 =	sld [smem:$0x3FFE];
	[sflag:s4] =	ssyncadd.remote.s32 @!p0 $0x1  }
0xb4: {  	s26 =	simm.s32 $execute0_lowered;
	[smem:$0x3FD2] =	sst s25  }
0xb5: {  	s5 =	sshll.u32 s26, $0x1;
	_ =	strace $0x8000004F;
	[dreg:$0x1] =	wrdreg $0xFFFFFFFF  }
0xb6: {  	s28 =	simm.s32 $_size_execute0_lowered;
	s3 =	sadd.s32 s3, s5;
	[dreg:$0x0] =	wrdreg $0x0  }
0xb7: {  	s5 =	sshll.u32 s28, $0x1;
	[dreg:$0x2] =	wrdreg s3  }
0xb8: {  	[dreg:$0x3] =	wrdreg s5  }
0xb9: {  	[dreg:$0x4] =	wrdreg $0xC0  }
0xba: {  	_ =	task [dreg:s22], $0x5FFFF  }
0xbb: {  	[dreg:$0x1] =	wrdreg $0xFFFFFFFF  }
0xbc: {  	[dreg:$0x0] =	wrdreg $0x60  }
0xbd: {  	[dreg:$0x2] =	wrdreg s24  }
0xbe: {  	[dreg:$0x3] =	wrdreg $0x9  }
0xbf: {  	_ =	task.clear_ibuf [dreg:s22], $0x4FFFF;
	_ =	strace $0x9000004F  }
0xc0: {  	s29 =	simm.s32 $0x9;
	_ =	strace $0x80000051  }
0xc1: {  	_ =	swait.ge [sflag:s29], $0x1  }
0xc2: {  	[sflag:s29] =	ssyncadd.s32 $0xFFFFFFFF  }
0xc3: {  	_ =	strace $0x90000051  }
0xc4: {  	_ =	sfence  }
0xc5: {  	s30 =	sld [smem:$0x0];
	_ =	sdelay $0x2  }
0xc6: {  	s31 =	sshll.u32 s1, $0xD;
	s1 =	sshrl.u32 s1, $0x2  }
0xc7: {  	s4 =	sand.u32 $0x4000, s31;
	s1 =	sadd.s32 s1, s30  }
0xc8: {  	s0 =	sor.u32 s4, s0;
	s1 =	sshll.u32 s1, $0x11  }
0xc9: {  	s0 =	sor.u32 s1, s0  }
0xca: {  	s0 =	sadd.s32 $0x8F2B, s0  }
0xcb: {  	[sflag:s0] =	ssyncadd.remote.s32 $0x1  }
0xcc: {  	_ =	sfence.sel $0xFFFF  }
0xcd: {  	[dreg:$0x0] =	wrdreg $0xFFFFFFFF;
	(pc) =	sbr.abs _section_cstart, $3  }
0xce: {  	[dreg:$0x1] =	wrdreg $0xFFFFFFFF  }
0xcf: {  	_ =	task.clear_ibuf [dreg:s22], $0x2FFFF;
	_ =	strace $0x9FFFFFFF  }
0xd0: {  	(tm) =	ssettm $0x7FFFFFFF  }
0xd1: {  	_ =	shalt  }
tec
execute0_lowered:
.L_overlay_start_1:
0x0: {  	(tag) =	ssettag $0x1  }
0x1: {  	s6 =	rddreg [dreg:$0x0]  }
0x2: {  	s0 =	rddreg [dreg:$0x1]  }
0x3: {  	s1 =	simm.s32 $0x0;
	s2 =	srdreg.scid;
	s11 =	simm.s32 $0xC8  }
0x4: {  	s12 =	simm.s32 $0x200;
	s13 =	simm.s32 $0x6600;
	s14 =	simm.s32 $0x1  }
0x5: {  	s15 =	simm.s32 $0x0;
	[smem:$0x7FF] =	sst s1;
	s3 =	sadd.s32 $0x582C00, s6  }
0x6: {  	s7 =	sand.u32 $0x1, s2;
	s4 =	sadd.s32 $0x18E00, s6;
	s2 =	stileid.u32  }
0x7: {  	s5 =	sadd.s32 $0xF000, s6;
	s6 =	sadd.s32 $0x5A9E00, s6;
	s8 =	ssub.s32 $0x2, s7  }
0x8: {  	_ =	strace $0x80000050;
	s10 =	sshll.u32 s2, $0x1;
	s9 =	sshrl.u32 s8, $0x1  }
0x9: {  	s7 =	sor.u32 s7, s10;
	s10 =	simm.s32 $0x100;
	s8 =	ssub.s32 s8, s9  }
0xa: {  	s7 =	smul.u32 $0x2710, s7;
	s9 =	simm.s32 $0x2;
	s8 =	smax.u32 s8, $0x1  }
.LBB2_1:
0xb: {  	s16 =	simm.s32 $0x0  }
.LBB2_2:
0xc: {  	s17 =	smul.u32 $0xC8, s16;
	_ =	sdelay $0x1  }
0xd: {  	s17 =	sadd.s32 s7, s17  }
0xe: {  	s18 =	sshrl.u32 s17, $0x3  }
0xf: {  	s20 =	simm.s32 $0x0;
	s19 =	sadd.s32 s4, s18  }
0x10: {  	[tilespmem:s20], [sflag:$0x2] =	stream.linear.gather [hbm4b:s19+s20], $0xC8, $0x38;
	[tilespmem:$0xCA00] =	vst v63  }
0x11: {  	_ =	swait.ge [sflag:s9], $0xC8  }
0x12: {  	[sflag:s9] =	ssyncset.done $0x0  }
0x13: {  	s18 =	sadd.s32 s5, s18;
	[sflag:s9] =	ssyncadd.s32 $0xFFFFFF38  }
0x14: {  	[tilespmem:s10], [sflag:$0x2] =	stream.linear.gather [hbm4b:s18+s20], $0xC8, $0x38;
	[tilespmem:$0xCA00] =	vst v63  }
0x15: {  	_ =	swait.ge [sflag:s9], $0xC8  }
0x16: {  	[sflag:s9] =	ssyncset.done $0x0  }
0x17: {  	[sflag:s9] =	ssyncadd.s32 $0xFFFFFF38  }
0x18: {  	[tilespmem:s12], [sflag:$0x1] =	stream.indirect.gather [hbm4b:s3+s11], $0x80, s20, s11, $0xb8;
	[tilespmem:$0xCA00] =	vst v63  }
0x19: {  	_ = 	snop  }
0x1a: {  	[tilespmem:s13], [sflag:$0x1] =	stream.indirect.gather [hbm4b:s3+s11], $0x80, s10, s11, $0xb8;
	[tilespmem:$0xCA00] =	vst v63  }
0x1b: {  	_ =	swait.ge [sflag:s14], $0x6400  }
0x1c: {  	[sflag:s14] =	ssyncset.done $0x0  }
0x1d: {  	[sflag:s14] =	ssyncadd.s32 $0xFFFF9C00  }
0x1e: {  	_ =	swait.ge [sflag:s14], $0x6400  }
0x1f: {  	[sflag:s14] =	ssyncset.done $0x0  }
0x20: {  	s18 =	simm.s32 $0x0;
	[sflag:s14] =	ssyncadd.s32 $0xFFFF9C00  }
0x21: {  	v7 =	vld [tilespmem:s18+$0x200]  }
0x22: {  	v11 =	vld [tilespmem:s18+$0x210]  }
0x23: {  	v5 =	vld [tilespmem:s18+$0x220]  }
0x24: {  	v4 =	vld [tilespmem:s18+$0x230]  }
0x25: {  	v3 =	vld [tilespmem:s18+$0x240]  }
0x26: {  	v2 =	vld [tilespmem:s18+$0x250]  }
0x27: {  	v1 =	vld [tilespmem:s18+$0x260]  }
0x28: {  	v0 =	vld [tilespmem:s18+$0x270]  }
0x29: {  	v12 =	vld [tilespmem:s18+$0x6600]  }
0x2a: {  	v13 =	vld [tilespmem:s18+$0x6610]  }
0x2b: {  	v10 =	vld [tilespmem:s18+$0x6620]  }
0x2c: {  	v9 =	vld [tilespmem:s18+$0x6630]  }
0x2d: {  	v8 =	vld [tilespmem:s18+$0x6640]  }
0x2e: {  	v6 =	vld [tilespmem:s18+$0x6650];
	v12 =	vsub.f32 v12, v7  }
0x2f: {  	s19 =	simm.s32 $0x200;
	v11 =	vsub.f32 v13, v11;
	v7 =	vld [tilespmem:s18+$0x6660]  }
.LBB2_3:
0x30: {  	s20 =	sshra.s32 s19, $0x2;
	p0 =	sne.s32 s19, $0x18E00;
	[tilespmem:s18+$0x6600] =	vst v12;
	v5 =	vsub.f32 v10, v5;
	v10 =	vld [tilespmem:s18+$0x6670]  }
0x31: {  	v12 =	vld [tilespmem:s20+$0x200];
	[tilespmem:s18+$0x6610] =	vst v11;
	v4 =	vsub.f32 v9, v4  }
0x32: {  	v11 =	vld [tilespmem:s20+$0x210];
	[tilespmem:s18+$0x6620] =	vst v5;
	v3 =	vsub.f32 v8, v3  }
0x33: {  	v5 =	vld [tilespmem:s20+$0x220];
	[tilespmem:s18+$0x6630] =	vst v4;
	v2 =	vsub.f32 v6, v2  }
0x34: {  	v4 =	vld [tilespmem:s20+$0x230];
	[tilespmem:s18+$0x6640] =	vst v3;
	v1 =	vsub.f32 v7, v1  }
0x35: {  	v3 =	vld [tilespmem:s20+$0x240];
	[tilespmem:s18+$0x6650] =	vst v2;
	v0 =	vsub.f32 v10, v0  }
0x36: {  	v2 =	vld [tilespmem:s20+$0x250];
	[tilespmem:s18+$0x6660] =	vst v1  }
0x37: {  	v1 =	vld [tilespmem:s20+$0x260];
	[tilespmem:s18+$0x6670] =	vst v0;
	s18 =	smov.u32 s20  }
0x38: {  	v0 =	vld [tilespmem:s18+$0x270]  }
0x39: {  	v6 =	vld [tilespmem:s18+$0x6600]  }
0x3a: {  	v7 =	vld [tilespmem:s18+$0x6610]  }
.Ltmp0:
0x3b: {  	v10 =	vld [tilespmem:s18+$0x6620];
	(pc) =	sbr.rel @p0 .LBB2_3-.Ltmp0, $4  }
0x3c: {  	v9 =	vld [tilespmem:s18+$0x6630]  }
0x3d: {  	v8 =	vld [tilespmem:s18+$0x6640]  }
0x3e: {  	v12 =	vsub.f32 v6, v12;
	v6 =	vld [tilespmem:s18+$0x6650]  }
0x3f: {  	s19 =	sadd.s32 $0x200, s19;
	v11 =	vsub.f32 v7, v11;
	v7 =	vld [tilespmem:s18+$0x6660]  }
0x40: {  	[tilespmem:s18+$0x6600] =	vst v12;
	v5 =	vsub.f32 v10, v5;
	v63 =	vld [tilespmem:s18+$0x6670]  }
0x41: {  	[tilespmem:s18+$0x6610] =	vst v11;
	v4 =	vsub.f32 v9, v4  }
0x42: {  	[tilespmem:s18+$0x6620] =	vst v5;
	v3 =	vsub.f32 v8, v3  }
0x43: {  	[tilespmem:s18+$0x6630] =	vst v4;
	v2 =	vsub.f32 v6, v2  }
0x44: {  	[tilespmem:s18+$0x6640] =	vst v3;
	v1 =	vsub.f32 v7, v1  }
0x45: {  	s16 =	sadd.s32 $0x1, s16;
	[tilespmem:s18+$0x6650] =	vst v2;
	v0 =	vsub.f32 v63, v0  }
0x46: {  	s17 =	sshll.u32 s17, $0x4;
	p0 =	sne.s32 s16, $0x32;
	[tilespmem:s18+$0x6660] =	vst v1  }
.Ltmp1:
0x47: {  	s17 =	sadd.s32 s6, s17;
	[tilespmem:s18+$0x6670] =	vst v0;
	(pc) =	sbr.rel @p0 .LBB2_2-.Ltmp1, $4  }
0x48: {  	[hbm4b:s17+s1] =	stream.linear.scatter [tilespmem:s13], [sflag:$0x2], $0x6400, $0x38;
	[tilespmem:$0xCA00] =	vst v63  }
0x49: {  	_ =	swait.ge [sflag:s9], $0x6400  }
0x4a: {  	[sflag:s9] =	ssyncset.done $0x0  }
0x4b: {  	[sflag:s9] =	ssyncadd.s32 $0xFFFF9C00  }
0x4c: {  	s15 =	sadd.s32 $0x1, s15  }
0x4d: {  	p0 =	sne.s32 s15, s8  }
.Ltmp2:
0x4e: {  	_ = 	snop;
	(pc) =	sbr.rel @p0 .LBB2_1-.Ltmp2, $1  }
0x4f: {  	_ =	sdelay $0x3  }
0x50: {  	_ =	sfence.sel $0x180000  }
0x51: {  	[bflag:$0x0] =	sbarrier.arrive $0xFFFF  }
0x52: {  	p0 =	sne.s32 s2, $0x0;
	_ =	strace $0x90000050  }
0x53: {  	s0 =	sadd.s32 @!p0 $0x100000, s0;
	[bflag:$0x2] =	sbarrier.arrive $0xFFFF  }
0x54: {  	[sflag:s0] =	ssyncadd.tile.s32 @!p0 $0x1;
	_ =	shalt  }
.Lfunc_end2:
_tile_overlayer_lowered:
.L_overlay_start_2:
0x55: {  	(tag) =	ssettag $0x2  }
0x56: {  	s0 =	rddreg [dreg:$0x0];
	s2 =	stileid.u32  }
0x57: {  	s1 =	rddreg [dreg:$0x1];
	p0 =	sne.s32 s2, $0x0  }
0x58: {  	s3 =	rddreg [dreg:$0x2];
	[bflag:$0x3] =	sbarrier.arrive $0xFFFF;
	s2 =	simm.s32 @!p0 $0x1C02  }
0x59: {  	[timem:s3], [sflag:s2] =	dma.local @!p0 [hbm:s0], s1  }
0x5a: {  	s0 =	simm.s32 @!p0 $0x2  }
0x5b: {  	_ =	swait.ge @!p0 [sflag:s0], s1  }
0x5c: {  	s1 =	ssub.s32 @!p0 $0x0, s1;
	[sflag:s0] =	ssyncset.done @!p0 $0x0  }
0x5d: {  	[sflag:s0] =	ssyncadd.s32 @!p0 s1  }
0x5e: {  	[bflag:$0x3] =	sbarrier.arrive $0xFFFF  }
0x5f: {  	_ =	shalt  }

// kernel: kernel.13.cloned.1.call-start
scs
__scs_entry_jumppad:
0x0: {  	(pc) =	sbr.rel $0x88, $3  }
0x1: {  	(tag) =	ssettag $0x0;
	lr =	simm.s32 $0x1  }
0x2: {  	[smem:$0x3F9B] =	sst lr;
	_ =	strace $0xD0000000  }
0x3: {  	_ = 	snop  }
0x4: {  	_ = 	snop  }
0x5: {  	_ = 	snop  }
0x6: {  	_ = 	snop  }
0x7: {  	_ = 	snop  }
__scs_overlays_trampoline_lowered:
0x8: {  	[smem:$0x3FAA] =	sst s0  }
0x9: {  	[smem:$0x3FAB] =	sst s1  }
0xa: {  	[smem:$0x3FAC] =	sst s2  }
0xb: {  	[smem:$0x3FAD] =	sst s3  }
0xc: {  	[smem:$0x3FAE] =	sst s4  }
0xd: {  	[smem:$0x3FAF] =	sst s5  }
0xe: {  	[smem:$0x3FB0] =	sst s6  }
0xf: {  	[smem:$0x3FB1] =	sst s7  }
0x10: {  	[smem:$0x3FB2] =	sst s8  }
0x11: {  	[smem:$0x3FB3] =	sst s9;
	s0 =	simm.s32 @!p0 $0x0  }
0x12: {  	s1 =	sld [smem:$0x3F99];
	s0 =	simm.s32 @p0 $0x1  }
0x13: {  	[smem:$0x3FB4] =	sst s0;
	s0 =	simm.s32 @!p1 $0x0  }
0x14: {  	s2 =	sld [smem:$0x3F98];
	s0 =	simm.s32 @p1 $0x1  }
0x15: {  	[smem:$0x3FB5] =	sst s0;
	s0 =	simm.s32 @!p2 $0x0  }
0x16: {  	s3 =	sld [smem:$0x3FDB];
	s0 =	simm.s32 @p2 $0x1  }
0x17: {  	s4 =	simm.s32 $0x1BF5;
	[smem:$0x3FB7] =	sst s0  }
0x18: {  	s0 =	sld [smem:$0x3F9A];
	_ =	swait.ge [sflag:s4], $0x0  }
0x19: {  	s7 =	sld [smem:$0x3F9B]  }
0x1a: {  	s8 =	sadd.s32 $0xFFFFE003, lr  }
0x1b: {  	s9 =	sadd.s32 $0xFFFFFEF7, lr;
	s5 =	simm.s32 $0xFFFFFFFF;
	p2 =	slt.u32 s8, $0xFFFFF086  }
0x1c: {  	p1 =	slt.u32 s9, $0xF7A;
	s5 =	simm.s32 @!p2 $0x0  }
0x1d: {  	s5 =	simm.s32 @p1 $0x1;
	p0 =	seq.s32 s7, s2  }
0x1e: {  	s7 =	smul.u32 @!p0 $0xF7A, s2;
	p2 =	seq.s32 @!p0 s5, $0x0  }
0x1f: {  	s9 =	smul.u32 $0xF7A, s1;
	s8 =	simm.s32 @!p0 $0x1BF5;
	p2 =	por !p2, p0  }
0x20: {  	[sflag:s8] =	ssyncset.s32 @!p0 $0xFFFFF086;
	s6 =	sadd.s32 @!p0 s3, s7;
	s7 =	simm.s32 @!p0 $0x108  }
0x21: {  	s3 =	sadd.s32 s3, s9;
	s6 =	sadd.s32 @!p0 $0x88, s6;
	s7 =	simm.s32 @p2 $0x1082  }
0x22: {  	[simem:s7], [sflag:s8] =	dma.local @!p0 [hbm:s6], $0xF7A  }
0x23: {  	s9 =	sor.u32 $0xD0000000, s2;
	s6 =	simm.s32 $0x108;
	_ =	swait.ge @!p0 [sflag:s8], $0x0  }
0x24: {  	s3 =	sadd.s32 $0x88, s3;
	s6 =	simm.s32 @!p1 $0x1082;
	[sflag:s4] =	ssyncset.s32 $0xFFFFF086  }
0x25: {  	[simem:s6], [sflag:s4] =	dma.local [hbm:s3], $0xF7A  }
0x26: {  	[smem:$0x3F9B] =	sst s1;
	(tag) =	ssettag s2;
	_ =	strace s9  }
0x27: {  	s1 =	sld [smem:$0x3FAB]  }
0x28: {  	s2 =	sld [smem:$0x3FAC]  }
0x29: {  	s4 =	sld [smem:$0x3FAE]  }
0x2a: {  	p0 =	seq.s32 s5, $0x0;
	s5 =	sld [smem:$0x3FAF]  }
0x2b: {  	s6 =	sld [smem:$0x3FB0]  }
0x2c: {  	s7 =	sld [smem:$0x3FB1]  }
0x2d: {  	s3 =	simm.s32 $0x108;
	s8 =	sld [smem:$0x3FB2]  }
0x2e: {  	s3 =	simm.s32 @!p0 $0x1082;
	s9 =	sld [smem:$0x3FB3]  }
0x2f: {  	lr =	sadd.s32 s0, s3;
	s0 =	sld [smem:$0x3FAA]  }
0x30: {  	s3 =	sld [smem:$0x3FAD]  }
0x31: {  	[smem:$0x3FB6] =	sst s10  }
0x32: {  	s10 =	sld [smem:$0x3FB4];
	_ =	sdelay $0x3  }
0x33: {  	p0 =	seq.s32 s10, $0x1;
	s10 =	sld [smem:$0x3FB6];
	_ =	sdelay $0x3  }
0x34: {  	[smem:$0x3FB6] =	sst s10  }
0x35: {  	s10 =	sld [smem:$0x3FB5];
	_ =	sdelay $0x3  }
0x36: {  	p1 =	seq.s32 s10, $0x1;
	s10 =	sld [smem:$0x3FB6];
	_ =	sdelay $0x3  }
0x37: {  	[smem:$0x3FB6] =	sst s10  }
0x38: {  	s10 =	sld [smem:$0x3FB7]  }
0x39: {  	_ = 	snop;
	(pc) =	sbr.ind lr, $3  }
0x3a: {  	_ = 	snop  }
0x3b: {  	_ = 	snop  }
0x3c: {  	p2 =	seq.s32 s10, $0x1;
	s10 =	sld [smem:$0x3FB6]  }
0x3d: {  	_ =	shalt  }
0x3e: {  	_ =	shalt  }
0x3f: {  	_ =	shalt  }
0x40: {  	_ =	shalt  }
0x41: {  	_ =	shalt  }
0x42: {  	_ =	shalt  }
0x43: {  	_ =	shalt  }
0x44: {  	_ =	shalt  }
0x45: {  	_ =	shalt  }
0x46: {  	_ =	shalt  }
0x47: {  	_ =	shalt  }
0x48: {  	_ =	shalt  }
0x49: {  	_ =	shalt  }
0x4a: {  	_ =	shalt  }
0x4b: {  	_ =	shalt  }
0x4c: {  	_ =	shalt  }
0x4d: {  	_ =	shalt  }
0x4e: {  	_ =	shalt  }
0x4f: {  	_ =	shalt  }
0x50: {  	_ =	shalt  }
0x51: {  	_ =	shalt  }
0x52: {  	_ =	shalt  }
0x53: {  	_ =	shalt  }
0x54: {  	_ =	shalt  }
0x55: {  	_ =	shalt  }
0x56: {  	_ =	shalt  }
0x57: {  	_ =	shalt  }
0x58: {  	_ =	shalt  }
0x59: {  	_ =	shalt  }
0x5a: {  	_ =	shalt  }
0x5b: {  	_ =	shalt  }
0x5c: {  	_ =	shalt  }
0x5d: {  	_ =	shalt  }
0x5e: {  	_ =	shalt  }
0x5f: {  	_ =	shalt  }
0x60: {  	_ =	shalt  }
0x61: {  	_ =	shalt  }
0x62: {  	_ =	shalt  }
0x63: {  	_ =	shalt  }
0x64: {  	_ =	shalt  }
0x65: {  	_ =	shalt  }
0x66: {  	_ =	shalt  }
0x67: {  	_ =	shalt  }
0x68: {  	_ =	shalt  }
0x69: {  	_ =	shalt  }
0x6a: {  	_ =	shalt  }
0x6b: {  	_ =	shalt  }
0x6c: {  	_ =	shalt  }
0x6d: {  	_ =	shalt  }
0x6e: {  	_ =	shalt  }
0x6f: {  	_ =	shalt  }
0x70: {  	_ =	shalt  }
0x71: {  	_ =	shalt  }
0x72: {  	_ =	shalt  }
0x73: {  	_ =	shalt  }
0x74: {  	_ =	shalt  }
0x75: {  	_ =	shalt  }
0x76: {  	_ =	shalt  }
0x77: {  	_ =	shalt  }
0x78: {  	_ =	shalt  }
0x79: {  	_ =	shalt  }
0x7a: {  	_ =	shalt  }
0x7b: {  	_ =	shalt  }
0x7c: {  	_ =	shalt  }
0x7d: {  	_ =	shalt  }
0x7e: {  	_ =	shalt  }
0x7f: {  	_ =	shalt  }
0x80: {  	_ =	shalt  }
0x81: {  	_ =	shalt  }
0x82: {  	_ =	shalt  }
0x83: {  	_ =	shalt  }
0x84: {  	_ =	shalt  }
0x85: {  	_ =	shalt  }
0x86: {  	_ =	shalt  }
0x87: {  	_ =	shalt  }
.Lfunc_end0:
.L_simem_size_0:
called_computation.2_lowered:
.L_overlay_start_0:
0x88: {  	s2 =	sld [smem:$0x3FD9]  }
0x89: {  	s3 =	sld [smem:$0x3FFE];
	_ =	sdelay $0x1  }
0x8a: {  	s1 =	srdreg.scid  }
0x8b: {  	s0 =	sand.u32 $0x1, s1  }
0x8c: {  	s17 =	sshll.u32 s0, $0xA;
	s2 =	sadd.s32 s3, s2  }
0x8d: {  	s2 =	sadd.s32 s2, s17  }
0x8e: {  	[smem:$0x3FC2] =	sst s2  }
0x8f: {  	_ = 	snop  }
0x90: {  	s2 =	sld [smem:$0x3FC9]  }
0x91: {  	s18 =	sld [smem:$0x3FD0];
	(tm) =	ssettm $0x1  }
0x92: {  	s4 =	sld [smem:$0x3FFB];
	_ =	sdelay $0x3  }
0x93: {  	_ =	strace s4  }
0x94: {  	s4 =	sld [smem:$0x3FFC];
	_ =	sdelay $0x3  }
0x95: {  	_ =	strace s4  }
0x96: {  	s4 =	sld [smem:$0x3FFD];
	_ =	sdelay $0x3  }
0x97: {  	_ =	strace s4  }
0x98: {  	_ =	strace $0x8FFFFFFF  }
0x99: {  	s19 =	sld [smem:$0x3FDB];
	_ =	sdelay $0x1  }
0x9a: {  	s5 =	simm.s32 $_scs_section_size  }
0x9b: {  	s6 =	simm.s32 $_size__tile_overlayer_lowered;
	s7 =	simm.s32 $_tile_overlayer_lowered  }
0x9c: {  	s22 =	simm.s32 $0x1BFF;
	s21 =	sshll.u32 s7, $0x1;
	s4 =	sadd.s32 s5, s19  }
0x9d: {  	s8 =	simm.s32 $0x0;
	s20 =	sshll.u32 s6, $0x1;
	s6 =	sadd.s32 s21, s4  }
0x9e: {  	[timem:s8], [sflag:s22] =	dma.local [hbm:s6], s20  }
0x9f: {  	_ =	swait.ge [sflag:s22], s20  }
0xa0: {  	s5 =	ssub.s32 $0x0, s20;
	[sflag:s22] =	ssyncset.done $0x0  }
0xa1: {  	[sflag:s22] =	ssyncadd.s32 s5;
	_ =	sdelay $0x1  }
0xa2: {  	s23 =	simm.s32 $0x1B8B  }
0xa3: {  	_ =	swait.ge [sflag:s23], $0x1  }
0xa4: {  	[sflag:s23] =	ssyncset.done $0x0  }
0xa5: {  	s25 =	simm.s32 $0x1B8E;
	s24 =	sld [smem:$0x3FFE];
	[sflag:s23] =	ssyncadd.s32 $0xFFFFFFFF  }
0xa6: {  	s26 =	simm.s32 $execute0_lowered;
	[smem:$0x3FD2] =	sst s25  }
0xa7: {  	s6 =	sshll.u32 s26, $0x1;
	_ =	strace $0x80000046;
	[dreg:$0x1] =	wrdreg $0xFFFFFFFF  }
0xa8: {  	s28 =	simm.s32 $_size_execute0_lowered;
	s4 =	sadd.s32 s4, s6;
	[dreg:$0x0] =	wrdreg $0x0  }
0xa9: {  	s6 =	sshll.u32 s28, $0x1;
	[dreg:$0x2] =	wrdreg s4  }
0xaa: {  	[dreg:$0x3] =	wrdreg s6  }
0xab: {  	[dreg:$0x4] =	wrdreg $0xC0  }
0xac: {  	_ =	task [dreg:s8], $0x5FFFF  }
0xad: {  	[dreg:$0x1] =	wrdreg $0xFFFFFFFF  }
0xae: {  	[dreg:$0x0] =	wrdreg $0x60  }
0xaf: {  	[dreg:$0x2] =	wrdreg s2  }
0xb0: {  	[dreg:$0x3] =	wrdreg s24  }
0xb1: {  	[dreg:$0x4] =	wrdreg s18  }
0xb2: {  	[dreg:$0x5] =	wrdreg $0xA  }
0xb3: {  	_ =	task.clear_ibuf [dreg:s8], $0x6FFFF;
	_ =	strace $0x90000046  }
0xb4: {  	s29 =	simm.s32 $0xA;
	_ =	strace $0x80000048  }
0xb5: {  	_ =	swait.ge [sflag:s29], $0x1  }
0xb6: {  	[sflag:s29] =	ssyncadd.s32 $0xFFFFFFFF  }
0xb7: {  	_ =	strace $0x90000048  }
0xb8: {  	_ =	sfence  }
0xb9: {  	s30 =	sld [smem:$0x0];
	_ =	sdelay $0x2  }
0xba: {  	s31 =	sshll.u32 s1, $0xD;
	s1 =	sshrl.u32 s1, $0x2  }
0xbb: {  	s3 =	sand.u32 $0x4000, s31;
	s1 =	sadd.s32 s1, s30  }
0xbc: {  	s0 =	sor.u32 s3, s0;
	s1 =	sshll.u32 s1, $0x11  }
0xbd: {  	s0 =	sor.u32 s1, s0  }
0xbe: {  	s0 =	sadd.s32 $0x8F2B, s0  }
0xbf: {  	[sflag:s0] =	ssyncadd.remote.s32 $0x1  }
0xc0: {  	_ =	sfence.sel $0xFFFF  }
0xc1: {  	[dreg:$0x0] =	wrdreg $0xFFFFFFFF;
	(pc) =	sbr.abs _section_cstart, $3  }
0xc2: {  	[dreg:$0x1] =	wrdreg $0xFFFFFFFF  }
0xc3: {  	_ =	task.clear_ibuf [dreg:s8], $0x2FFFF;
	_ =	strace $0x9FFFFFFF  }
0xc4: {  	(tm) =	ssettm $0x7FFFFFFF  }
0xc5: {  	_ =	shalt  }
tec
execute0_lowered:
.L_overlay_start_1:
0x0: {  	(tag) =	ssettag $0x1  }
0x1: {  	s1 =	rddreg [dreg:$0x0]  }
0x2: {  	s2 =	rddreg [dreg:$0x1]  }
0x3: {  	s3 =	rddreg [dreg:$0x2];
	s4 =	simm.s32 $0x0  }
0x4: {  	s0 =	srdreg.scid;
	s5 =	stileid.u32;
	s11 =	simm.s32 $0xC8  }
0x5: {  	s12 =	simm.s32 $0x190;
	s13 =	simm.s32 $0x258;
	s14 =	simm.s32 $0x6658  }
0x6: {  	s15 =	simm.s32 $0xCA58;
	s16 =	simm.s32 $0x1;
	s17 =	simm.s32 $0x12E58  }
0x7: {  	s18 =	simm.s32 $0x13AD8;
	s19 =	simm.s32 $0x14758;
	s20 =	simm.s32 $0x153D8  }
0x8: {  	s21 =	simm.s32 $0x16058;
	s22 =	simm.s32 $0x16CD8;
	s23 =	simm.s32 $0x17958  }
0x9: {  	s24 =	simm.s32 $0x185D8;
	s25 =	simm.s32 $0x0;
	s0 =	sand.u32 $0x1, s0  }
0xa: {  	[smem:$0x7FF] =	sst s4;
	s6 =	sadd.s32 $0xA000, s2;
	s8 =	ssub.s32 $0x2, s0  }
0xb: {  	s10 =	sshll.u32 s5, $0x1;
	s7 =	sadd.s32 $0x5000, s2;
	s9 =	sshrl.u32 s8, $0x1  }
0xc: {  	_ =	strace $0x80000047;
	s0 =	sor.u32 s0, s10;
	s9 =	ssub.s32 s8, s9  }
0xd: {  	s10 =	simm.s32 $0x2;
	s8 =	smul.u32 $0x1388, s0;
	s9 =	smax.u32 s9, $0x1  }
.LBB2_1:
0xe: {  	s26 =	simm.s32 $0x0  }
.LBB2_2:
0xf: {  	s0 =	smul.u32 $0xC8, s26;
	_ =	sdelay $0x1  }
0x10: {  	s28 =	sadd.s32 s8, s0  }
0x11: {  	s0 =	sshrl.u32 s28, $0x3  }
0x12: {  	s30 =	simm.s32 $0x0;
	s29 =	sadd.s32 s6, s0  }
0x13: {  	[tilespmem:s30], [sflag:$0x2] =	stream.linear.gather [hbm4b:s29+s30], $0xC8, $0x38;
	[tilespmem:$0x19258] =	vst v63  }
0x14: {  	_ =	swait.ge [sflag:s10], $0xC8  }
0x15: {  	[sflag:s10] =	ssyncset.done $0x0  }
0x16: {  	s29 =	sadd.s32 s7, s0;
	[sflag:s10] =	ssyncadd.s32 $0xFFFFFF38  }
0x17: {  	[tilespmem:s11], [sflag:$0x2] =	stream.linear.gather [hbm4b:s29+s30], $0xC8, $0x38;
	[tilespmem:$0x19258] =	vst v63  }
0x18: {  	_ =	swait.ge [sflag:s10], $0xC8  }
0x19: {  	[sflag:s10] =	ssyncset.done $0x0  }
0x1a: {  	s0 =	sadd.s32 s2, s0;
	[sflag:s10] =	ssyncadd.s32 $0xFFFFFF38  }
0x1b: {  	[tilespmem:s12], [sflag:$0x2] =	stream.linear.gather [hbm4b:s0+s30], $0xC8, $0x38;
	[tilespmem:$0x19258] =	vst v63  }
0x1c: {  	_ =	swait.ge [sflag:s10], $0xC8  }
0x1d: {  	[sflag:s10] =	ssyncset.done $0x0  }
0x1e: {  	[sflag:s10] =	ssyncadd.s32 $0xFFFFFF38  }
0x1f: {  	[tilespmem:s13], [sflag:$0x1] =	stream.indirect.gather [hbm4b:s1+s11], $0x80, s30, s11, $0xb8;
	[tilespmem:$0x19258] =	vst v63  }
0x20: {  	_ = 	snop  }
0x21: {  	[tilespmem:s14], [sflag:$0x1] =	stream.indirect.gather [hbm4b:s1+s11], $0x80, s11, s11, $0xb8;
	[tilespmem:$0x19258] =	vst v63  }
0x22: {  	_ = 	snop  }
0x23: {  	[tilespmem:s15], [sflag:$0x1] =	stream.indirect.gather [hbm4b:s1+s11], $0x80, s12, s11, $0xb8;
	[tilespmem:$0x19258] =	vst v63  }
0x24: {  	_ =	swait.ge [sflag:s16], $0x6400  }
0x25: {  	[sflag:s16] =	ssyncset.done $0x0  }
0x26: {  	[sflag:s16] =	ssyncadd.s32 $0xFFFF9C00  }
0x27: {  	_ =	swait.ge [sflag:s16], $0x6400  }
0x28: {  	[sflag:s16] =	ssyncset.done $0x0  }
0x29: {  	[sflag:s16] =	ssyncadd.s32 $0xFFFF9C00  }
0x2a: {  	_ =	swait.ge [sflag:s16], $0x6400  }
0x2b: {  	[sflag:s16] =	ssyncset.done $0x0  }
0x2c: {  	s30 =	simm.s32 $0x0;
	[sflag:s16] =	ssyncadd.s32 $0xFFFF9C00  }
0x2d: {  	v0 =	vld [tilespmem:s30+$0x258]  }
0x2e: {  	v1 =	vld [tilespmem:s30+$0x6658];
	_ =	sdelay $0x1  }
0x2f: {  	v2 =	vld [tilespmem:s30+$0xCA58];
	_ =	sdelay $0x2  }
0x30: {  	v0 =	vsub.f32 v0, v1;
	_ =	sdelay $0x1  }
0x31: {  	v0 =	vadd.f32 v2, v0  }
0x32: {  	s29 =	simm.s32 $0x185D8  }
0x33: {  	[tilespmem:s29+$0xFFFFA880] =	vst v0  }
0x34: {  	v0 =	vld [tilespmem:s30+$0x268]  }
0x35: {  	v1 =	vld [tilespmem:s30+$0x6668];
	_ =	sdelay $0x1  }
0x36: {  	v2 =	vld [tilespmem:s30+$0xCA68];
	_ =	sdelay $0x2  }
0x37: {  	v0 =	vsub.f32 v0, v1;
	_ =	sdelay $0x1  }
0x38: {  	v0 =	vadd.f32 v2, v0;
	_ =	sdelay $0x1  }
0x39: {  	[tilespmem:s29+$0xFFFFB500] =	vst v0  }
0x3a: {  	v0 =	vld [tilespmem:s30+$0x278]  }
0x3b: {  	v1 =	vld [tilespmem:s30+$0x6678];
	_ =	sdelay $0x1  }
0x3c: {  	v2 =	vld [tilespmem:s30+$0xCA78];
	_ =	sdelay $0x2  }
0x3d: {  	v0 =	vsub.f32 v0, v1;
	_ =	sdelay $0x1  }
0x3e: {  	v0 =	vadd.f32 v2, v0;
	_ =	sdelay $0x1  }
0x3f: {  	[tilespmem:s29+$0xFFFFC180] =	vst v0  }
0x40: {  	v0 =	vld [tilespmem:s30+$0x288]  }
0x41: {  	v1 =	vld [tilespmem:s30+$0x6688];
	_ =	sdelay $0x1  }
0x42: {  	v2 =	vld [tilespmem:s30+$0xCA88];
	_ =	sdelay $0x2  }
0x43: {  	v0 =	vsub.f32 v0, v1;
	_ =	sdelay $0x1  }
0x44: {  	v0 =	vadd.f32 v2, v0;
	_ =	sdelay $0x1  }
0x45: {  	[tilespmem:s29+$0xFFFFCE00] =	vst v0  }
0x46: {  	v0 =	vld [tilespmem:s30+$0x298]  }
0x47: {  	v1 =	vld [tilespmem:s30+$0x6698];
	_ =	sdelay $0x1  }
0x48: {  	v2 =	vld [tilespmem:s30+$0xCA98];
	_ =	sdelay $0x2  }
0x49: {  	v0 =	vsub.f32 v0, v1;
	_ =	sdelay $0x1  }
0x4a: {  	v0 =	vadd.f32 v2, v0;
	_ =	sdelay $0x1  }
0x4b: {  	[tilespmem:s29+$0xFFFFDA80] =	vst v0  }
0x4c: {  	v0 =	vld [tilespmem:s30+$0x2A8]  }
0x4d: {  	v1 =	vld [tilespmem:s30+$0x66A8];
	_ =	sdelay $0x1  }
0x4e: {  	v2 =	vld [tilespmem:s30+$0xCAA8];
	_ =	sdelay $0x2  }
0x4f: {  	v0 =	vsub.f32 v0, v1;
	_ =	sdelay $0x1  }
0x50: {  	v0 =	vadd.f32 v2, v0;
	_ =	sdelay $0x1  }
0x51: {  	[tilespmem:s29+$0xFFFFE700] =	vst v0  }
0x52: {  	v0 =	vld [tilespmem:s30+$0x2B8]  }
0x53: {  	v1 =	vld [tilespmem:s30+$0x66B8];
	_ =	sdelay $0x1  }
0x54: {  	v2 =	vld [tilespmem:s30+$0xCAB8];
	_ =	sdelay $0x2  }
0x55: {  	v0 =	vsub.f32 v0, v1;
	_ =	sdelay $0x1  }
0x56: {  	v0 =	vadd.f32 v2, v0;
	_ =	sdelay $0x1  }
0x57: {  	[tilespmem:s29+$0xFFFFF380] =	vst v0  }
0x58: {  	s31 =	simm.s32 $0x185D8;
	s0 =	simm.s32 $0x200;
	v0 =	vld [tilespmem:s30+$0x2C8]  }
.LBB2_3:
0x59: {  	p0 =	sne.s32 s0, $0x18E00  }
0x5a: {  	v1 =	vld [tilespmem:s30+$0x66C8];
	s29 =	sadd.s32 $0x10, s29;
	s5 =	smov.u32 s0;
	s0 =	sadd.s32 $0x200, s0  }
0x5b: {  	v2 =	vld [tilespmem:s30+$0xCAC8];
	_ =	sdelay $0x3  }
0x5c: {  	v0 =	vsub.f32 v0, v1;
	_ =	sdelay $0x1  }
0x5d: {  	v0 =	vadd.f32 v2, v0  }
0x5e: {  	s30 =	sshra.s32 s5, $0x2  }
0x5f: {  	[tilespmem:s31+$0x0] =	vst v0;
	s31 =	smov.u32 s29  }
0x60: {  	v0 =	vld [tilespmem:s30+$0x258]  }
0x61: {  	v1 =	vld [tilespmem:s30+$0x6658]  }
0x62: {  	v2 =	vld [tilespmem:s30+$0xCA58];
	_ =	sdelay $0x3  }
0x63: {  	v0 =	vsub.f32 v0, v1;
	_ =	sdelay $0x1  }
0x64: {  	v0 =	vadd.f32 v2, v0;
	_ =	sdelay $0x1  }
0x65: {  	[tilespmem:s29+$0xFFFFA880] =	vst v0  }
0x66: {  	v0 =	vld [tilespmem:s30+$0x268]  }
0x67: {  	v1 =	vld [tilespmem:s30+$0x6668];
	_ =	sdelay $0x1  }
0x68: {  	v2 =	vld [tilespmem:s30+$0xCA68];
	_ =	sdelay $0x2  }
0x69: {  	v0 =	vsub.f32 v0, v1;
	_ =	sdelay $0x1  }
0x6a: {  	v0 =	vadd.f32 v2, v0;
	_ =	sdelay $0x1  }
0x6b: {  	[tilespmem:s29+$0xFFFFB500] =	vst v0  }
0x6c: {  	v0 =	vld [tilespmem:s30+$0x278]  }
0x6d: {  	v1 =	vld [tilespmem:s30+$0x6678];
	_ =	sdelay $0x1  }
0x6e: {  	v2 =	vld [tilespmem:s30+$0xCA78];
	_ =	sdelay $0x2  }
0x6f: {  	v0 =	vsub.f32 v0, v1;
	_ =	sdelay $0x1  }
0x70: {  	v0 =	vadd.f32 v2, v0;
	_ =	sdelay $0x1  }
0x71: {  	[tilespmem:s29+$0xFFFFC180] =	vst v0  }
0x72: {  	v0 =	vld [tilespmem:s30+$0x288]  }
0x73: {  	v1 =	vld [tilespmem:s30+$0x6688]  }
0x74: {  	v2 =	vld [tilespmem:s30+$0xCA88];
	_ =	sdelay $0x3  }
0x75: {  	v0 =	vsub.f32 v0, v1;
	_ =	sdelay $0x1  }
0x76: {  	v0 =	vadd.f32 v2, v0;
	_ =	sdelay $0x1  }
0x77: {  	[tilespmem:s29+$0xFFFFCE00] =	vst v0  }
0x78: {  	v0 =	vld [tilespmem:s30+$0x298]  }
0x79: {  	v1 =	vld [tilespmem:s30+$0x6698]  }
0x7a: {  	v2 =	vld [tilespmem:s30+$0xCA98];
	_ =	sdelay $0x3  }
0x7b: {  	v0 =	vsub.f32 v0, v1;
	_ =	sdelay $0x1  }
0x7c: {  	v0 =	vadd.f32 v2, v0;
	_ =	sdelay $0x1  }
0x7d: {  	[tilespmem:s29+$0xFFFFDA80] =	vst v0  }
0x7e: {  	v0 =	vld [tilespmem:s30+$0x2A8]  }
0x7f: {  	v1 =	vld [tilespmem:s30+$0x66A8]  }
0x80: {  	v2 =	vld [tilespmem:s30+$0xCAA8];
	_ =	sdelay $0x3  }
0x81: {  	v0 =	vsub.f32 v0, v1;
	_ =	sdelay $0x1  }
0x82: {  	v0 =	vadd.f32 v2, v0;
	_ =	sdelay $0x1  }
0x83: {  	[tilespmem:s29+$0xFFFFE700] =	vst v0  }
0x84: {  	v0 =	vld [tilespmem:s30+$0x2B8]  }
0x85: {  	v1 =	vld [tilespmem:s30+$0x66B8]  }
0x86: {  	v2 =	vld [tilespmem:s30+$0xCAB8];
	_ =	sdelay $0x3  }
0x87: {  	v0 =	vsub.f32 v0, v1  }
.Ltmp0:
0x88: {  	(pc) =	sbr.rel @p0 .LBB2_3-.Ltmp0, $3  }
0x89: {  	v0 =	vadd.f32 v2, v0;
	_ =	sdelay $0x1  }
0x8a: {  	[tilespmem:s29+$0xFFFFF380] =	vst v0  }
0x8b: {  	v0 =	vld [tilespmem:s30+$0x2C8]  }
0x8c: {  	v1 =	vld [tilespmem:s30+$0x66C8];
	_ =	sdelay $0x1  }
0x8d: {  	v2 =	vld [tilespmem:s30+$0xCAC8];
	_ =	sdelay $0x2  }
0x8e: {  	v0 =	vsub.f32 v0, v1;
	_ =	sdelay $0x1  }
0x8f: {  	v0 =	vadd.f32 v2, v0  }
0x90: {  	s0 =	sshll.u32 s28, $0x1  }
0x91: {  	s5 =	sadd.s32 s3, s0;
	[tilespmem:s31+$0x0] =	vst v0  }
0x92: {  	[hbm4b:s5+s4] =	stream.linear.scatter [tilespmem:s17], [sflag:$0x2], $0xC80, $0x38;
	[tilespmem:$0x19258] =	vst v63  }
0x93: {  	s0 =	sand.u32 $0x1FFFFFFE, s0;
	_ =	swait.ge [sflag:s10], $0xC80  }
0x94: {  	s0 =	sadd.s32 s3, s0;
	[sflag:s10] =	ssyncset.done $0x0  }
0x95: {  	s30 =	sadd.s32 $0x4E200, s0;
	[sflag:s10] =	ssyncadd.s32 $0xFFFFF380  }
0x96: {  	[hbm4b:s30+s4] =	stream.linear.scatter [tilespmem:s18], [sflag:$0x2], $0xC80, $0x38;
	[tilespmem:$0x19258] =	vst v63  }
0x97: {  	_ =	swait.ge [sflag:s10], $0xC80  }
0x98: {  	[sflag:s10] =	ssyncset.done $0x0  }
0x99: {  	s31 =	sadd.s32 $0x9C400, s0;
	[sflag:s10] =	ssyncadd.s32 $0xFFFFF380  }
0x9a: {  	[hbm4b:s31+s4] =	stream.linear.scatter [tilespmem:s19], [sflag:$0x2], $0xC80, $0x38;
	[tilespmem:$0x19258] =	vst v63  }
0x9b: {  	_ =	swait.ge [sflag:s10], $0xC80  }
0x9c: {  	[sflag:s10] =	ssyncset.done $0x0  }
0x9d: {  	s28 =	sadd.s32 $0xEA600, s0;
	[sflag:s10] =	ssyncadd.s32 $0xFFFFF380  }
0x9e: {  	[hbm4b:s28+s4] =	stream.linear.scatter [tilespmem:s20], [sflag:$0x2], $0xC80, $0x38;
	[tilespmem:$0x19258] =	vst v63  }
0x9f: {  	_ =	swait.ge [sflag:s10], $0xC80  }
0xa0: {  	[sflag:s10] =	ssyncset.done $0x0  }
0xa1: {  	s29 =	sadd.s32 $0x138800, s0;
	[sflag:s10] =	ssyncadd.s32 $0xFFFFF380  }
0xa2: {  	[hbm4b:s29+s4] =	stream.linear.scatter [tilespmem:s21], [sflag:$0x2], $0xC80, $0x38;
	[tilespmem:$0x19258] =	vst v63  }
0xa3: {  	_ =	swait.ge [sflag:s10], $0xC80  }
0xa4: {  	[sflag:s10] =	ssyncset.done $0x0  }
0xa5: {  	s30 =	sadd.s32 $0x186A00, s0;
	[sflag:s10] =	ssyncadd.s32 $0xFFFFF380  }
0xa6: {  	[hbm4b:s30+s4] =	stream.linear.scatter [tilespmem:s22], [sflag:$0x2], $0xC80, $0x38;
	[tilespmem:$0x19258] =	vst v63  }
0xa7: {  	_ =	swait.ge [sflag:s10], $0xC80  }
0xa8: {  	[sflag:s10] =	ssyncset.done $0x0  }
0xa9: {  	s31 =	sadd.s32 $0x1D4C00, s0;
	[sflag:s10] =	ssyncadd.s32 $0xFFFFF380  }
0xaa: {  	[hbm4b:s31+s4] =	stream.linear.scatter [tilespmem:s23], [sflag:$0x2], $0xC80, $0x38;
	[tilespmem:$0x19258] =	vst v63  }
0xab: {  	s26 =	sadd.s32 $0x1, s26;
	_ =	swait.ge [sflag:s10], $0xC80  }
0xac: {  	p0 =	sne.s32 s26, $0x19;
	[sflag:s10] =	ssyncset.done $0x0  }
.Ltmp1:
0xad: {  	s0 =	sadd.s32 $0x222E00, s0;
	[sflag:s10] =	ssyncadd.s32 $0xFFFFF380;
	(pc) =	sbr.rel @p0 .LBB2_2-.Ltmp1, $4  }
0xae: {  	[hbm4b:s0+s4] =	stream.linear.scatter [tilespmem:s24], [sflag:$0x2], $0xC80, $0x38;
	[tilespmem:$0x19258] =	vst v63  }
0xaf: {  	_ =	swait.ge [sflag:s10], $0xC80  }
0xb0: {  	[sflag:s10] =	ssyncset.done $0x0  }
0xb1: {  	[sflag:s10] =	ssyncadd.s32 $0xFFFFF380  }
0xb2: {  	s25 =	sadd.s32 $0x1, s25  }
0xb3: {  	p0 =	sne.s32 s25, s9  }
.Ltmp2:
0xb4: {  	_ = 	snop;
	(pc) =	sbr.rel @p0 .LBB2_1-.Ltmp2, $1  }
0xb5: {  	_ =	sdelay $0x3  }
0xb6: {  	_ =	sfence.sel $0x180000  }
0xb7: {  	[bflag:$0x0] =	sbarrier.arrive $0xFFFF  }
0xb8: {  	_ =	strace $0x90000047  }
0xb9: {  	s0 =	stileid.u32;
	[bflag:$0x2] =	sbarrier.arrive $0xFFFF  }
0xba: {  	p0 =	sne.s32 s0, $0x0;
	s0 =	rddreg [dreg:$0x3]  }
0xbb: {  	s0 =	sadd.s32 @!p0 $0x100000, s0  }
0xbc: {  	[sflag:s0] =	ssyncadd.tile.s32 @!p0 $0x1;
	_ =	shalt  }
.Lfunc_end2:
_tile_overlayer_lowered:
.L_overlay_start_2:
0xbd: {  	(tag) =	ssettag $0x2  }
0xbe: {  	s0 =	rddreg [dreg:$0x0];
	s2 =	stileid.u32  }
0xbf: {  	s1 =	rddreg [dreg:$0x1];
	p0 =	sne.s32 s2, $0x0  }
0xc0: {  	s3 =	rddreg [dreg:$0x2];
	[bflag:$0x3] =	sbarrier.arrive $0xFFFF;
	s2 =	simm.s32 @!p0 $0x1C02  }
0xc1: {  	[timem:s3], [sflag:s2] =	dma.local @!p0 [hbm:s0], s1  }
0xc2: {  	s0 =	simm.s32 @!p0 $0x2  }
0xc3: {  	_ =	swait.ge @!p0 [sflag:s0], s1  }
0xc4: {  	s1 =	ssub.s32 @!p0 $0x0, s1;
	[sflag:s0] =	ssyncset.done @!p0 $0x0  }
0xc5: {  	[sflag:s0] =	ssyncadd.s32 @!p0 s1  }
0xc6: {  	[bflag:$0x3] =	sbarrier.arrive $0xFFFF  }
0xc7: {  	_ =	shalt  }

// kernel: kernel.16.cloned.1.call-start
scs
__scs_entry_jumppad:
0x0: {  	(pc) =	sbr.rel $0x88, $3  }
0x1: {  	(tag) =	ssettag $0x0;
	lr =	simm.s32 $0x1  }
0x2: {  	[smem:$0x3F9B] =	sst lr;
	_ =	strace $0xD0000000  }
0x3: {  	_ = 	snop  }
0x4: {  	_ = 	snop  }
0x5: {  	_ = 	snop  }
0x6: {  	_ = 	snop  }
0x7: {  	_ = 	snop  }
__scs_overlays_trampoline_lowered:
0x8: {  	[smem:$0x3FAA] =	sst s0  }
0x9: {  	[smem:$0x3FAB] =	sst s1  }
0xa: {  	[smem:$0x3FAC] =	sst s2  }
0xb: {  	[smem:$0x3FAD] =	sst s3  }
0xc: {  	[smem:$0x3FAE] =	sst s4  }
0xd: {  	[smem:$0x3FAF] =	sst s5  }
0xe: {  	[smem:$0x3FB0] =	sst s6  }
0xf: {  	[smem:$0x3FB1] =	sst s7  }
0x10: {  	[smem:$0x3FB2] =	sst s8  }
0x11: {  	[smem:$0x3FB3] =	sst s9;
	s0 =	simm.s32 @!p0 $0x0  }
0x12: {  	s1 =	sld [smem:$0x3F99];
	s0 =	simm.s32 @p0 $0x1  }
0x13: {  	[smem:$0x3FB4] =	sst s0;
	s0 =	simm.s32 @!p1 $0x0  }
0x14: {  	s2 =	sld [smem:$0x3F98];
	s0 =	simm.s32 @p1 $0x1  }
0x15: {  	[smem:$0x3FB5] =	sst s0;
	s0 =	simm.s32 @!p2 $0x0  }
0x16: {  	s3 =	sld [smem:$0x3FDB];
	s0 =	simm.s32 @p2 $0x1  }
0x17: {  	s4 =	simm.s32 $0x1BF5;
	[smem:$0x3FB7] =	sst s0  }
0x18: {  	s0 =	sld [smem:$0x3F9A];
	_ =	swait.ge [sflag:s4], $0x0  }
0x19: {  	s7 =	sld [smem:$0x3F9B]  }
0x1a: {  	s8 =	sadd.s32 $0xFFFFE003, lr  }
0x1b: {  	s9 =	sadd.s32 $0xFFFFFEF7, lr;
	s5 =	simm.s32 $0xFFFFFFFF;
	p2 =	slt.u32 s8, $0xFFFFF086  }
0x1c: {  	p1 =	slt.u32 s9, $0xF7A;
	s5 =	simm.s32 @!p2 $0x0  }
0x1d: {  	s5 =	simm.s32 @p1 $0x1;
	p0 =	seq.s32 s7, s2  }
0x1e: {  	s7 =	smul.u32 @!p0 $0xF7A, s2;
	p2 =	seq.s32 @!p0 s5, $0x0  }
0x1f: {  	s9 =	smul.u32 $0xF7A, s1;
	s8 =	simm.s32 @!p0 $0x1BF5;
	p2 =	por !p2, p0  }
0x20: {  	[sflag:s8] =	ssyncset.s32 @!p0 $0xFFFFF086;
	s6 =	sadd.s32 @!p0 s3, s7;
	s7 =	simm.s32 @!p0 $0x108  }
0x21: {  	s3 =	sadd.s32 s3, s9;
	s6 =	sadd.s32 @!p0 $0x88, s6;
	s7 =	simm.s32 @p2 $0x1082  }
0x22: {  	[simem:s7], [sflag:s8] =	dma.local @!p0 [hbm:s6], $0xF7A  }
0x23: {  	s9 =	sor.u32 $0xD0000000, s2;
	s6 =	simm.s32 $0x108;
	_ =	swait.ge @!p0 [sflag:s8], $0x0  }
0x24: {  	s3 =	sadd.s32 $0x88, s3;
	s6 =	simm.s32 @!p1 $0x1082;
	[sflag:s4] =	ssyncset.s32 $0xFFFFF086  }
0x25: {  	[simem:s6], [sflag:s4] =	dma.local [hbm:s3], $0xF7A  }
0x26: {  	[smem:$0x3F9B] =	sst s1;
	(tag) =	ssettag s2;
	_ =	strace s9  }
0x27: {  	s1 =	sld [smem:$0x3FAB]  }
0x28: {  	s2 =	sld [smem:$0x3FAC]  }
0x29: {  	s4 =	sld [smem:$0x3FAE]  }
0x2a: {  	p0 =	seq.s32 s5, $0x0;
	s5 =	sld [smem:$0x3FAF]  }
0x2b: {  	s6 =	sld [smem:$0x3FB0]  }
0x2c: {  	s7 =	sld [smem:$0x3FB1]  }
0x2d: {  	s3 =	simm.s32 $0x108;
	s8 =	sld [smem:$0x3FB2]  }
0x2e: {  	s3 =	simm.s32 @!p0 $0x1082;
	s9 =	sld [smem:$0x3FB3]  }
0x2f: {  	lr =	sadd.s32 s0, s3;
	s0 =	sld [smem:$0x3FAA]  }
0x30: {  	s3 =	sld [smem:$0x3FAD]  }
0x31: {  	[smem:$0x3FB6] =	sst s10  }
0x32: {  	s10 =	sld [smem:$0x3FB4];
	_ =	sdelay $0x3  }
0x33: {  	p0 =	seq.s32 s10, $0x1;
	s10 =	sld [smem:$0x3FB6];
	_ =	sdelay $0x3  }
0x34: {  	[smem:$0x3FB6] =	sst s10  }
0x35: {  	s10 =	sld [smem:$0x3FB5];
	_ =	sdelay $0x3  }
0x36: {  	p1 =	seq.s32 s10, $0x1;
	s10 =	sld [smem:$0x3FB6];
	_ =	sdelay $0x3  }
0x37: {  	[smem:$0x3FB6] =	sst s10  }
0x38: {  	s10 =	sld [smem:$0x3FB7]  }
0x39: {  	_ = 	snop;
	(pc) =	sbr.ind lr, $3  }
0x3a: {  	_ = 	snop  }
0x3b: {  	_ = 	snop  }
0x3c: {  	p2 =	seq.s32 s10, $0x1;
	s10 =	sld [smem:$0x3FB6]  }
0x3d: {  	_ =	shalt  }
0x3e: {  	_ =	shalt  }
0x3f: {  	_ =	shalt  }
0x40: {  	_ =	shalt  }
0x41: {  	_ =	shalt  }
0x42: {  	_ =	shalt  }
0x43: {  	_ =	shalt  }
0x44: {  	_ =	shalt  }
0x45: {  	_ =	shalt  }
0x46: {  	_ =	shalt  }
0x47: {  	_ =	shalt  }
0x48: {  	_ =	shalt  }
0x49: {  	_ =	shalt  }
0x4a: {  	_ =	shalt  }
0x4b: {  	_ =	shalt  }
0x4c: {  	_ =	shalt  }
0x4d: {  	_ =	shalt  }
0x4e: {  	_ =	shalt  }
0x4f: {  	_ =	shalt  }
0x50: {  	_ =	shalt  }
0x51: {  	_ =	shalt  }
0x52: {  	_ =	shalt  }
0x53: {  	_ =	shalt  }
0x54: {  	_ =	shalt  }
0x55: {  	_ =	shalt  }
0x56: {  	_ =	shalt  }
0x57: {  	_ =	shalt  }
0x58: {  	_ =	shalt  }
0x59: {  	_ =	shalt  }
0x5a: {  	_ =	shalt  }
0x5b: {  	_ =	shalt  }
0x5c: {  	_ =	shalt  }
0x5d: {  	_ =	shalt  }
0x5e: {  	_ =	shalt  }
0x5f: {  	_ =	shalt  }
0x60: {  	_ =	shalt  }
0x61: {  	_ =	shalt  }
0x62: {  	_ =	shalt  }
0x63: {  	_ =	shalt  }
0x64: {  	_ =	shalt  }
0x65: {  	_ =	shalt  }
0x66: {  	_ =	shalt  }
0x67: {  	_ =	shalt  }
0x68: {  	_ =	shalt  }
0x69: {  	_ =	shalt  }
0x6a: {  	_ =	shalt  }
0x6b: {  	_ =	shalt  }
0x6c: {  	_ =	shalt  }
0x6d: {  	_ =	shalt  }
0x6e: {  	_ =	shalt  }
0x6f: {  	_ =	shalt  }
0x70: {  	_ =	shalt  }
0x71: {  	_ =	shalt  }
0x72: {  	_ =	shalt  }
0x73: {  	_ =	shalt  }
0x74: {  	_ =	shalt  }
0x75: {  	_ =	shalt  }
0x76: {  	_ =	shalt  }
0x77: {  	_ =	shalt  }
0x78: {  	_ =	shalt  }
0x79: {  	_ =	shalt  }
0x7a: {  	_ =	shalt  }
0x7b: {  	_ =	shalt  }
0x7c: {  	_ =	shalt  }
0x7d: {  	_ =	shalt  }
0x7e: {  	_ =	shalt  }
0x7f: {  	_ =	shalt  }
0x80: {  	_ =	shalt  }
0x81: {  	_ =	shalt  }
0x82: {  	_ =	shalt  }
0x83: {  	_ =	shalt  }
0x84: {  	_ =	shalt  }
0x85: {  	_ =	shalt  }
0x86: {  	_ =	shalt  }
0x87: {  	_ =	shalt  }
.Lfunc_end0:
.L_simem_size_0:
called_computation.3_lowered:
.L_overlay_start_0:
0x88: {  	s2 =	sld [smem:$0x3FD9]  }
0x89: {  	s3 =	sld [smem:$0x3FFE];
	_ =	sdelay $0x1  }
0x8a: {  	s1 =	srdreg.scid  }
0x8b: {  	s0 =	sand.u32 $0x1, s1  }
0x8c: {  	s17 =	sshll.u32 s0, $0xA;
	s2 =	sadd.s32 s3, s2  }
0x8d: {  	s2 =	sadd.s32 s2, s17  }
0x8e: {  	[smem:$0x3FC2] =	sst s2  }
0x8f: {  	_ = 	snop  }
0x90: {  	s18 =	sld [smem:$0x3FD0];
	(tm) =	ssettm $0x1  }
0x91: {  	s19 =	sld [smem:$0x3FFB];
	_ =	sdelay $0x3  }
0x92: {  	_ =	strace s19  }
0x93: {  	s2 =	sld [smem:$0x3FFC];
	_ =	sdelay $0x3  }
0x94: {  	_ =	strace s2  }
0x95: {  	s2 =	sld [smem:$0x3FFD];
	_ =	sdelay $0x3  }
0x96: {  	_ =	strace s2  }
0x97: {  	_ =	strace $0x8FFFFFFF  }
0x98: {  	s20 =	sld [smem:$0x3FDB];
	_ =	sdelay $0x1  }
0x99: {  	s4 =	simm.s32 $_scs_section_size  }
0x9a: {  	s5 =	simm.s32 $_size__tile_overlayer_lowered;
	s6 =	simm.s32 $_tile_overlayer_lowered  }
0x9b: {  	s7 =	simm.s32 $0x1BFF;
	s21 =	sshll.u32 s6, $0x1;
	s4 =	sadd.s32 s4, s20  }
0x9c: {  	s22 =	simm.s32 $0x0;
	s5 =	sshll.u32 s5, $0x1;
	s6 =	sadd.s32 s21, s4  }
0x9d: {  	[timem:s22], [sflag:s7] =	dma.local [hbm:s6], s5  }
0x9e: {  	_ =	swait.ge [sflag:s7], s5  }
0x9f: {  	s5 =	ssub.s32 $0x0, s5;
	[sflag:s7] =	ssyncset.done $0x0  }
0xa0: {  	[sflag:s7] =	ssyncadd.s32 s5;
	_ =	sdelay $0x1  }
0xa1: {  	s23 =	simm.s32 $0x1B8B  }
0xa2: {  	_ =	swait.ge [sflag:s23], $0x1  }
0xa3: {  	[sflag:s23] =	ssyncset.done $0x0  }
0xa4: {  	[sflag:s23] =	ssyncadd.s32 $0xFFFFFFFF  }
0xa5: {  	s5 =	sld [smem:$0x0]  }
0xa6: {  	s6 =	sand.u32 $0xFFFFFFFE, s1  }
0xa7: {  	p0 =	sne.s32 s1, s6  }
0xa8: {  	s6 =	sshll.u32 @p0 s6, $0xE  }
0xa9: {  	s6 =	sadd.s32 @p0 $0x11B8D, s6;
	s7 =	sshll.u32 @p0 s5, $0x11  }
0xaa: {  	s6 =	sor.u32 @p0 s7, s6  }
0xab: {  	[sflag:s6] =	ssyncadd.remote.s32 @p0 $0x1;
	_ =	sdelay $0x1  }
0xac: {  	s6 =	simm.s32 @p0 $0x1B8D  }
0xad: {  	_ =	swait.eq @p0 [sflag:s6], $0x1  }
0xae: {  	[sflag:s6] =	ssyncadd.s32 @p0 $0xFFFFFFFF  }
0xaf: {  	s7 =	sshll.u32 @!p0 s1, $0xE  }
0xb0: {  	s7 =	sor.u32 @!p0 $0x4000, s7;
	s6 =	simm.s32 @!p0 $0x1B8D  }
0xb1: {  	s5 =	sshll.u32 @!p0 s5, $0x11;
	s7 =	sadd.s32 @!p0 $0x11B8D, s7;
	_ =	swait.eq @!p0 [sflag:s6], $0x1  }
0xb2: {  	s5 =	sor.u32 @!p0 s5, s7;
	[sflag:s6] =	ssyncadd.s32 @!p0 $0xFFFFFFFF  }
0xb3: {  	s25 =	simm.s32 $0x1B8E;
	s24 =	sld [smem:$0x3FFE];
	[sflag:s5] =	ssyncadd.remote.s32 @!p0 $0x1  }
0xb4: {  	s26 =	simm.s32 $execute0_lowered;
	[smem:$0x3FD2] =	sst s25  }
0xb5: {  	s6 =	sshll.u32 s26, $0x1;
	_ =	strace $0x8000004C;
	[dreg:$0x1] =	wrdreg $0xFFFFFFFF  }
0xb6: {  	s28 =	simm.s32 $_size_execute0_lowered;
	s4 =	sadd.s32 s4, s6;
	[dreg:$0x0] =	wrdreg $0x0  }
0xb7: {  	s6 =	sshll.u32 s28, $0x1;
	[dreg:$0x2] =	wrdreg s4  }
0xb8: {  	[dreg:$0x3] =	wrdreg s6  }
0xb9: {  	[dreg:$0x4] =	wrdreg $0xC0  }
0xba: {  	_ =	task [dreg:s22], $0x5FFFF  }
0xbb: {  	[dreg:$0x1] =	wrdreg $0xFFFFFFFF  }
0xbc: {  	[dreg:$0x0] =	wrdreg $0x60  }
0xbd: {  	[dreg:$0x2] =	wrdreg s18  }
0xbe: {  	[dreg:$0x3] =	wrdreg s24  }
0xbf: {  	[dreg:$0x4] =	wrdreg $0x0  }
0xc0: {  	[dreg:$0x5] =	wrdreg $0xA  }
0xc1: {  	_ =	task.clear_ibuf [dreg:s22], $0x6FFFF;
	_ =	strace $0x9000004C  }
0xc2: {  	s29 =	simm.s32 $0xA;
	_ =	strace $0x8000004E  }
0xc3: {  	_ =	swait.ge [sflag:s29], $0x1  }
0xc4: {  	[sflag:s29] =	ssyncadd.s32 $0xFFFFFFFF  }
0xc5: {  	_ =	strace $0x9000004E  }
0xc6: {  	_ =	sfence  }
0xc7: {  	s30 =	sld [smem:$0x0];
	_ =	sdelay $0x2  }
0xc8: {  	s31 =	sshll.u32 s1, $0xD;
	s1 =	sshrl.u32 s1, $0x2  }
0xc9: {  	s4 =	sand.u32 $0x4000, s31;
	s1 =	sadd.s32 s1, s30  }
0xca: {  	s0 =	sor.u32 s4, s0;
	s1 =	sshll.u32 s1, $0x11  }
0xcb: {  	s0 =	sor.u32 s1, s0  }
0xcc: {  	s0 =	sadd.s32 $0x8F2B, s0  }
0xcd: {  	[sflag:s0] =	ssyncadd.remote.s32 $0x1  }
0xce: {  	_ =	sfence.sel $0xFFFF  }
0xcf: {  	[dreg:$0x0] =	wrdreg $0xFFFFFFFF;
	(pc) =	sbr.abs _section_cstart, $3  }
0xd0: {  	[dreg:$0x1] =	wrdreg $0xFFFFFFFF  }
0xd1: {  	_ =	task.clear_ibuf [dreg:s22], $0x2FFFF;
	_ =	strace $0x9FFFFFFF  }
0xd2: {  	(tm) =	ssettm $0x7FFFFFFF  }
0xd3: {  	_ =	shalt  }
tec
execute0_lowered:
.L_overlay_start_1:
0x0: {  	(tag) =	ssettag $0x1  }
0x1: {  	s1 =	rddreg [dreg:$0x0]  }
0x2: {  	s2 =	rddreg [dreg:$0x1]  }
0x3: {  	s3 =	rddreg [dreg:$0x2];
	s4 =	simm.s32 $0x0;
	s0 =	srdreg.scid  }
0x4: {  	s11 =	stileid.u32;
	s14 =	simm.s32 $0x1D268;
	s15 =	simm.s32 $0x2  }
0x5: {  	s16 =	simm.s32 $0x1B968;
	s17 =	simm.s32 $0x1B008;
	s18 =	simm.s32 $0x1B198  }
0x6: {  	s19 =	simm.s32 $0x1B328;
	s20 =	simm.s32 $0x1;
	s21 =	simm.s32 $0x190  }
0x7: {  	s22 =	simm.s32 $0x1B4B8;
	s23 =	simm.s32 $0x1B7D8;
	s24 =	simm.s32 $0x1B648  }
0x8: {  	s25 =	simm.s32 $0x1DA68;
	[smem:$0x7FF] =	sst s4;
	s29 =	smul.u32 $0x6C000, s11  }
0x9: {  	s6 =	sadd.s32 $0xA000, s2;
	s8 =	sand.u32 $0x1, s0;
	s13 =	smul.u32 $0x1B000, s11  }
0xa: {  	s7 =	sadd.s32 $0x5000, s2;
	s5 =	ssub.s32 $0x2, s8;
	s12 =	smul.u32 $0x510000, s8  }
0xb: {  	s9 =	sadd.s32 $0x72C00, s2;
	_ =	strace $0x8000004D;
	s10 =	sshrl.u32 s5, $0x1  }
0xc: {  	s0 =	sshrl.u32 s29, $0x2;
	s5 =	ssub.s32 s5, s10;
	s31 =	sadd.s32 s13, s12  }
0xd: {  	s10 =	smul.u32 $0x2710, s11;
	s30 =	smax.u32 s5, $0x1;
	[dreg:$0x5] =	wrdreg s31  }
0xe: {  	v0 =	vimm.f32 $0.0e+00;
	s11 =	sadd.s32 s0, s3;
	s5 =	simm.s32 $0x0;
	[dreg:$0x4] =	wrdreg s30  }
.LBB2_1:
0xf: {  	[dreg:$0x6] =	wrdreg s5;
	s0 =	simm.s32 $0x40;
	s5 =	simm.s32 $0x0  }
.LBB2_2:
0x10: {  	p0 =	sne.s32 s0, $0x1FC0;
	[tilespmem:s5+$0x1D268] =	vst v0;
	s5 =	smov.u32 s0;
	s0 =	sadd.s32 $0x40, s0  }
.Ltmp0:
0x11: {  	(pc) =	sbr.rel @p0 .LBB2_2-.Ltmp0, $2  }
0x12: {  	_ =	sdelay $0x2  }
0x13: {  	s5 =	sshra.s32 s5, $0x2  }
0x14: {  	[tilespmem:s5+$0x1D268] =	vst v0;
	s28 =	simm.s32 $0x0;
	s29 =	rddreg [dreg:$0x5]  }
.LBB2_4:
0x15: {  	s0 =	sshrl.u32 s28, $0x2  }
0x16: {  	s12 =	sadd.s32 $0x0, s11;
	s5 =	smul.u32 $0x26D0000, s0  }
0x17: {  	[spmem:s12] =	stream.linear.scatter [tilespmem:s14], [sflag:$0x2], $0x800, $0x38;
	[tilespmem:$0x1E268] =	vst v63  }
0x18: {  	_ =	swait.ge [sflag:s15], $0x800;
	s30 =	ssub.s32 s29, s5;
	s5 =	simm.s32 $0x2000  }
.LBB2_5:
0x19: {  	s12 =	sshra.s32 s5, $0x2;
	[sflag:s15] =	ssyncset.done $0x0;
	p0 =	sne.s32 s5, $0x6A000  }
.Ltmp1:
0x1a: {  	s12 =	sadd.s32 s12, s11;
	[sflag:s15] =	ssyncadd.s32 $0xFFFFF800;
	(pc) =	sbr.rel @p0 .LBB2_5-.Ltmp1, $3  }
0x1b: {  	[spmem:s12] =	stream.linear.scatter [tilespmem:s14], [sflag:$0x2], $0x800, $0x38;
	[tilespmem:$0x1E268] =	vst v63  }
0x1c: {  	s5 =	sadd.s32 $0x2000, s5;
	_ =	sdelay $0x1  }
0x1d: {  	_ =	swait.ge [sflag:s15], $0x800  }
0x1e: {  	[sflag:s15] =	ssyncset.done $0x0;
	s5 =	sshll.u32 s28, $0x1  }
0x1f: {  	s12 =	sshll.u32 s0, $0x3;
	s26 =	smul.u32 $0x1B000, s0;
	s5 =	sor.u32 s8, s5  }
0x20: {  	s0 =	simm.s32 $0x0;
	[sflag:s15] =	ssyncadd.s32 $0xFFFFF800;
	s5 =	ssub.s32 s5, s12  }
0x21: {  	[bflag:$0x0] =	sbarrier.arrive $0xFFFF;
	v1 =	vmov s26;
	s31 =	smul.u32 $0x271000, s5;
	s5 =	simm.s32 $0x0  }
.LBB2_7:
0x22: {  	s12 =	smul.u32 $0x190, s5;
	_ =	sdelay $0x1  }
0x23: {  	s12 =	sadd.s32 s10, s12  }
0x24: {  	s13 =	sshll.u32 s12, $0x4  }
0x25: {  	s13 =	sadd.s32 s31, s13  }
0x26: {  	s13 =	sshrl.u32 s13, $0x3  }
0x27: {  	s12 =	sshrl.u32 s12, $0x3;
	s13 =	sadd.s32 s1, s13  }
0x28: {  	[tilespmem:s16], [sflag:$0x1] =	stream.linear.gather [hbm4b:s13+s0], $0x1900, $0x38;
	[tilespmem:$0x1E268] =	vst v63  }
0x29: {  	s26 =	sadd.s32 s6, s12  }
0x2a: {  	[tilespmem:s17], [sflag:$0x1] =	stream.linear.gather [hbm4b:s26+s0], $0x190, $0x38;
	[tilespmem:$0x1E268] =	vst v63  }
0x2b: {  	s26 =	sadd.s32 s7, s12  }
0x2c: {  	[tilespmem:s18], [sflag:$0x1] =	stream.linear.gather [hbm4b:s26+s0], $0x190, $0x38;
	[tilespmem:$0x1E268] =	vst v63  }
0x2d: {  	s12 =	sadd.s32 s2, s12  }
0x2e: {  	[tilespmem:s19], [sflag:$0x1] =	stream.linear.gather [hbm4b:s12+s0], $0x190, $0x38;
	[tilespmem:$0x1E268] =	vst v63  }
0x2f: {  	_ =	swait.ge [sflag:s20], $0x190  }
0x30: {  	[sflag:s20] =	ssyncset.done $0x0  }
0x31: {  	s12 =	simm.s32 $0x0;
	[sflag:s20] =	ssyncadd.s32 $0xFFFFFE70  }
0x32: {  	v2 =	vld [tilespmem:s12+$0x1B008]  }
0x33: {  	s13 =	simm.s32 $0x40  }
.LBB2_8:
0x34: {  	p0 =	sne.s32 s13, $0x600  }
.Ltmp2:
0x35: {  	_ = 	snop;
	(pc) =	sbr.rel @p0 .LBB2_8-.Ltmp2, $4  }
0x36: {  	_ = 	snop  }
0x37: {  	s26 =	sshra.s32 s13, $0x2;
	s13 =	sadd.s32 $0x40, s13;
	v3 =	vsub.s32 v2, v1  }
0x38: {  	v2 =	vld [tilespmem:s26+$0x1B008];
	v3 =	vmin.u32 v3, $0x1B000  }
0x39: {  	[tilespmem:s12+$0x1B4B8] =	vst v3;
	s12 =	smov.u32 s26  }
0x3a: {  	_ =	sdelay $0x2  }
0x3b: {  	v2 =	vsub.s32 v2, v1  }
0x3c: {  	v2 =	vmin.u32 v2, $0x1B000  }
0x3d: {  	[tilespmem:s12+$0x1B4B8] =	vst v2  }
0x3e: {  	_ =	swait.ge [sflag:s20], $0x190  }
0x3f: {  	[sflag:s20] =	ssyncset.done $0x0  }
0x40: {  	s12 =	simm.s32 $0x0;
	[sflag:s20] =	ssyncadd.s32 $0xFFFFFE70  }
0x41: {  	v2 =	vld [tilespmem:s12+$0x1B198]  }
0x42: {  	s13 =	simm.s32 $0x40  }
.LBB2_10:
0x43: {  	p0 =	sne.s32 s13, $0x600  }
.Ltmp3:
0x44: {  	_ = 	snop;
	(pc) =	sbr.rel @p0 .LBB2_10-.Ltmp3, $4  }
0x45: {  	_ = 	snop  }
0x46: {  	s26 =	sshra.s32 s13, $0x2;
	s13 =	sadd.s32 $0x40, s13;
	v3 =	vsub.s32 v2, v1  }
0x47: {  	v2 =	vld [tilespmem:s26+$0x1B198];
	v3 =	vmin.u32 v3, $0x1B000  }
0x48: {  	[tilespmem:s12+$0x1B648] =	vst v3;
	s12 =	smov.u32 s26  }
0x49: {  	_ =	sdelay $0x2  }
0x4a: {  	v2 =	vsub.s32 v2, v1  }
0x4b: {  	v2 =	vmin.u32 v2, $0x1B000  }
0x4c: {  	[tilespmem:s12+$0x1B648] =	vst v2  }
0x4d: {  	_ =	swait.ge [sflag:s20], $0x190  }
0x4e: {  	[sflag:s20] =	ssyncset.done $0x0  }
0x4f: {  	s12 =	simm.s32 $0x0;
	[sflag:s20] =	ssyncadd.s32 $0xFFFFFE70  }
0x50: {  	v2 =	vld [tilespmem:s12+$0x1B328]  }
0x51: {  	s13 =	simm.s32 $0x40  }
.LBB2_12:
0x52: {  	p0 =	sne.s32 s13, $0x600  }
.Ltmp4:
0x53: {  	_ = 	snop;
	(pc) =	sbr.rel @p0 .LBB2_12-.Ltmp4, $4  }
0x54: {  	_ = 	snop  }
0x55: {  	s26 =	sshra.s32 s13, $0x2;
	s13 =	sadd.s32 $0x40, s13;
	v3 =	vsub.s32 v2, v1  }
0x56: {  	v2 =	vld [tilespmem:s26+$0x1B328];
	v3 =	vmin.u32 v3, $0x1B000  }
0x57: {  	[tilespmem:s12+$0x1B7D8] =	vst v3;
	s12 =	smov.u32 s26  }
0x58: {  	_ =	sdelay $0x2  }
0x59: {  	v2 =	vsub.s32 v2, v1  }
0x5a: {  	v2 =	vmin.u32 v2, $0x1B000  }
0x5b: {  	[tilespmem:s12+$0x1B7D8] =	vst v2  }
0x5c: {  	_ =	swait.ge [sflag:s20], $0x1900  }
0x5d: {  	[sflag:s20] =	ssyncset.done $0x0  }
0x5e: {  	[sflag:s20] =	ssyncadd.s32 $0xFFFFE700  }
0x5f: {  	[spmem:s3] =	stream.indirect.scatter.add.f32 [tilespmem:s16], [sflag:$0x2], $0x10, s22, s21, $0xb8;
	[tilespmem:$0x1E268] =	vst v63  }
0x60: {  	_ =	swait.ge [sflag:s15], $0x1900  }
0x61: {  	[sflag:s15] =	ssyncset.done $0x0  }
0x62: {  	[sflag:s15] =	ssyncadd.s32 $0xFFFFE700  }
0x63: {  	[spmem:s3] =	stream.indirect.scatter.add.f32 [tilespmem:s16], [sflag:$0x2], $0x10, s23, s21, $0xb8;
	[tilespmem:$0x1E268] =	vst v63  }
0x64: {  	_ =	swait.ge [sflag:s15], $0x1900  }
0x65: {  	[sflag:s15] =	ssyncset.done $0x0  }
0x66: {  	s12 =	simm.s32 $0x0;
	[sflag:s15] =	ssyncadd.s32 $0xFFFFE700  }
0x67: {  	v5 =	vld [tilespmem:s12+$0x1B968]  }
0x68: {  	v7 =	vld [tilespmem:s12+$0x1B978]  }
0x69: {  	v6 =	vld [tilespmem:s12+$0x1B988]  }
0x6a: {  	v4 =	vld [tilespmem:s12+$0x1B998]  }
0x6b: {  	v2 =	vld [tilespmem:s12+$0x1B9A8]  }
0x6c: {  	v3 =	vld [tilespmem:s12+$0x1B9B8];
	v8 =	vsub.f32 $0.0e+00, v5  }
0x6d: {  	s13 =	simm.s32 $0x200;
	v7 =	vsub.f32 $0.0e+00, v7;
	v5 =	vld [tilespmem:s12+$0x1B9C8]  }
.LBB2_14:
0x6e: {  	s26 =	sshra.s32 s13, $0x2;
	p0 =	sne.s32 s13, $0x6200;
	[tilespmem:s12+$0x1B968] =	vst v8;
	v6 =	vsub.f32 $0.0e+00, v6;
	v8 =	vld [tilespmem:s12+$0x1B9D8]  }
0x6f: {  	v9 =	vld [tilespmem:s26+$0x1B968];
	[tilespmem:s12+$0x1B978] =	vst v7;
	v4 =	vsub.f32 $0.0e+00, v4  }
0x70: {  	v7 =	vld [tilespmem:s26+$0x1B978];
	[tilespmem:s12+$0x1B988] =	vst v6;
	v2 =	vsub.f32 $0.0e+00, v2  }
.Ltmp5:
0x71: {  	v6 =	vld [tilespmem:s26+$0x1B988];
	[tilespmem:s12+$0x1B998] =	vst v4;
	v3 =	vsub.f32 $0.0e+00, v3;
	(pc) =	sbr.rel @p0 .LBB2_14-.Ltmp5, $4  }
0x72: {  	v4 =	vld [tilespmem:s26+$0x1B998];
	[tilespmem:s12+$0x1B9A8] =	vst v2;
	v5 =	vsub.f32 $0.0e+00, v5  }
0x73: {  	v2 =	vld [tilespmem:s26+$0x1B9A8];
	[tilespmem:s12+$0x1B9B8] =	vst v3;
	v10 =	vsub.f32 $0.0e+00, v8  }
0x74: {  	v8 =	vsub.f32 $0.0e+00, v9;
	v3 =	vld [tilespmem:s26+$0x1B9B8];
	[tilespmem:s12+$0x1B9C8] =	vst v5  }
0x75: {  	s13 =	sadd.s32 $0x200, s13;
	v7 =	vsub.f32 $0.0e+00, v7;
	v5 =	vld [tilespmem:s26+$0x1B9C8];
	[tilespmem:s12+$0x1B9D8] =	vst v10;
	s12 =	smov.u32 s26  }
0x76: {  	[tilespmem:s12+$0x1B968] =	vst v8;
	v6 =	vsub.f32 $0.0e+00, v6;
	v63 =	vld [tilespmem:s12+$0x1B9D8]  }
0x77: {  	[tilespmem:s12+$0x1B978] =	vst v7;
	v4 =	vsub.f32 $0.0e+00, v4  }
0x78: {  	[tilespmem:s12+$0x1B988] =	vst v6;
	v2 =	vsub.f32 $0.0e+00, v2  }
0x79: {  	[tilespmem:s12+$0x1B998] =	vst v4;
	v3 =	vsub.f32 $0.0e+00, v3  }
0x7a: {  	[tilespmem:s12+$0x1B9A8] =	vst v2;
	v2 =	vsub.f32 $0.0e+00, v5  }
0x7b: {  	s5 =	sadd.s32 $0x1, s5;
	[tilespmem:s12+$0x1B9B8] =	vst v3;
	v3 =	vsub.f32 $0.0e+00, v63  }
0x7c: {  	p0 =	sne.s32 s5, $0x19;
	[tilespmem:s12+$0x1B9C8] =	vst v2  }
.Ltmp6:
0x7d: {  	[tilespmem:s12+$0x1B9D8] =	vst v3;
	(pc) =	sbr.rel @p0 .LBB2_7-.Ltmp6, $4  }
0x7e: {  	[spmem:s3] =	stream.indirect.scatter.add.f32 [tilespmem:s16], [sflag:$0x2], $0x10, s24, s21, $0xb8;
	[tilespmem:$0x1E268] =	vst v63  }
0x7f: {  	_ =	swait.ge [sflag:s15], $0x1900  }
0x80: {  	[sflag:s15] =	ssyncset.done $0x0  }
0x81: {  	[sflag:s15] =	ssyncadd.s32 $0xFFFFE700  }
0x82: {  	[bflag:$0x0] =	sbarrier.arrive $0xFFFF  }
0x83: {  	[tilespmem:s25], [sflag:$0x2] =	stream.linear.gather [spmem:s11], $0x800, $0x38;
	[tilespmem:$0x1E268] =	vst v63  }
0x84: {  	s0 =	sadd.s32 $0x0, s30;
	_ =	swait.ge [sflag:s15], $0x800  }
0x85: {  	s0 =	sshrl.u32 s0, $0x3;
	[sflag:s15] =	ssyncset.done $0x0  }
0x86: {  	s0 =	sadd.s32 s9, s0;
	[sflag:s15] =	ssyncadd.s32 $0xFFFFF800  }
0x87: {  	[hbm4b:s0+s4] =	stream.linear.scatter [tilespmem:s25], [sflag:$0x2], $0x800, $0x38;
	[tilespmem:$0x1E268] =	vst v63  }
0x88: {  	_ =	swait.ge [sflag:s15], $0x800  }
0x89: {  	s5 =	smov.u32 s11;
	s0 =	simm.s32 $0x800;
	[sflag:s15] =	ssyncset.done $0x0  }
.LBB2_17:
0x8a: {  	p0 =	sne.s32 s0, $0x1A800;
	[sflag:s15] =	ssyncadd.s32 $0xFFFFF800;
	s5 =	sadd.s32 $0x800, s5  }
0x8b: {  	[tilespmem:s25], [sflag:$0x2] =	stream.linear.gather [spmem:s5], $0x800, $0x38;
	[tilespmem:$0x1E268] =	vst v63  }
0x8c: {  	s12 =	sadd.s32 s0, s30;
	s0 =	sadd.s32 $0x800, s0;
	_ =	swait.ge [sflag:s15], $0x800  }
.Ltmp7:
0x8d: {  	s12 =	sshrl.u32 s12, $0x3;
	[sflag:s15] =	ssyncset.done $0x0;
	(pc) =	sbr.rel @p0 .LBB2_17-.Ltmp7, $4  }
0x8e: {  	s12 =	sadd.s32 s9, s12;
	[sflag:s15] =	ssyncadd.s32 $0xFFFFF800  }
0x8f: {  	[hbm4b:s12+s4] =	stream.linear.scatter [tilespmem:s25], [sflag:$0x2], $0x800, $0x38;
	[tilespmem:$0x1E268] =	vst v63  }
0x90: {  	_ =	swait.ge [sflag:s15], $0x800  }
0x91: {  	[sflag:s15] =	ssyncset.done $0x0  }
0x92: {  	s28 =	sadd.s32 $0x1, s28  }
0x93: {  	p0 =	sne.s32 s28, $0xC  }
.Ltmp8:
0x94: {  	_ = 	snop;
	(pc) =	sbr.rel @p0 .LBB2_4-.Ltmp8, $4  }
0x95: {  	_ = 	snop  }
0x96: {  	[sflag:s15] =	ssyncadd.s32 $0xFFFFF800  }
0x97: {  	[bflag:$0x0] =	sbarrier.arrive $0xFFFF  }
0x98: {  	s29 =	sadd.s32 $0xA20000, s29  }
0x99: {  	s5 =	rddreg [dreg:$0x6]  }
0x9a: {  	s0 =	rddreg [dreg:$0x4];
	s5 =	sadd.s32 $0x1, s5  }
0x9b: {  	p0 =	sne.s32 s5, s0  }
.Ltmp9:
0x9c: {  	_ = 	snop;
	(pc) =	sbr.rel @p0 .LBB2_1-.Ltmp9, $1  }
0x9d: {  	_ =	sdelay $0x3  }
0x9e: {  	_ =	sfence.sel $0x180000  }
0x9f: {  	[bflag:$0x0] =	sbarrier.arrive $0xFFFF  }
0xa0: {  	_ =	strace $0x9000004D  }
0xa1: {  	s0 =	stileid.u32;
	[bflag:$0x2] =	sbarrier.arrive $0xFFFF  }
0xa2: {  	p0 =	sne.s32 s0, $0x0;
	s0 =	rddreg [dreg:$0x3]  }
0xa3: {  	s0 =	sadd.s32 @!p0 $0x100000, s0  }
0xa4: {  	[sflag:s0] =	ssyncadd.tile.s32 @!p0 $0x1;
	_ =	shalt  }
.Lfunc_end2:
_tile_overlayer_lowered:
.L_overlay_start_2:
0xa5: {  	(tag) =	ssettag $0x2  }
0xa6: {  	s0 =	rddreg [dreg:$0x0];
	s2 =	stileid.u32  }
0xa7: {  	s1 =	rddreg [dreg:$0x1];
	p0 =	sne.s32 s2, $0x0  }
0xa8: {  	s3 =	rddreg [dreg:$0x2];
	[bflag:$0x3] =	sbarrier.arrive $0xFFFF;
	s2 =	simm.s32 @!p0 $0x1C02  }
0xa9: {  	[timem:s3], [sflag:s2] =	dma.local @!p0 [hbm:s0], s1  }
0xaa: {  	s0 =	simm.s32 @!p0 $0x2  }
0xab: {  	_ =	swait.ge @!p0 [sflag:s0], s1  }
0xac: {  	s1 =	ssub.s32 @!p0 $0x0, s1;
	[sflag:s0] =	ssyncset.done @!p0 $0x0  }
0xad: {  	[sflag:s0] =	ssyncadd.s32 @!p0 s1  }
0xae: {  	[bflag:$0x3] =	sbarrier.arrive $0xFFFF  }
0xaf: {  	_ =	shalt  }

// kernel: kernel.7.cloned.1.call-start
scs
__scs_entry_jumppad:
0x0: {  	(pc) =	sbr.rel $0x88, $3  }
0x1: {  	(tag) =	ssettag $0x0;
	lr =	simm.s32 $0x1  }
0x2: {  	[smem:$0x3F9B] =	sst lr;
	_ =	strace $0xD0000000  }
0x3: {  	_ = 	snop  }
0x4: {  	_ = 	snop  }
0x5: {  	_ = 	snop  }
0x6: {  	_ = 	snop  }
0x7: {  	_ = 	snop  }
__scs_overlays_trampoline_lowered:
0x8: {  	[smem:$0x3FAA] =	sst s0  }
0x9: {  	[smem:$0x3FAB] =	sst s1  }
0xa: {  	[smem:$0x3FAC] =	sst s2  }
0xb: {  	[smem:$0x3FAD] =	sst s3  }
0xc: {  	[smem:$0x3FAE] =	sst s4  }
0xd: {  	[smem:$0x3FAF] =	sst s5  }
0xe: {  	[smem:$0x3FB0] =	sst s6  }
0xf: {  	[smem:$0x3FB1] =	sst s7  }
0x10: {  	[smem:$0x3FB2] =	sst s8  }
0x11: {  	[smem:$0x3FB3] =	sst s9;
	s0 =	simm.s32 @!p0 $0x0  }
0x12: {  	s1 =	sld [smem:$0x3F99];
	s0 =	simm.s32 @p0 $0x1  }
0x13: {  	[smem:$0x3FB4] =	sst s0;
	s0 =	simm.s32 @!p1 $0x0  }
0x14: {  	s2 =	sld [smem:$0x3F98];
	s0 =	simm.s32 @p1 $0x1  }
0x15: {  	[smem:$0x3FB5] =	sst s0;
	s0 =	simm.s32 @!p2 $0x0  }
0x16: {  	s3 =	sld [smem:$0x3FDB];
	s0 =	simm.s32 @p2 $0x1  }
0x17: {  	s4 =	simm.s32 $0x1BF5;
	[smem:$0x3FB7] =	sst s0  }
0x18: {  	s0 =	sld [smem:$0x3F9A];
	_ =	swait.ge [sflag:s4], $0x0  }
0x19: {  	s7 =	sld [smem:$0x3F9B]  }
0x1a: {  	s8 =	sadd.s32 $0xFFFFE003, lr  }
0x1b: {  	s9 =	sadd.s32 $0xFFFFFEF7, lr;
	s5 =	simm.s32 $0xFFFFFFFF;
	p2 =	slt.u32 s8, $0xFFFFF086  }
0x1c: {  	p1 =	slt.u32 s9, $0xF7A;
	s5 =	simm.s32 @!p2 $0x0  }
0x1d: {  	s5 =	simm.s32 @p1 $0x1;
	p0 =	seq.s32 s7, s2  }
0x1e: {  	s7 =	smul.u32 @!p0 $0xF7A, s2;
	p2 =	seq.s32 @!p0 s5, $0x0  }
0x1f: {  	s9 =	smul.u32 $0xF7A, s1;
	s8 =	simm.s32 @!p0 $0x1BF5;
	p2 =	por !p2, p0  }
0x20: {  	[sflag:s8] =	ssyncset.s32 @!p0 $0xFFFFF086;
	s6 =	sadd.s32 @!p0 s3, s7;
	s7 =	simm.s32 @!p0 $0x108  }
0x21: {  	s3 =	sadd.s32 s3, s9;
	s6 =	sadd.s32 @!p0 $0x88, s6;
	s7 =	simm.s32 @p2 $0x1082  }
0x22: {  	[simem:s7], [sflag:s8] =	dma.local @!p0 [hbm:s6], $0xF7A  }
0x23: {  	s9 =	sor.u32 $0xD0000000, s2;
	s6 =	simm.s32 $0x108;
	_ =	swait.ge @!p0 [sflag:s8], $0x0  }
0x24: {  	s3 =	sadd.s32 $0x88, s3;
	s6 =	simm.s32 @!p1 $0x1082;
	[sflag:s4] =	ssyncset.s32 $0xFFFFF086  }
0x25: {  	[simem:s6], [sflag:s4] =	dma.local [hbm:s3], $0xF7A  }
0x26: {  	[smem:$0x3F9B] =	sst s1;
	(tag) =	ssettag s2;
	_ =	strace s9  }
0x27: {  	s1 =	sld [smem:$0x3FAB]  }
0x28: {  	s2 =	sld [smem:$0x3FAC]  }
0x29: {  	s4 =	sld [smem:$0x3FAE]  }
0x2a: {  	p0 =	seq.s32 s5, $0x0;
	s5 =	sld [smem:$0x3FAF]  }
0x2b: {  	s6 =	sld [smem:$0x3FB0]  }
0x2c: {  	s7 =	sld [smem:$0x3FB1]  }
0x2d: {  	s3 =	simm.s32 $0x108;
	s8 =	sld [smem:$0x3FB2]  }
0x2e: {  	s3 =	simm.s32 @!p0 $0x1082;
	s9 =	sld [smem:$0x3FB3]  }
0x2f: {  	lr =	sadd.s32 s0, s3;
	s0 =	sld [smem:$0x3FAA]  }
0x30: {  	s3 =	sld [smem:$0x3FAD]  }
0x31: {  	[smem:$0x3FB6] =	sst s10  }
0x32: {  	s10 =	sld [smem:$0x3FB4];
	_ =	sdelay $0x3  }
0x33: {  	p0 =	seq.s32 s10, $0x1;
	s10 =	sld [smem:$0x3FB6];
	_ =	sdelay $0x3  }
0x34: {  	[smem:$0x3FB6] =	sst s10  }
0x35: {  	s10 =	sld [smem:$0x3FB5];
	_ =	sdelay $0x3  }
0x36: {  	p1 =	seq.s32 s10, $0x1;
	s10 =	sld [smem:$0x3FB6];
	_ =	sdelay $0x3  }
0x37: {  	[smem:$0x3FB6] =	sst s10  }
0x38: {  	s10 =	sld [smem:$0x3FB7]  }
0x39: {  	_ = 	snop;
	(pc) =	sbr.ind lr, $3  }
0x3a: {  	_ = 	snop  }
0x3b: {  	_ = 	snop  }
0x3c: {  	p2 =	seq.s32 s10, $0x1;
	s10 =	sld [smem:$0x3FB6]  }
0x3d: {  	_ =	shalt  }
0x3e: {  	_ =	shalt  }
0x3f: {  	_ =	shalt  }
0x40: {  	_ =	shalt  }
0x41: {  	_ =	shalt  }
0x42: {  	_ =	shalt  }
0x43: {  	_ =	shalt  }
0x44: {  	_ =	shalt  }
0x45: {  	_ =	shalt  }
0x46: {  	_ =	shalt  }
0x47: {  	_ =	shalt  }
0x48: {  	_ =	shalt  }
0x49: {  	_ =	shalt  }
0x4a: {  	_ =	shalt  }
0x4b: {  	_ =	shalt  }
0x4c: {  	_ =	shalt  }
0x4d: {  	_ =	shalt  }
0x4e: {  	_ =	shalt  }
0x4f: {  	_ =	shalt  }
0x50: {  	_ =	shalt  }
0x51: {  	_ =	shalt  }
0x52: {  	_ =	shalt  }
0x53: {  	_ =	shalt  }
0x54: {  	_ =	shalt  }
0x55: {  	_ =	shalt  }
0x56: {  	_ =	shalt  }
0x57: {  	_ =	shalt  }
0x58: {  	_ =	shalt  }
0x59: {  	_ =	shalt  }
0x5a: {  	_ =	shalt  }
0x5b: {  	_ =	shalt  }
0x5c: {  	_ =	shalt  }
0x5d: {  	_ =	shalt  }
0x5e: {  	_ =	shalt  }
0x5f: {  	_ =	shalt  }
0x60: {  	_ =	shalt  }
0x61: {  	_ =	shalt  }
0x62: {  	_ =	shalt  }
0x63: {  	_ =	shalt  }
0x64: {  	_ =	shalt  }
0x65: {  	_ =	shalt  }
0x66: {  	_ =	shalt  }
0x67: {  	_ =	shalt  }
0x68: {  	_ =	shalt  }
0x69: {  	_ =	shalt  }
0x6a: {  	_ =	shalt  }
0x6b: {  	_ =	shalt  }
0x6c: {  	_ =	shalt  }
0x6d: {  	_ =	shalt  }
0x6e: {  	_ =	shalt  }
0x6f: {  	_ =	shalt  }
0x70: {  	_ =	shalt  }
0x71: {  	_ =	shalt  }
0x72: {  	_ =	shalt  }
0x73: {  	_ =	shalt  }
0x74: {  	_ =	shalt  }
0x75: {  	_ =	shalt  }
0x76: {  	_ =	shalt  }
0x77: {  	_ =	shalt  }
0x78: {  	_ =	shalt  }
0x79: {  	_ =	shalt  }
0x7a: {  	_ =	shalt  }
0x7b: {  	_ =	shalt  }
0x7c: {  	_ =	shalt  }
0x7d: {  	_ =	shalt  }
0x7e: {  	_ =	shalt  }
0x7f: {  	_ =	shalt  }
0x80: {  	_ =	shalt  }
0x81: {  	_ =	shalt  }
0x82: {  	_ =	shalt  }
0x83: {  	_ =	shalt  }
0x84: {  	_ =	shalt  }
0x85: {  	_ =	shalt  }
0x86: {  	_ =	shalt  }
0x87: {  	_ =	shalt  }
.Lfunc_end0:
.L_simem_size_0:
called_computation_lowered:
.L_overlay_start_0:
0x88: {  	s2 =	sld [smem:$0x3FD9]  }
0x89: {  	s3 =	sld [smem:$0x3FFE];
	_ =	sdelay $0x1  }
0x8a: {  	s1 =	srdreg.scid  }
0x8b: {  	s0 =	sand.u32 $0x1, s1  }
0x8c: {  	s17 =	sshll.u32 s0, $0xA;
	s2 =	sadd.s32 s3, s2  }
0x8d: {  	s2 =	sadd.s32 s2, s17  }
0x8e: {  	[smem:$0x3FC2] =	sst s2  }
0x8f: {  	_ = 	snop  }
0x90: {  	s18 =	sld [smem:$0x3FC9];
	(tm) =	ssettm $0x1  }
0x91: {  	s19 =	sld [smem:$0x3FFB];
	_ =	sdelay $0x3  }
0x92: {  	_ =	strace s19  }
0x93: {  	s2 =	sld [smem:$0x3FFC];
	_ =	sdelay $0x3  }
0x94: {  	_ =	strace s2  }
0x95: {  	s2 =	sld [smem:$0x3FFD];
	_ =	sdelay $0x3  }
0x96: {  	_ =	strace s2  }
0x97: {  	_ =	strace $0x8FFFFFFF  }
0x98: {  	s20 =	sld [smem:$0x3FDB];
	_ =	sdelay $0x1  }
0x99: {  	s4 =	simm.s32 $_scs_section_size  }
0x9a: {  	s5 =	simm.s32 $_size__tile_overlayer_lowered;
	s6 =	simm.s32 $_tile_overlayer_lowered  }
0x9b: {  	s7 =	simm.s32 $0x1BFF;
	s21 =	sshll.u32 s6, $0x1;
	s4 =	sadd.s32 s4, s20  }
0x9c: {  	s22 =	simm.s32 $0x0;
	s5 =	sshll.u32 s5, $0x1;
	s6 =	sadd.s32 s21, s4  }
0x9d: {  	[timem:s22], [sflag:s7] =	dma.local [hbm:s6], s5  }
0x9e: {  	_ =	swait.ge [sflag:s7], s5  }
0x9f: {  	s5 =	ssub.s32 $0x0, s5;
	[sflag:s7] =	ssyncset.done $0x0  }
0xa0: {  	[sflag:s7] =	ssyncadd.s32 s5;
	_ =	sdelay $0x1  }
0xa1: {  	s23 =	simm.s32 $0x1B8B  }
0xa2: {  	_ =	swait.ge [sflag:s23], $0x1  }
0xa3: {  	[sflag:s23] =	ssyncset.done $0x0  }
0xa4: {  	[sflag:s23] =	ssyncadd.s32 $0xFFFFFFFF  }
0xa5: {  	s5 =	sld [smem:$0x0]  }
0xa6: {  	s6 =	sand.u32 $0xFFFFFFFE, s1  }
0xa7: {  	p0 =	sne.s32 s1, s6  }
0xa8: {  	s6 =	sshll.u32 @p0 s6, $0xE  }
0xa9: {  	s6 =	sadd.s32 @p0 $0x11B8D, s6;
	s7 =	sshll.u32 @p0 s5, $0x11  }
0xaa: {  	s6 =	sor.u32 @p0 s7, s6  }
0xab: {  	[sflag:s6] =	ssyncadd.remote.s32 @p0 $0x1;
	_ =	sdelay $0x1  }
0xac: {  	s6 =	simm.s32 @p0 $0x1B8D  }
0xad: {  	_ =	swait.eq @p0 [sflag:s6], $0x1  }
0xae: {  	[sflag:s6] =	ssyncadd.s32 @p0 $0xFFFFFFFF  }
0xaf: {  	s7 =	sshll.u32 @!p0 s1, $0xE  }
0xb0: {  	s7 =	sor.u32 @!p0 $0x4000, s7;
	s6 =	simm.s32 @!p0 $0x1B8D  }
0xb1: {  	s5 =	sshll.u32 @!p0 s5, $0x11;
	s7 =	sadd.s32 @!p0 $0x11B8D, s7;
	_ =	swait.eq @!p0 [sflag:s6], $0x1  }
0xb2: {  	s5 =	sor.u32 @!p0 s5, s7;
	[sflag:s6] =	ssyncadd.s32 @!p0 $0xFFFFFFFF  }
0xb3: {  	s25 =	simm.s32 $0x1B8E;
	s24 =	sld [smem:$0x3FFE];
	[sflag:s5] =	ssyncadd.remote.s32 @!p0 $0x1  }
0xb4: {  	s26 =	simm.s32 $execute0_lowered;
	[smem:$0x3FD2] =	sst s25  }
0xb5: {  	s6 =	sshll.u32 s26, $0x1;
	_ =	strace $0x80000049;
	[dreg:$0x1] =	wrdreg $0xFFFFFFFF  }
0xb6: {  	s28 =	simm.s32 $_size_execute0_lowered;
	s4 =	sadd.s32 s4, s6;
	[dreg:$0x0] =	wrdreg $0x0  }
0xb7: {  	s6 =	sshll.u32 s28, $0x1;
	[dreg:$0x2] =	wrdreg s4  }
0xb8: {  	[dreg:$0x3] =	wrdreg s6  }
0xb9: {  	[dreg:$0x4] =	wrdreg $0xC0  }
0xba: {  	_ =	task [dreg:s22], $0x5FFFF  }
0xbb: {  	[dreg:$0x1] =	wrdreg $0xFFFFFFFF  }
0xbc: {  	[dreg:$0x0] =	wrdreg $0x60  }
0xbd: {  	[dreg:$0x2] =	wrdreg s18  }
0xbe: {  	[dreg:$0x3] =	wrdreg s24  }
0xbf: {  	[dreg:$0x4] =	wrdreg $0x0  }
0xc0: {  	[dreg:$0x5] =	wrdreg $0x9  }
0xc1: {  	_ =	task.clear_ibuf [dreg:s22], $0x6FFFF;
	_ =	strace $0x90000049  }
0xc2: {  	s29 =	simm.s32 $0x9;
	_ =	strace $0x8000004B  }
0xc3: {  	_ =	swait.ge [sflag:s29], $0x1  }
0xc4: {  	[sflag:s29] =	ssyncadd.s32 $0xFFFFFFFF  }
0xc5: {  	_ =	strace $0x9000004B  }
0xc6: {  	_ =	sfence  }
0xc7: {  	s30 =	sld [smem:$0x0];
	_ =	sdelay $0x2  }
0xc8: {  	s31 =	sshll.u32 s1, $0xD;
	s1 =	sshrl.u32 s1, $0x2  }
0xc9: {  	s4 =	sand.u32 $0x4000, s31;
	s1 =	sadd.s32 s1, s30  }
0xca: {  	s0 =	sor.u32 s4, s0;
	s1 =	sshll.u32 s1, $0x11  }
0xcb: {  	s0 =	sor.u32 s1, s0  }
0xcc: {  	s0 =	sadd.s32 $0x8F2B, s0  }
0xcd: {  	[sflag:s0] =	ssyncadd.remote.s32 $0x1  }
0xce: {  	_ =	sfence.sel $0xFFFF  }
0xcf: {  	[dreg:$0x0] =	wrdreg $0xFFFFFFFF;
	(pc) =	sbr.abs _section_cstart, $3  }
0xd0: {  	[dreg:$0x1] =	wrdreg $0xFFFFFFFF  }
0xd1: {  	_ =	task.clear_ibuf [dreg:s22], $0x2FFFF;
	_ =	strace $0x9FFFFFFF  }
0xd2: {  	(tm) =	ssettm $0x7FFFFFFF  }
0xd3: {  	_ =	shalt  }
tec
execute0_lowered:
.L_overlay_start_1:
0x0: {  	(tag) =	ssettag $0x1  }
0x1: {  	s1 =	rddreg [dreg:$0x0]  }
0x2: {  	s0 =	rddreg [dreg:$0x1]  }
0x3: {  	s2 =	rddreg [dreg:$0x2];
	s4 =	simm.s32 $0x0;
	s3 =	srdreg.scid  }
0x4: {  	s11 =	stileid.u32;
	s28 =	simm.s32 $0x14200;
	s29 =	simm.s32 $0x1  }
0x5: {  	s30 =	simm.s32 $0xC8;
	s31 =	simm.s32 $0x0;
	[smem:$0x7FF] =	sst s4  }
0x6: {  	s5 =	sadd.s32 $0x18E00, s0;
	s3 =	sand.u32 $0x1, s3;
	s8 =	smul.u32 $0x50000, s11  }
0x7: {  	s7 =	sshll.u32 s11, $0x1;
	s6 =	sadd.s32 $0xF000, s0;
	s20 =	smul.u32 $0x14000, s11  }
0x8: {  	s7 =	sor.u32 s3, s7;
	s9 =	ssub.s32 $0x2, s3;
	s3 =	smul.u32 $0x140000, s3  }
0x9: {  	s0 =	sadd.s32 $0x22C00, s0;
	_ =	strace $0x8000004A;
	s7 =	smul.u32 $0x2710, s7  }
0xa: {  	s10 =	sshrl.u32 s9, $0x1;
	s8 =	sshrl.u32 s8, $0x2;
	s15 =	sadd.s32 $0x4000, s20  }
0xb: {  	s17 =	sadd.s32 $0x8000, s20;
	s19 =	sadd.s32 $0xC000, s20;
	s9 =	ssub.s32 s9, s10  }
0xc: {  	s8 =	sadd.s32 s8, s2;
	s23 =	sadd.s32 s3, s20;
	s16 =	sadd.s32 s3, s15  }
0xd: {  	s15 =	sadd.s32 s15, s2;
	s25 =	sadd.s32 s3, s17;
	s17 =	sadd.s32 s17, s2  }
0xe: {  	s26 =	sadd.s32 s3, s19;
	s10 =	sadd.s32 $0x10000, s20;
	s19 =	sadd.s32 s19, s2  }
0xf: {  	s9 =	smax.u32 s9, $0x1;
	s21 =	sadd.s32 $0x4000, s8;
	s22 =	sadd.s32 $0x8000, s8  }
0x10: {  	s12 =	sadd.s32 $0xC000, s8;
	s13 =	sadd.s32 $0x10000, s8;
	[dreg:$0x4] =	wrdreg s9  }
0x11: {  	s24 =	sshrl.u32 s16, $0x3;
	s3 =	sadd.s32 s3, s10;
	[dreg:$0x5] =	wrdreg s21  }
0x12: {  	[dreg:$0x6] =	wrdreg s22;
	s9 =	sshrl.u32 s23, $0x3;
	s16 =	sadd.s32 s0, s24  }
0x13: {  	s21 =	sadd.s32 s10, s2;
	s3 =	sshrl.u32 s3, $0x3;
	s23 =	simm.s32 $0x1A600  }
0x14: {  	s24 =	simm.s32 $0x2;
	s14 =	sadd.s32 s0, s9;
	s9 =	sshrl.u32 s25, $0x3  }
0x15: {  	s22 =	sadd.s32 s0, s3;
	s18 =	sadd.s32 s0, s9;
	s9 =	sshrl.u32 s26, $0x3  }
0x16: {  	v0 =	vimm.f32 $0.0e+00;
	s25 =	simm.s32 $0x14000;
	s26 =	simm.s32 $0x14100;
	s20 =	sadd.s32 s0, s9  }
.LBB2_1:
0x17: {  	s0 =	simm.s32 $0x0;
	s3 =	simm.s32 $0x200  }
.LBB2_2:
0x18: {  	p0 =	sne.s32 s3, $0xFE00;
	[tilespmem:s0+$0x1A670] =	vst v0  }
0x19: {  	[tilespmem:s0+$0x1A600] =	vst v0  }
0x1a: {  	[tilespmem:s0+$0x1A610] =	vst v0  }
.Ltmp0:
0x1b: {  	[tilespmem:s0+$0x1A620] =	vst v0;
	(pc) =	sbr.rel @p0 .LBB2_2-.Ltmp0, $4  }
0x1c: {  	[tilespmem:s0+$0x1A630] =	vst v0  }
0x1d: {  	[tilespmem:s0+$0x1A640] =	vst v0  }
0x1e: {  	[tilespmem:s0+$0x1A650] =	vst v0  }
0x1f: {  	[tilespmem:s0+$0x1A660] =	vst v0;
	s0 =	sshra.s32 s3, $0x2;
	s3 =	sadd.s32 $0x200, s3  }
0x20: {  	[tilespmem:s0+$0x1A670] =	vst v0  }
0x21: {  	[tilespmem:s0+$0x1A600] =	vst v0  }
0x22: {  	[tilespmem:s0+$0x1A610] =	vst v0  }
0x23: {  	[tilespmem:s0+$0x1A620] =	vst v0  }
0x24: {  	[tilespmem:s0+$0x1A630] =	vst v0  }
0x25: {  	[tilespmem:s0+$0x1A640] =	vst v0  }
0x26: {  	[tilespmem:s0+$0x1A650] =	vst v0  }
0x27: {  	[tilespmem:s0+$0x1A660] =	vst v0  }
0x28: {  	[spmem:s8] =	stream.linear.scatter [tilespmem:s23], [sflag:$0x2], $0x4000, $0x38;
	[tilespmem:$0x1E600] =	vst v63  }
0x29: {  	_ =	swait.ge [sflag:s24], $0x4000  }
0x2a: {  	[sflag:s24] =	ssyncset.done $0x0  }
0x2b: {  	s10 =	rddreg [dreg:$0x5];
	[sflag:s24] =	ssyncadd.s32 $0xFFFFC000  }
0x2c: {  	[spmem:s10] =	stream.linear.scatter [tilespmem:s23], [sflag:$0x2], $0x4000, $0x38;
	[tilespmem:$0x1E600] =	vst v63  }
0x2d: {  	_ =	swait.ge [sflag:s24], $0x4000  }
0x2e: {  	[sflag:s24] =	ssyncset.done $0x0  }
0x2f: {  	s11 =	rddreg [dreg:$0x6];
	[sflag:s24] =	ssyncadd.s32 $0xFFFFC000  }
0x30: {  	[spmem:s11] =	stream.linear.scatter [tilespmem:s23], [sflag:$0x2], $0x4000, $0x38;
	[tilespmem:$0x1E600] =	vst v63  }
0x31: {  	_ =	swait.ge [sflag:s24], $0x4000  }
0x32: {  	[sflag:s24] =	ssyncset.done $0x0  }
0x33: {  	[sflag:s24] =	ssyncadd.s32 $0xFFFFC000  }
0x34: {  	[spmem:s12] =	stream.linear.scatter [tilespmem:s23], [sflag:$0x2], $0x4000, $0x38;
	[tilespmem:$0x1E600] =	vst v63  }
0x35: {  	_ =	swait.ge [sflag:s24], $0x4000  }
0x36: {  	[sflag:s24] =	ssyncset.done $0x0  }
0x37: {  	[sflag:s24] =	ssyncadd.s32 $0xFFFFC000  }
0x38: {  	[spmem:s13] =	stream.linear.scatter [tilespmem:s23], [sflag:$0x2], $0x4000, $0x38;
	[tilespmem:$0x1E600] =	vst v63  }
0x39: {  	_ =	swait.ge [sflag:s24], $0x4000  }
0x3a: {  	[sflag:s24] =	ssyncset.done $0x0  }
0x3b: {  	[sflag:s24] =	ssyncadd.s32 $0xFFFFC000  }
0x3c: {  	s0 =	simm.s32 $0x0;
	s3 =	simm.s32 $0x0;
	[bflag:$0x0] =	sbarrier.arrive $0xFFFF  }
.LBB2_4:
0x3d: {  	s9 =	smul.u32 $0xC8, s3;
	_ =	sdelay $0x1  }
0x3e: {  	s9 =	sadd.s32 s7, s9  }
0x3f: {  	s10 =	sshrl.u32 s9, $0x3  }
0x40: {  	s11 =	sadd.s32 s5, s10  }
0x41: {  	[tilespmem:s25], [sflag:$0x2] =	stream.linear.gather [hbm4b:s11+s0], $0xC8, $0x38;
	[tilespmem:$0x1E600] =	vst v63  }
0x42: {  	_ =	swait.ge [sflag:s24], $0xC8  }
0x43: {  	[sflag:s24] =	ssyncset.done $0x0  }
0x44: {  	s10 =	sadd.s32 s6, s10;
	[sflag:s24] =	ssyncadd.s32 $0xFFFFFF38  }
0x45: {  	[tilespmem:s26], [sflag:$0x2] =	stream.linear.gather [hbm4b:s10+s0], $0xC8, $0x38;
	[tilespmem:$0x1E600] =	vst v63  }
0x46: {  	_ =	swait.ge [sflag:s24], $0xC8  }
0x47: {  	s9 =	sshll.u32 s9, $0x4;
	[sflag:s24] =	ssyncset.done $0x0  }
0x48: {  	s9 =	sadd.s32 s1, s9;
	[sflag:s24] =	ssyncadd.s32 $0xFFFFFF38  }
0x49: {  	[tilespmem:s28], [sflag:$0x1] =	stream.linear.gather [hbm4b:s9+s0], $0x6400, $0x38;
	[tilespmem:$0x1E600] =	vst v63  }
0x4a: {  	_ =	swait.ge [sflag:s29], $0x6400  }
0x4b: {  	[sflag:s29] =	ssyncset.done $0x0  }
0x4c: {  	[sflag:s29] =	ssyncadd.s32 $0xFFFF9C00  }
0x4d: {  	[spmem:s2] =	stream.indirect.scatter.add.f32 [tilespmem:s28], [sflag:$0x2], $0x80, s26, s30, $0xb8;
	[tilespmem:$0x1E600] =	vst v63  }
0x4e: {  	_ =	swait.ge [sflag:s24], $0x6400  }
0x4f: {  	[sflag:s24] =	ssyncset.done $0x0  }
0x50: {  	s9 =	simm.s32 $0x0;
	[sflag:s24] =	ssyncadd.s32 $0xFFFF9C00  }
0x51: {  	v4 =	vld [tilespmem:s9+$0x14200]  }
0x52: {  	v6 =	vld [tilespmem:s9+$0x14210]  }
0x53: {  	v5 =	vld [tilespmem:s9+$0x14220]  }
0x54: {  	v3 =	vld [tilespmem:s9+$0x14230]  }
0x55: {  	v1 =	vld [tilespmem:s9+$0x14240]  }
0x56: {  	v2 =	vld [tilespmem:s9+$0x14250];
	v7 =	vsub.f32 $0.0e+00, v4  }
0x57: {  	s10 =	simm.s32 $0x200;
	v6 =	vsub.f32 $0.0e+00, v6;
	v4 =	vld [tilespmem:s9+$0x14260]  }
.LBB2_5:
0x58: {  	s11 =	sshra.s32 s10, $0x2;
	p0 =	sne.s32 s10, $0x18E00;
	[tilespmem:s9+$0x14200] =	vst v7;
	v5 =	vsub.f32 $0.0e+00, v5;
	v7 =	vld [tilespmem:s9+$0x14270]  }
0x59: {  	v8 =	vld [tilespmem:s11+$0x14200];
	[tilespmem:s9+$0x14210] =	vst v6;
	v3 =	vsub.f32 $0.0e+00, v3  }
0x5a: {  	v6 =	vld [tilespmem:s11+$0x14210];
	[tilespmem:s9+$0x14220] =	vst v5;
	v1 =	vsub.f32 $0.0e+00, v1  }
.Ltmp1:
0x5b: {  	v5 =	vld [tilespmem:s11+$0x14220];
	[tilespmem:s9+$0x14230] =	vst v3;
	v2 =	vsub.f32 $0.0e+00, v2;
	(pc) =	sbr.rel @p0 .LBB2_5-.Ltmp1, $4  }
0x5c: {  	v3 =	vld [tilespmem:s11+$0x14230];
	[tilespmem:s9+$0x14240] =	vst v1;
	v4 =	vsub.f32 $0.0e+00, v4  }
0x5d: {  	v1 =	vld [tilespmem:s11+$0x14240];
	[tilespmem:s9+$0x14250] =	vst v2;
	v9 =	vsub.f32 $0.0e+00, v7  }
0x5e: {  	v7 =	vsub.f32 $0.0e+00, v8;
	v2 =	vld [tilespmem:s11+$0x14250];
	[tilespmem:s9+$0x14260] =	vst v4  }
0x5f: {  	s10 =	sadd.s32 $0x200, s10;
	v6 =	vsub.f32 $0.0e+00, v6;
	v4 =	vld [tilespmem:s11+$0x14260];
	[tilespmem:s9+$0x14270] =	vst v9;
	s9 =	smov.u32 s11  }
0x60: {  	[tilespmem:s9+$0x14200] =	vst v7;
	v5 =	vsub.f32 $0.0e+00, v5;
	v63 =	vld [tilespmem:s9+$0x14270]  }
0x61: {  	[tilespmem:s9+$0x14210] =	vst v6;
	v3 =	vsub.f32 $0.0e+00, v3  }
0x62: {  	[tilespmem:s9+$0x14220] =	vst v5;
	v1 =	vsub.f32 $0.0e+00, v1  }
0x63: {  	[tilespmem:s9+$0x14230] =	vst v3;
	v2 =	vsub.f32 $0.0e+00, v2  }
0x64: {  	[tilespmem:s9+$0x14240] =	vst v1;
	v1 =	vsub.f32 $0.0e+00, v4  }
0x65: {  	s3 =	sadd.s32 $0x1, s3;
	[tilespmem:s9+$0x14250] =	vst v2;
	v2 =	vsub.f32 $0.0e+00, v63  }
0x66: {  	p0 =	sne.s32 s3, $0x32;
	[tilespmem:s9+$0x14260] =	vst v1  }
.Ltmp2:
0x67: {  	[tilespmem:s9+$0x14270] =	vst v2;
	(pc) =	sbr.rel @p0 .LBB2_4-.Ltmp2, $4  }
0x68: {  	[spmem:s2] =	stream.indirect.scatter.add.f32 [tilespmem:s28], [sflag:$0x2], $0x80, s25, s30, $0xb8;
	[tilespmem:$0x1E600] =	vst v63  }
0x69: {  	_ =	swait.ge [sflag:s24], $0x6400  }
0x6a: {  	[sflag:s24] =	ssyncset.done $0x0  }
0x6b: {  	[sflag:s24] =	ssyncadd.s32 $0xFFFF9C00  }
0x6c: {  	[bflag:$0x0] =	sbarrier.arrive $0xFFFF  }
0x6d: {  	[tilespmem:s23], [sflag:$0x2] =	stream.linear.gather [spmem:s8], $0x4000, $0x38;
	[tilespmem:$0x1E600] =	vst v63  }
0x6e: {  	_ =	swait.ge [sflag:s24], $0x4000  }
0x6f: {  	[sflag:s24] =	ssyncset.done $0x0  }
0x70: {  	[sflag:s24] =	ssyncadd.s32 $0xFFFFC000  }
0x71: {  	[hbm4b:s14+s4] =	stream.linear.scatter [tilespmem:s23], [sflag:$0x2], $0x4000, $0x38;
	[tilespmem:$0x1E600] =	vst v63  }
0x72: {  	_ =	swait.ge [sflag:s24], $0x4000  }
0x73: {  	[sflag:s24] =	ssyncset.done $0x0  }
0x74: {  	[sflag:s24] =	ssyncadd.s32 $0xFFFFC000  }
0x75: {  	[tilespmem:s23], [sflag:$0x2] =	stream.linear.gather [spmem:s15], $0x4000, $0x38;
	[tilespmem:$0x1E600] =	vst v63  }
0x76: {  	_ =	swait.ge [sflag:s24], $0x4000  }
0x77: {  	[sflag:s24] =	ssyncset.done $0x0  }
0x78: {  	[sflag:s24] =	ssyncadd.s32 $0xFFFFC000  }
0x79: {  	[hbm4b:s16+s4] =	stream.linear.scatter [tilespmem:s23], [sflag:$0x2], $0x4000, $0x38;
	[tilespmem:$0x1E600] =	vst v63  }
0x7a: {  	_ =	swait.ge [sflag:s24], $0x4000  }
0x7b: {  	[sflag:s24] =	ssyncset.done $0x0  }
0x7c: {  	[sflag:s24] =	ssyncadd.s32 $0xFFFFC000  }
0x7d: {  	[tilespmem:s23], [sflag:$0x2] =	stream.linear.gather [spmem:s17], $0x4000, $0x38;
	[tilespmem:$0x1E600] =	vst v63  }
0x7e: {  	_ =	swait.ge [sflag:s24], $0x4000  }
0x7f: {  	[sflag:s24] =	ssyncset.done $0x0  }
0x80: {  	[sflag:s24] =	ssyncadd.s32 $0xFFFFC000  }
0x81: {  	[hbm4b:s18+s4] =	stream.linear.scatter [tilespmem:s23], [sflag:$0x2], $0x4000, $0x38;
	[tilespmem:$0x1E600] =	vst v63  }
0x82: {  	_ =	swait.ge [sflag:s24], $0x4000  }
0x83: {  	[sflag:s24] =	ssyncset.done $0x0  }
0x84: {  	[sflag:s24] =	ssyncadd.s32 $0xFFFFC000  }
0x85: {  	[tilespmem:s23], [sflag:$0x2] =	stream.linear.gather [spmem:s19], $0x4000, $0x38;
	[tilespmem:$0x1E600] =	vst v63  }
0x86: {  	_ =	swait.ge [sflag:s24], $0x4000  }
0x87: {  	[sflag:s24] =	ssyncset.done $0x0  }
0x88: {  	[sflag:s24] =	ssyncadd.s32 $0xFFFFC000  }
0x89: {  	[hbm4b:s20+s4] =	stream.linear.scatter [tilespmem:s23], [sflag:$0x2], $0x4000, $0x38;
	[tilespmem:$0x1E600] =	vst v63  }
0x8a: {  	_ =	swait.ge [sflag:s24], $0x4000  }
0x8b: {  	[sflag:s24] =	ssyncset.done $0x0  }
0x8c: {  	[sflag:s24] =	ssyncadd.s32 $0xFFFFC000  }
0x8d: {  	[tilespmem:s23], [sflag:$0x2] =	stream.linear.gather [spmem:s21], $0x4000, $0x38;
	[tilespmem:$0x1E600] =	vst v63  }
0x8e: {  	_ =	swait.ge [sflag:s24], $0x4000  }
0x8f: {  	[sflag:s24] =	ssyncset.done $0x0  }
0x90: {  	[sflag:s24] =	ssyncadd.s32 $0xFFFFC000  }
0x91: {  	[hbm4b:s22+s4] =	stream.linear.scatter [tilespmem:s23], [sflag:$0x2], $0x4000, $0x38;
	[tilespmem:$0x1E600] =	vst v63  }
0x92: {  	_ =	swait.ge [sflag:s24], $0x4000  }
0x93: {  	s31 =	sadd.s32 $0x1, s31;
	s0 =	rddreg [dreg:$0x4]  }
0x94: {  	p0 =	sne.s32 s31, s0  }
.Ltmp3:
0x95: {  	_ = 	snop;
	(pc) =	sbr.rel @p0 .LBB2_1-.Ltmp3, $3  }
0x96: {  	_ =	sdelay $0x1  }
0x97: {  	[sflag:s24] =	ssyncset.done $0x0  }
0x98: {  	[sflag:s24] =	ssyncadd.s32 $0xFFFFC000  }
0x99: {  	_ =	sfence.sel $0x180000  }
0x9a: {  	[bflag:$0x0] =	sbarrier.arrive $0xFFFF  }
0x9b: {  	_ =	strace $0x9000004A  }
0x9c: {  	s0 =	stileid.u32;
	[bflag:$0x2] =	sbarrier.arrive $0xFFFF  }
0x9d: {  	p0 =	sne.s32 s0, $0x0;
	s0 =	rddreg [dreg:$0x3]  }
0x9e: {  	s0 =	sadd.s32 @!p0 $0x100000, s0  }
0x9f: {  	[sflag:s0] =	ssyncadd.tile.s32 @!p0 $0x1;
	_ =	shalt  }
.Lfunc_end2:
_tile_overlayer_lowered:
.L_overlay_start_2:
0xa0: {  	(tag) =	ssettag $0x2  }
0xa1: {  	s0 =	rddreg [dreg:$0x0];
	s2 =	stileid.u32  }
0xa2: {  	s1 =	rddreg [dreg:$0x1];
	p0 =	sne.s32 s2, $0x0  }
0xa3: {  	s3 =	rddreg [dreg:$0x2];
	[bflag:$0x3] =	sbarrier.arrive $0xFFFF;
	s2 =	simm.s32 @!p0 $0x1C02  }
0xa4: {  	[timem:s3], [sflag:s2] =	dma.local @!p0 [hbm:s0], s1  }
0xa5: {  	s0 =	simm.s32 @!p0 $0x2  }
0xa6: {  	_ =	swait.ge @!p0 [sflag:s0], s1  }
0xa7: {  	s1 =	ssub.s32 @!p0 $0x0, s1;
	[sflag:s0] =	ssyncset.done @!p0 $0x0  }
0xa8: {  	[sflag:s0] =	ssyncadd.s32 @!p0 s1  }
0xa9: {  	[bflag:$0x3] =	sbarrier.arrive $0xFFFF  }
0xaa: {  	_ =	shalt  }

</sc_bundles>
